<compile_context>
chip_gen: v7x
topology: tpu7x:2x2x1
jax: 0.10.2.dev20260603
libtpu: 0.0.44.dev20260713+nightly
codegen_flags: <defaults>
</compile_context>

<pallas_src>
import functools

import jax
import jax.numpy as jnp
from jax import lax
from jax.experimental import pallas as pl
from jax.experimental.pallas import tpu as pltpu
from jax.experimental.pallas import tpu_sc as plsc

N = 10000
NP = 10240
D = 128
E = 320000
NC, NS = 2, 16
CHT = 160
EP = CHT * NS * 128
ER = EP // 128
RPT = NP // NS
DUMMY = N

def _sc_prep_body(xpad, perm2, edges2, ones128, zrows,
                  x2_out, outdeg_out, indeg_out,
                  degacc, idx_v, ones_v, pidx_v, xbuf, sd):
    c = lax.axis_index("c")
    s = lax.axis_index("s")
    w = c * NS + s

    pltpu.sync_copy(zrows, degacc.at[pl.ds(s * RPT, RPT)])
    plsc.subcore_barrier()

    pltpu.sync_copy(ones128, ones_v)

    def deg_batch(b, carry):
        pltpu.sync_copy(edges2.at[c, pl.ds(s * CHT + b * IB, IB)], idx_v)

        def fire(j, carry2):
            pltpu.async_copy(ones_v, degacc.at[idx_v.at[j]], sd, add=True)
            return carry2
        lax.fori_loop(0, IB, fire, 0)

        def drain(j, carry2):
            pltpu.make_async_copy(ones_v, degacc.at[idx_v.at[0]], sd).wait()
            return carry2
        return lax.fori_loop(0, IB, drain, carry)
    lax.fori_loop(0, NB, deg_batch, 0)

    pltpu.sync_copy(xpad.at[pl.ds(w * (NP // 32), NP // 32)],
                    x2_out.at[pl.ds(w * (NP // 32), NP // 32)])
    pltpu.sync_copy(perm2.at[w], pidx_v)

    def xp_body(k, carry):
        chunk = w * 5 + k
        pltpu.sync_copy(xpad.at[pidx_v.at[k]], xbuf)
        pltpu.sync_copy(xbuf, x2_out.at[pl.ds(NP + chunk * 64, 64)])
        return carry
    lax.fori_loop(0, 5, xp_body, 0)

    plsc.subcore_barrier()

    @pl.when(c == 0)
    def _():
        pltpu.sync_copy(degacc.at[pl.ds(s * RPT, RPT)],
                        outdeg_out.at[pl.ds(s * RPT, RPT)])

    @pl.when(c == 1)
    def _():
        pltpu.sync_copy(degacc.at[pl.ds(s * RPT, RPT)],
                        indeg_out.at[pl.ds(s * RPT, RPT)])


@functools.cache
def _get_sc_prep():
    mesh = plsc.VectorSubcoreMesh(
        core_axis_name="c", subcore_axis_name="s",
        num_cores=NC, num_subcores=NS)
    return pl.kernel(
        _sc_prep_body,
        out_type=[
            jax.ShapeDtypeStruct((2 * NP, D), jnp.float32),
            jax.ShapeDtypeStruct((NP, D), jnp.float32),
            jax.ShapeDtypeStruct((NP, D), jnp.float32),
        ],
        mesh=mesh,
        scratch_types=[
            pltpu.VMEM_SHARED((NP, D), jnp.float32),
            pltpu.VMEM((IB, 128), jnp.int32),
            pltpu.VMEM((128, D), jnp.float32),
            pltpu.VMEM((5, 64), jnp.int32),
            pltpu.VMEM((64, D), jnp.float32),
            pltpu.SemaphoreType.DMA,
        ],
    )


IB = 16
NB = CHT // IB


def _sc_scatter_body(table, src3, dst2, zrows, agg_out,
                     acc, src_v, dst_v, buf0, buf1,
                     g0, g1, g2, g3, g4, g5, g6, g7, ss0, ss1):
    sgs0 = [g0, g1, g2, g3]
    sgs1 = [g4, g5, g6, g7]
    c = lax.axis_index("c")
    s = lax.axis_index("s")

    pltpu.sync_copy(zrows, acc.at[pl.ds(s * RPT, RPT)])
    plsc.subcore_barrier()

    def gath(g, q, buf, sem):
        pltpu.async_copy(table.at[src_v.at[g]],
                         buf.at[pl.ds(q * 32, 32)], sem)

    def wait_gath(q, buf, sem):
        pltpu.make_async_copy(table.at[src_v.at[0]],
                              buf.at[pl.ds(q * 32, 32)], sem).wait()

    def scat(m, buf, sem):
        pltpu.async_copy(buf, acc.at[dst_v.at[m]], sem, add=True)

    def wait_scat(buf, sem):
        pltpu.make_async_copy(buf, acc.at[dst_v.at[0]], sem).wait()

    def batch(b, carry):
        pltpu.sync_copy(src3.at[c, pl.ds(s * 4 * CHT + b * 4 * IB, 4 * IB)],
                        src_v)
        pltpu.sync_copy(dst2.at[pl.ds(s * CHT + b * IB, IB)], dst_v)
        for q in range(4):
            gath(q, q, buf0, sgs0[q])
            gath(4 + q, q, buf1, sgs1[q])

        def body(k, carry2):
            m = 2 * k
            for q in range(4):
                wait_gath(q, buf0, sgs0[q])
            scat(m, buf0, ss0)
            for q in range(4):
                wait_gath(q, buf1, sgs1[q])
            scat(m + 1, buf1, ss1)

            @pl.when(m + 2 < IB)
            def _():
                wait_scat(buf0, ss0)
                for q in range(4):
                    gath(4 * (m + 2) + q, q, buf0, sgs0[q])

            @pl.when(m + 3 < IB)
            def _():
                wait_scat(buf1, ss1)
                for q in range(4):
                    gath(4 * (m + 3) + q, q, buf1, sgs1[q])
            return carry2
        r = lax.fori_loop(0, IB // 2, body, carry)
        wait_scat(buf0, ss0)
        wait_scat(buf1, ss1)
        return r
    lax.fori_loop(0, NB, batch, 0)

    plsc.subcore_barrier()
    pltpu.sync_copy(acc.at[pl.ds(s * RPT, RPT)],
                    agg_out.at[pl.ds(c * NP + s * RPT, RPT)])


@functools.cache
def _get_sc_scatter():
    mesh = plsc.VectorSubcoreMesh(
        core_axis_name="c", subcore_axis_name="s",
        num_cores=NC, num_subcores=NS)
    return pl.kernel(
        _sc_scatter_body,
        out_type=jax.ShapeDtypeStruct((2 * NP, D), jnp.float32),
        mesh=mesh,
        scratch_types=[
            pltpu.VMEM_SHARED((NP, D), jnp.float32),
            pltpu.VMEM((4 * IB, 32), jnp.int32),
            pltpu.VMEM((IB, 128), jnp.int32),
            pltpu.VMEM((128, D), jnp.float32),
            pltpu.VMEM((128, D), jnp.float32),
        ] + [pltpu.SemaphoreType.DMA] * 10,
    )


BM = 256
GRID = (2 * NP) // BM


def _tc_stage1(x_ref, od_ref, w_ref, o_ref):
    ns = lax.rsqrt(jnp.maximum(od_ref[:, 0:1], 1.0))
    o_ref[...] = jnp.dot(x_ref[...] * ns, w_ref[...],
                         preferred_element_type=jnp.float32)


def _tc_stage2(agg_ref, id_ref, od_ref, b_ref, a_ref, w_ref, o_ref):
    nd = lax.rsqrt(jnp.maximum(id_ref[:, 0:1], 1.0))
    t = agg_ref[...] * nd + b_ref[...]
    p = jnp.maximum(t, 0.0) + a_ref[...] * jnp.minimum(t, 0.0)
    ns = lax.rsqrt(jnp.maximum(od_ref[:, 0:1], 1.0))
    o_ref[...] = jnp.dot(p * ns, w_ref[...],
                         preferred_element_type=jnp.float32)


BM3 = 2048


def _tc_stage3(agg_ref, id_ref, b_ref, a_ref, mwt_ref, mb_ref, o_ref):
    nd = lax.rsqrt(jnp.maximum(id_ref[:, 0:1], 1.0))
    t = agg_ref[...] * nd + b_ref[...]
    p = jnp.maximum(t, 0.0) + a_ref[...] * jnp.minimum(t, 0.0)
    q = jnp.dot(p, mwt_ref[...], preferred_element_type=jnp.float32)
    q = q + mb_ref[...]
    o_ref[...] = jnp.sum(q, axis=1).reshape(BM3 // BM, BM)


def _row_spec():
    return pl.BlockSpec((BM, D), lambda i: (i, 0))


def _deg_spec():
    return pl.BlockSpec((BM, D), lambda i: (i % (NP // BM), 0))


def _full(shape):
    return pl.BlockSpec(shape, lambda i: tuple(0 for _ in shape))


def _stage1(x2, outdeg, W1):
    return pl.pallas_call(
        _tc_stage1, grid=(GRID,),
        in_specs=[_row_spec(), _deg_spec(), _full((D, D))],
        out_specs=_row_spec(),
        out_shape=jax.ShapeDtypeStruct((2 * NP, D), jnp.float32),
    )(x2, outdeg, W1)


def _stage2(agg, indeg, outdeg, b, a, W2):
    return pl.pallas_call(
        _tc_stage2, grid=(GRID,),
        in_specs=[_row_spec(), _deg_spec(), _deg_spec(),
                  _full((1, D)), _full((1, D)), _full((D, D))],
        out_specs=_row_spec(),
        out_shape=jax.ShapeDtypeStruct((2 * NP, D), jnp.float32),
    )(agg, indeg, outdeg, b, a, W2)


def _stage3(agg, indeg, b, a, mW, mb):
    grid3 = (2 * NP) // BM3
    out = pl.pallas_call(
        _tc_stage3, grid=(grid3,),
        in_specs=[pl.BlockSpec((BM3, D), lambda i: (i, 0)),
                  pl.BlockSpec((BM3, D), lambda i: (i % (NP // BM3), 0)),
                  _full((1, D)), _full((1, D)), _full((D, D)), _full((1, D))],
        out_specs=pl.BlockSpec((BM3 // BM, BM), lambda i: (i, 0)),
        out_shape=jax.ShapeDtypeStruct((2 * NP // BM, BM), jnp.float32),
    )(agg, indeg, b, a, mW, mb)
    return out.reshape(-1)


def kernel(x, edge_index, W1, b1, W2, b2, prelu_a, mlp_W, mlp_b, batch_train):
    src = edge_index[0].astype(jnp.int32)
    dst = edge_index[1].astype(jnp.int32)
    pad = jnp.full((EP - E,), DUMMY, jnp.int32)
    srcp = jnp.concatenate([src, pad])
    dstp = jnp.concatenate([dst, pad])
    edges2 = jnp.stack([srcp, dstp]).reshape(2, ER, 128)
    src3 = jnp.stack([srcp, srcp + NP]).reshape(2, EP // 32, 32)
    dst2 = dstp.reshape(ER, 128)

    xpad = jnp.pad(x, ((0, NP - N), (0, 0)))
    perm = jax.random.permutation(jax.random.key(42), N).astype(jnp.int32)
    perm2 = jnp.concatenate([perm, jnp.zeros((NP - N,), jnp.int32)])
    perm2 = perm2.reshape(32, 5, 64)

    ones128 = jnp.ones((128, D), jnp.float32)
    zrows = jnp.zeros((RPT, D), jnp.float32)

    x2, outdeg, indeg = _get_sc_prep()(xpad, perm2, edges2, ones128, zrows)

    h1 = _stage1(x2, outdeg, W1)
    a1 = _get_sc_scatter()(h1, src3, dst2, zrows)
    h2 = _stage2(a1, indeg, outdeg, b1.reshape(1, D), prelu_a.reshape(1, D), W2)
    a2 = _get_sc_scatter()(h2, src3, dst2, zrows)
    lsum = _stage3(a2, indeg, b2.reshape(1, D), prelu_a.reshape(1, D),
                   mlp_W.T, mlp_b.reshape(1, D))

    return jnp.concatenate([lsum[:N], lsum[NP:NP + N]])

# --- scband reference (transcript-rebuilt; emitter-appended) ---
"""Pipeline reference for scband-dink-net-dgl-19026705121766 (READ-ONLY COPY).

The authoritative reference and input builder live on the scoring server;
editing this copy changes nothing except your own understanding.
"""

import jax, jax.numpy as jnp
import numpy as np

N = 10000
E = 320000
D_IN = 128
D_H = 128


def gcn_layer(h, src, dst, W, b, a):
    # DGL GraphConv with norm='both': D^{-1/2} A D^{-1/2} X W + b, then PReLU
    out_deg = jnp.zeros((N,), jnp.float32).at[src].add(1.0)
    norm_src = jnp.power(jnp.clip(out_deg, 1.0, None), -0.5)
    h = h * norm_src[:, None]
    h = h @ W
    agg = jnp.zeros((N, h.shape[1]), h.dtype).at[dst].add(h[src])
    in_deg = jnp.zeros((N,), jnp.float32).at[dst].add(1.0)
    norm_dst = jnp.power(jnp.clip(in_deg, 1.0, None), -0.5)
    rst = agg * norm_dst[:, None] + b
    # PReLU with per-channel parameter (shared across both layers, as in torch code)
    return jnp.maximum(rst, 0.0) + a * jnp.minimum(rst, 0.0)


def setup_inputs(seed: int = 0) -> dict:
    key = jax.random.key(seed)
    ks = jax.random.split(key, 9)
    x = jax.random.normal(ks[0], (N, D_IN), jnp.float32)
    edge_index = jax.random.randint(ks[1], (2, E), 0, N, dtype=jnp.int32)
    W1 = jax.random.normal(ks[2], (D_IN, D_H), jnp.float32) / np.sqrt(D_IN)
    b1 = jnp.zeros((D_H,), jnp.float32)
    W2 = jax.random.normal(ks[3], (D_H, D_H), jnp.float32) / np.sqrt(D_H)
    b2 = jnp.zeros((D_H,), jnp.float32)
    prelu_a = 0.25 * jnp.ones((D_H,), jnp.float32)
    mlp_W = jax.random.normal(ks[4], (D_H, D_H), jnp.float32) / np.sqrt(D_H)
    mlp_b = jnp.zeros((D_H,), jnp.float32)
    return {"x": x, "edge_index": edge_index, "W1": W1, "b1": b1, "W2": W2, "b2": b2, "prelu_a": prelu_a, "mlp_W": mlp_W, "mlp_b": mlp_b, "batch_train": 0}


def reference(x, edge_index, W1, b1, W2, b2, prelu_a, mlp_W, mlp_b, batch_train=0):
    src = edge_index[0]
    dst = edge_index[1]

    def encode(feat):
        h = gcn_layer(feat, src, dst, W1, b1, prelu_a)
        h = gcn_layer(h, src, dst, W2, b2, prelu_a)
        return h

    # z_1: clean branch; z_2: corrupted branch (row permutation of features)
    z1 = encode(x)
    perm = jax.random.permutation(jax.random.key(42), N)
    z2 = encode(x[perm])
    # projector MLP (1 linear layer); nn.Linear computes x @ W.T + b
    z1 = z1 @ mlp_W.T + mlp_b
    z2 = z2 @ mlp_W.T + mlp_b
    logit = jnp.concatenate([z1.sum(1), z2.sum(1)], axis=0)
    return logit

if __name__ == "__main__":
    import jax
    _d = setup_inputs()
    print(jax.jit(kernel)(*tuple(_d.values())))

</pallas_src>

<mosaic_0001>
#map = affine_map<(d0, d1) -> (0, 0)>
#map1 = affine_map<(d0, d1) -> (0, 0, 0)>
module attributes {stable_mosaic.version = 14 : i64} {
  func.func @_sc_scatter_body(%arg0: i32, %arg1: i32, %arg2: memref<20480x128xf32, #tpu.memory_space<hbm>>, %arg3: memref<2x10240x32xi32, #tpu.memory_space<hbm>>, %arg4: memref<2560x128xi32, #tpu.memory_space<hbm>>, %arg5: memref<640x128xf32, #tpu.memory_space<hbm>>, %arg6: memref<20480x128xf32, #tpu.memory_space<hbm>>, %arg7: memref<10240x128xf32, #tpu.memory_space<vmem_shared>>, %arg8: memref<64x32xi32, #tpu.memory_space<vmem>>, %arg9: memref<16x128xi32, #tpu.memory_space<vmem>>, %arg10: memref<128x128xf32, #tpu.memory_space<vmem>>, %arg11: memref<128x128xf32, #tpu.memory_space<vmem>>, %arg12: memref<!tpu.dma_semaphore, #tpu.memory_space<semaphore_mem>>, %arg13: memref<!tpu.dma_semaphore, #tpu.memory_space<semaphore_mem>>, %arg14: memref<!tpu.dma_semaphore, #tpu.memory_space<semaphore_mem>>, %arg15: memref<!tpu.dma_semaphore, #tpu.memory_space<semaphore_mem>>, %arg16: memref<!tpu.dma_semaphore, #tpu.memory_space<semaphore_mem>>, %arg17: memref<!tpu.dma_semaphore, #tpu.memory_space<semaphore_mem>>, %arg18: memref<!tpu.dma_semaphore, #tpu.memory_space<semaphore_mem>>, %arg19: memref<!tpu.dma_semaphore, #tpu.memory_space<semaphore_mem>>, %arg20: memref<!tpu.dma_semaphore, #tpu.memory_space<semaphore_mem>>, %arg21: memref<!tpu.dma_semaphore, #tpu.memory_space<semaphore_mem>>) attributes {dimension_semantics = [#tpu.dimension_semantics<core_parallel>, #tpu.dimension_semantics<subcore_parallel>], iteration_bounds = array<i64: 2, 16>, scalar_prefetch = 0 : i64, scratch_operands = 15 : i64, tpu.core_type = #tpu.core_type<sc_vector_subcore>, window_params = [{transform_indices = #map}, {transform_indices = #map1}, {transform_indices = #map}, {transform_indices = #map}, {transform_indices = #map}]} {
    %mul3A = arith.constant 640 : i32
    %mul3A_0 = arith.muli %arg1, %mul3A : i32
    "tpu.region"() ({
      %run_scoped3A = tpu.sem_alloc : memref<!tpu.dma_semaphore, #tpu.memory_space<semaphore_mem>>
      %dma_start3A = arith.constant 0 : i32
      %dma_start3A_13 = tpu.memref_slice %arg7[%mul3A_0, %dma_start3A] : memref<10240x128xf32, #tpu.memory_space<vmem_shared>> -> memref<640x128xf32, #tpu.memory_space<vmem_shared>>
      tpu.enqueue_dma source(%arg5 : memref<640x128xf32, #tpu.memory_space<hbm>>) target(%dma_start3A_13 : memref<640x128xf32, #tpu.memory_space<vmem_shared>>) target_semaphore(%run_scoped3A : memref<!tpu.dma_semaphore, #tpu.memory_space<semaphore_mem>>)
      %dma_wait3A = arith.constant 0 : i32
      %dma_wait3A_14 = tpu.memref_slice %arg7[%mul3A_0, %dma_wait3A] : memref<10240x128xf32, #tpu.memory_space<vmem_shared>> -> memref<640x128xf32, #tpu.memory_space<vmem_shared>>
      tpu.wait_dma2 semaphore(%run_scoped3A : memref<!tpu.dma_semaphore, #tpu.memory_space<semaphore_mem>>) src(%arg5 : memref<640x128xf32, #tpu.memory_space<hbm>>) dst(%dma_wait3A_14 : memref<640x128xf32, #tpu.memory_space<vmem_shared>>)
      tpu.yield
    }) : () -> ()
    %barrier3A = arith.constant 0 : index
    tpu.barrier barrier_id(%barrier3A)
    %scan3A = arith.constant 0 : i32
    %scan3A_1 = arith.constant 0 : i32
    %scan3A_2 = arith.constant 10 : i32
    %scan3A_3 = arith.addi %scan3A_1, %scan3A_2 : i32
    %scan3A_4 = arith.constant 1 : i32
    scf.for %scan3A_13 = %scan3A_1 to %scan3A_3 step %scan3A_4  : i32 {
      %mul3A_14 = arith.constant 4 : i32
      %mul3A_15 = arith.muli %arg1, %mul3A_14 : i32
      %mul3A_16 = arith.constant 160 : i32
      %mul3A_17 = arith.muli %mul3A_15, %mul3A_16 : i32
      %mul3A_18 = arith.constant 4 : i32
      %mul3A_19 = arith.muli %scan3A_13, %mul3A_18 : i32
      %mul3A_20 = arith.constant 16 : i32
      %mul3A_21 = arith.muli %mul3A_19, %mul3A_20 : i32
      %add3A_22 = arith.addi %mul3A_17, %mul3A_21 : i32
      "tpu.region"() ({
        %run_scoped3A = tpu.sem_alloc : memref<!tpu.dma_semaphore, #tpu.memory_space<semaphore_mem>>
        %dma_start3A_125 = arith.constant 0 : i32
        %dma_start3A_126 = tpu.memref_slice %arg3[%arg0, %add3A_22, %dma_start3A_125] : memref<2x10240x32xi32, #tpu.memory_space<hbm>> -> memref<1x64x32xi32, #tpu.memory_space<hbm>>
        %dma_start3A_127 = tpu.memref_squeeze %dma_start3A_126 : memref<1x64x32xi32, #tpu.memory_space<hbm>> -> memref<64x32xi32, #tpu.memory_space<hbm>>
        %dma_start3A_128 = arith.constant 0 : i32
        %dma_start3A_129 = tpu.memref_slice %arg3[%arg0, %add3A_22, %dma_start3A_128] : memref<2x10240x32xi32, #tpu.memory_space<hbm>> -> memref<1x64x32xi32, #tpu.memory_space<hbm>>
        %dma_start3A_130 = tpu.memref_squeeze %dma_start3A_129 : memref<1x64x32xi32, #tpu.memory_space<hbm>> -> memref<64x32xi32, #tpu.memory_space<hbm>>
        tpu.enqueue_dma source(%dma_start3A_130 : memref<64x32xi32, #tpu.memory_space<hbm>>) target(%arg8 : memref<64x32xi32, #tpu.memory_space<vmem>>) target_semaphore(%run_scoped3A : memref<!tpu.dma_semaphore, #tpu.memory_space<semaphore_mem>>)
        %dma_wait3A_131 = arith.constant 0 : i32
        %dma_wait3A_132 = tpu.memref_slice %arg3[%arg0, %add3A_22, %dma_wait3A_131] : memref<2x10240x32xi32, #tpu.memory_space<hbm>> -> memref<1x64x32xi32, #tpu.memory_space<hbm>>
        %dma_wait3A_133 = tpu.memref_squeeze %dma_wait3A_132 : memref<1x64x32xi32, #tpu.memory_space<hbm>> -> memref<64x32xi32, #tpu.memory_space<hbm>>
        %dma_wait3A_134 = arith.constant 0 : i32
        %dma_wait3A_135 = tpu.memref_slice %arg3[%arg0, %add3A_22, %dma_wait3A_134] : memref<2x10240x32xi32, #tpu.memory_space<hbm>> -> memref<1x64x32xi32, #tpu.memory_space<hbm>>
        %dma_wait3A_136 = tpu.memref_squeeze %dma_wait3A_135 : memref<1x64x32xi32, #tpu.memory_space<hbm>> -> memref<64x32xi32, #tpu.memory_space<hbm>>
        tpu.wait_dma2 semaphore(%run_scoped3A : memref<!tpu.dma_semaphore, #tpu.memory_space<semaphore_mem>>) src(%dma_wait3A_136 : memref<64x32xi32, #tpu.memory_space<hbm>>) dst(%arg8 : memref<64x32xi32, #tpu.memory_space<vmem>>)
        tpu.yield
      }) : () -> ()
      %mul3A_23 = arith.constant 160 : i32
      %mul3A_24 = arith.muli %arg1, %mul3A_23 : i32
      %mul3A_25 = arith.constant 16 : i32
      %mul3A_26 = arith.muli %scan3A_13, %mul3A_25 : i32
      %add3A_27 = arith.addi %mul3A_24, %mul3A_26 : i32
      "tpu.region"() ({
        %run_scoped3A = tpu.sem_alloc : memref<!tpu.dma_semaphore, #tpu.memory_space<semaphore_mem>>
        %dma_start3A_125 = arith.constant 0 : i32
        %dma_start3A_126 = tpu.memref_slice %arg4[%add3A_27, %dma_start3A_125] : memref<2560x128xi32, #tpu.memory_space<hbm>> -> memref<16x128xi32, #tpu.memory_space<hbm>>
        %dma_start3A_127 = arith.constant 0 : i32
        %dma_start3A_128 = tpu.memref_slice %arg4[%add3A_27, %dma_start3A_127] : memref<2560x128xi32, #tpu.memory_space<hbm>> -> memref<16x128xi32, #tpu.memory_space<hbm>>
        tpu.enqueue_dma source(%dma_start3A_128 : memref<16x128xi32, #tpu.memory_space<hbm>>) target(%arg9 : memref<16x128xi32, #tpu.memory_space<vmem>>) target_semaphore(%run_scoped3A : memref<!tpu.dma_semaphore, #tpu.memory_space<semaphore_mem>>)
        %dma_wait3A_129 = arith.constant 0 : i32
        %dma_wait3A_130 = tpu.memref_slice %arg4[%add3A_27, %dma_wait3A_129] : memref<2560x128xi32, #tpu.memory_space<hbm>> -> memref<16x128xi32, #tpu.memory_space<hbm>>
        %dma_wait3A_131 = arith.constant 0 : i32
        %dma_wait3A_132 = tpu.memref_slice %arg4[%add3A_27, %dma_wait3A_131] : memref<2560x128xi32, #tpu.memory_space<hbm>> -> memref<16x128xi32, #tpu.memory_space<hbm>>
        tpu.wait_dma2 semaphore(%run_scoped3A : memref<!tpu.dma_semaphore, #tpu.memory_space<semaphore_mem>>) src(%dma_wait3A_132 : memref<16x128xi32, #tpu.memory_space<hbm>>) dst(%arg9 : memref<16x128xi32, #tpu.memory_space<vmem>>)
        tpu.yield
      }) : () -> ()
      %dma_start3A = arith.constant 0 : i32
      %dma_start3A_28 = arith.constant 0 : i32
      %dma_start3A_29 = arith.constant 0 : i32
      %dma_start3A_30 = tpu.memref_slice %arg10[%dma_start3A_28, %dma_start3A_29] : memref<128x128xf32, #tpu.memory_space<vmem>> -> memref<32x128xf32, #tpu.memory_space<vmem>>
      %dma_start3A_31 = arith.constant 0 : i32
      %dma_start3A_32 = tpu.memref_slice %arg8[%dma_start3A, %dma_start3A_31] : memref<64x32xi32, #tpu.memory_space<vmem>> -> memref<1x32xi32, #tpu.memory_space<vmem>>
      %dma_start3A_33 = tpu.memref_squeeze %dma_start3A_32 : memref<1x32xi32, #tpu.memory_space<vmem>> -> memref<32xi32, #tpu.memory_space<vmem>>
      %dma_start3A_34 = arith.constant 0 : i32
      %dma_start3A_35 = arith.constant 0 : i32
      %dma_start3A_36 = tpu.memref_slice %arg2[%dma_start3A_34, %dma_start3A_35] : memref<20480x128xf32, #tpu.memory_space<hbm>> -> memref<20480x128xf32, #tpu.memory_space<hbm>>
      tpu.enqueue_indirect_dma source(%dma_start3A_36 : memref<20480x128xf32, #tpu.memory_space<hbm>>) target(%dma_start3A_30 : memref<32x128xf32, #tpu.memory_space<vmem>>) offsets(%dma_start3A_33 : memref<32xi32, #tpu.memory_space<vmem>>) semaphore(%arg12 : memref<!tpu.dma_semaphore, #tpu.memory_space<semaphore_mem>>)
      %dma_start3A_37 = arith.constant 4 : i32
      %dma_start3A_38 = arith.constant 0 : i32
      %dma_start3A_39 = arith.constant 0 : i32
      %dma_start3A_40 = tpu.memref_slice %arg11[%dma_start3A_38, %dma_start3A_39] : memref<128x128xf32, #tpu.memory_space<vmem>> -> memref<32x128xf32, #tpu.memory_space<vmem>>
      %dma_start3A_41 = arith.constant 0 : i32
      %dma_start3A_42 = tpu.memref_slice %arg8[%dma_start3A_37, %dma_start3A_41] : memref<64x32xi32, #tpu.memory_space<vmem>> -> memref<1x32xi32, #tpu.memory_space<vmem>>
      %dma_start3A_43 = tpu.memref_squeeze %dma_start3A_42 : memref<1x32xi32, #tpu.memory_space<vmem>> -> memref<32xi32, #tpu.memory_space<vmem>>
      %dma_start3A_44 = arith.constant 0 : i32
      %dma_start3A_45 = arith.constant 0 : i32
      %dma_start3A_46 = tpu.memref_slice %arg2[%dma_start3A_44, %dma_start3A_45] : memref<20480x128xf32, #tpu.memory_space<hbm>> -> memref<20480x128xf32, #tpu.memory_space<hbm>>
      tpu.enqueue_indirect_dma source(%dma_start3A_46 : memref<20480x128xf32, #tpu.memory_space<hbm>>) target(%dma_start3A_40 : memref<32x128xf32, #tpu.memory_space<vmem>>) offsets(%dma_start3A_43 : memref<32xi32, #tpu.memory_space<vmem>>) semaphore(%arg16 : memref<!tpu.dma_semaphore, #tpu.memory_space<semaphore_mem>>)
      %dma_start3A_47 = arith.constant 1 : i32
      %dma_start3A_48 = arith.constant 32 : i32
      %dma_start3A_49 = arith.constant 0 : i32
      %dma_start3A_50 = tpu.memref_slice %arg10[%dma_start3A_48, %dma_start3A_49] : memref<128x128xf32, #tpu.memory_space<vmem>> -> memref<32x128xf32, #tpu.memory_space<vmem>>
      %dma_start3A_51 = arith.constant 0 : i32
      %dma_start3A_52 = tpu.memref_slice %arg8[%dma_start3A_47, %dma_start3A_51] : memref<64x32xi32, #tpu.memory_space<vmem>> -> memref<1x32xi32, #tpu.memory_space<vmem>>
      %dma_start3A_53 = tpu.memref_squeeze %dma_start3A_52 : memref<1x32xi32, #tpu.memory_space<vmem>> -> memref<32xi32, #tpu.memory_space<vmem>>
      %dma_start3A_54 = arith.constant 0 : i32
      %dma_start3A_55 = arith.constant 0 : i32
      %dma_start3A_56 = tpu.memref_slice %arg2[%dma_start3A_54, %dma_start3A_55] : memref<20480x128xf32, #tpu.memory_space<hbm>> -> memref<20480x128xf32, #tpu.memory_space<hbm>>
      tpu.enqueue_indirect_dma source(%dma_start3A_56 : memref<20480x128xf32, #tpu.memory_space<hbm>>) target(%dma_start3A_50 : memref<32x128xf32, #tpu.memory_space<vmem>>) offsets(%dma_start3A_53 : memref<32xi32, #tpu.memory_space<vmem>>) semaphore(%arg13 : memref<!tpu.dma_semaphore, #tpu.memory_space<semaphore_mem>>)
      %dma_start3A_57 = arith.constant 5 : i32
      %dma_start3A_58 = arith.constant 32 : i32
      %dma_start3A_59 = arith.constant 0 : i32
      %dma_start3A_60 = tpu.memref_slice %arg11[%dma_start3A_58, %dma_start3A_59] : memref<128x128xf32, #tpu.memory_space<vmem>> -> memref<32x128xf32, #tpu.memory_space<vmem>>
      %dma_start3A_61 = arith.constant 0 : i32
      %dma_start3A_62 = tpu.memref_slice %arg8[%dma_start3A_57, %dma_start3A_61] : memref<64x32xi32, #tpu.memory_space<vmem>> -> memref<1x32xi32, #tpu.memory_space<vmem>>
      %dma_start3A_63 = tpu.memref_squeeze %dma_start3A_62 : memref<1x32xi32, #tpu.memory_space<vmem>> -> memref<32xi32, #tpu.memory_space<vmem>>
      %dma_start3A_64 = arith.constant 0 : i32
      %dma_start3A_65 = arith.constant 0 : i32
      %dma_start3A_66 = tpu.memref_slice %arg2[%dma_start3A_64, %dma_start3A_65] : memref<20480x128xf32, #tpu.memory_space<hbm>> -> memref<20480x128xf32, #tpu.memory_space<hbm>>
      tpu.enqueue_indirect_dma source(%dma_start3A_66 : memref<20480x128xf32, #tpu.memory_space<hbm>>) target(%dma_start3A_60 : memref<32x128xf32, #tpu.memory_space<vmem>>) offsets(%dma_start3A_63 : memref<32xi32, #tpu.memory_space<vmem>>) semaphore(%arg17 : memref<!tpu.dma_semaphore, #tpu.memory_space<semaphore_mem>>)
      %dma_start3A_67 = arith.constant 2 : i32
      %dma_start3A_68 = arith.constant 64 : i32
      %dma_start3A_69 = arith.constant 0 : i32
      %dma_start3A_70 = tpu.memref_slice %arg10[%dma_start3A_68, %dma_start3A_69] : memref<128x128xf32, #tpu.memory_space<vmem>> -> memref<32x128xf32, #tpu.memory_space<vmem>>
      %dma_start3A_71 = arith.constant 0 : i32
      %dma_start3A_72 = tpu.memref_slice %arg8[%dma_start3A_67, %dma_start3A_71] : memref<64x32xi32, #tpu.memory_space<vmem>> -> memref<1x32xi32, #tpu.memory_space<vmem>>
      %dma_start3A_73 = tpu.memref_squeeze %dma_start3A_72 : memref<1x32xi32, #tpu.memory_space<vmem>> -> memref<32xi32, #tpu.memory_space<vmem>>
      %dma_start3A_74 = arith.constant 0 : i32
      %dma_start3A_75 = arith.constant 0 : i32
      %dma_start3A_76 = tpu.memref_slice %arg2[%dma_start3A_74, %dma_start3A_75] : memref<20480x128xf32, #tpu.memory_space<hbm>> -> memref<20480x128xf32, #tpu.memory_space<hbm>>
      tpu.enqueue_indirect_dma source(%dma_start3A_76 : memref<20480x128xf32, #tpu.memory_space<hbm>>) target(%dma_start3A_70 : memref<32x128xf32, #tpu.memory_space<vmem>>) offsets(%dma_start3A_73 : memref<32xi32, #tpu.memory_space<vmem>>) semaphore(%arg14 : memref<!tpu.dma_semaphore, #tpu.memory_space<semaphore_mem>>)
      %dma_start3A_77 = arith.constant 6 : i32
      %dma_start3A_78 = arith.constant 64 : i32
      %dma_start3A_79 = arith.constant 0 : i32
      %dma_start3A_80 = tpu.memref_slice %arg11[%dma_start3A_78, %dma_start3A_79] : memref<128x128xf32, #tpu.memory_space<vmem>> -> memref<32x128xf32, #tpu.memory_space<vmem>>
      %dma_start3A_81 = arith.constant 0 : i32
      %dma_start3A_82 = tpu.memref_slice %arg8[%dma_start3A_77, %dma_start3A_81] : memref<64x32xi32, #tpu.memory_space<vmem>> -> memref<1x32xi32, #tpu.memory_space<vmem>>
      %dma_start3A_83 = tpu.memref_squeeze %dma_start3A_82 : memref<1x32xi32, #tpu.memory_space<vmem>> -> memref<32xi32, #tpu.memory_space<vmem>>
      %dma_start3A_84 = arith.constant 0 : i32
      %dma_start3A_85 = arith.constant 0 : i32
      %dma_start3A_86 = tpu.memref_slice %arg2[%dma_start3A_84, %dma_start3A_85] : memref<20480x128xf32, #tpu.memory_space<hbm>> -> memref<20480x128xf32, #tpu.memory_space<hbm>>
      tpu.enqueue_indirect_dma source(%dma_start3A_86 : memref<20480x128xf32, #tpu.memory_space<hbm>>) target(%dma_start3A_80 : memref<32x128xf32, #tpu.memory_space<vmem>>) offsets(%dma_start3A_83 : memref<32xi32, #tpu.memory_space<vmem>>) semaphore(%arg18 : memref<!tpu.dma_semaphore, #tpu.memory_space<semaphore_mem>>)
      %dma_start3A_87 = arith.constant 3 : i32
      %dma_start3A_88 = arith.constant 96 : i32
      %dma_start3A_89 = arith.constant 0 : i32
      %dma_start3A_90 = tpu.memref_slice %arg10[%dma_start3A_88, %dma_start3A_89] : memref<128x128xf32, #tpu.memory_space<vmem>> -> memref<32x128xf32, #tpu.memory_space<vmem>>
      %dma_start3A_91 = arith.constant 0 : i32
      %dma_start3A_92 = tpu.memref_slice %arg8[%dma_start3A_87, %dma_start3A_91] : memref<64x32xi32, #tpu.memory_space<vmem>> -> memref<1x32xi32, #tpu.memory_space<vmem>>
      %dma_start3A_93 = tpu.memref_squeeze %dma_start3A_92 : memref<1x32xi32, #tpu.memory_space<vmem>> -> memref<32xi32, #tpu.memory_space<vmem>>
      %dma_start3A_94 = arith.constant 0 : i32
      %dma_start3A_95 = arith.constant 0 : i32
      %dma_start3A_96 = tpu.memref_slice %arg2[%dma_start3A_94, %dma_start3A_95] : memref<20480x128xf32, #tpu.memory_space<hbm>> -> memref<20480x128xf32, #tpu.memory_space<hbm>>
      tpu.enqueue_indirect_dma source(%dma_start3A_96 : memref<20480x128xf32, #tpu.memory_space<hbm>>) target(%dma_start3A_90 : memref<32x128xf32, #tpu.memory_space<vmem>>) offsets(%dma_start3A_93 : memref<32xi32, #tpu.memory_space<vmem>>) semaphore(%arg15 : memref<!tpu.dma_semaphore, #tpu.memory_space<semaphore_mem>>)
      %dma_start3A_97 = arith.constant 7 : i32
      %dma_start3A_98 = arith.constant 96 : i32
      %dma_start3A_99 = arith.constant 0 : i32
      %dma_start3A_100 = tpu.memref_slice %arg11[%dma_start3A_98, %dma_start3A_99] : memref<128x128xf32, #tpu.memory_space<vmem>> -> memref<32x128xf32, #tpu.memory_space<vmem>>
      %dma_start3A_101 = arith.constant 0 : i32
      %dma_start3A_102 = tpu.memref_slice %arg8[%dma_start3A_97, %dma_start3A_101] : memref<64x32xi32, #tpu.memory_space<vmem>> -> memref<1x32xi32, #tpu.memory_space<vmem>>
      %dma_start3A_103 = tpu.memref_squeeze %dma_start3A_102 : memref<1x32xi32, #tpu.memory_space<vmem>> -> memref<32xi32, #tpu.memory_space<vmem>>
      %dma_start3A_104 = arith.constant 0 : i32
      %dma_start3A_105 = arith.constant 0 : i32
      %dma_start3A_106 = tpu.memref_slice %arg2[%dma_start3A_104, %dma_start3A_105] : memref<20480x128xf32, #tpu.memory_space<hbm>> -> memref<20480x128xf32, #tpu.memory_space<hbm>>
      tpu.enqueue_indirect_dma source(%dma_start3A_106 : memref<20480x128xf32, #tpu.memory_space<hbm>>) target(%dma_start3A_100 : memref<32x128xf32, #tpu.memory_space<vmem>>) offsets(%dma_start3A_103 : memref<32xi32, #tpu.memory_space<vmem>>) semaphore(%arg19 : memref<!tpu.dma_semaphore, #tpu.memory_space<semaphore_mem>>)
      %scan3A_107 = arith.constant 0 : i32
      %scan3A_108 = arith.constant 8 : i32
      %scan3A_109 = arith.addi %scan3A_107, %scan3A_108 : i32
      %scan3A_110 = arith.constant 1 : i32
      scf.for %scan3A_125 = %scan3A_107 to %scan3A_109 step %scan3A_110  : i32 {
        %mul3A_126 = arith.constant 2 : i32
        %mul3A_127 = arith.muli %mul3A_126, %scan3A_125 : i32
        %dma_wait3A_128 = arith.constant 0 : i32
        %dma_wait3A_129 = arith.constant 0 : i32
        %dma_wait3A_130 = arith.constant 0 : i32
        %dma_wait3A_131 = tpu.memref_slice %arg10[%dma_wait3A_129, %dma_wait3A_130] : memref<128x128xf32, #tpu.memory_space<vmem>> -> memref<32x128xf32, #tpu.memory_space<vmem>>
        %dma_wait3A_132 = arith.constant 0 : i32
        %dma_wait3A_133 = tpu.memref_slice %arg8[%dma_wait3A_128, %dma_wait3A_132] : memref<64x32xi32, #tpu.memory_space<vmem>> -> memref<1x32xi32, #tpu.memory_space<vmem>>
        %dma_wait3A_134 = tpu.memref_squeeze %dma_wait3A_133 : memref<1x32xi32, #tpu.memory_space<vmem>> -> memref<32xi32, #tpu.memory_space<vmem>>
        %dma_wait3A_135 = arith.constant 0 : i32
        %dma_wait3A_136 = arith.constant 0 : i32
        %dma_wait3A_137 = tpu.memref_slice %arg2[%dma_wait3A_135, %dma_wait3A_136] : memref<20480x128xf32, #tpu.memory_space<hbm>> -> memref<20480x128xf32, #tpu.memory_space<hbm>>
        tpu.wait_indirect_dma semaphore(%arg12 : memref<!tpu.dma_semaphore, #tpu.memory_space<semaphore_mem>>) src(%dma_wait3A_137 : memref<20480x128xf32, #tpu.memory_space<hbm>>) dst(%dma_wait3A_131 : memref<32x128xf32, #tpu.memory_space<vmem>>)
        %dma_wait3A_138 = arith.constant 0 : i32
        %dma_wait3A_139 = arith.constant 32 : i32
        %dma_wait3A_140 = arith.constant 0 : i32
        %dma_wait3A_141 = tpu.memref_slice %arg10[%dma_wait3A_139, %dma_wait3A_140] : memref<128x128xf32, #tpu.memory_space<vmem>> -> memref<32x128xf32, #tpu.memory_space<vmem>>
        %dma_wait3A_142 = arith.constant 0 : i32
        %dma_wait3A_143 = tpu.memref_slice %arg8[%dma_wait3A_138, %dma_wait3A_142] : memref<64x32xi32, #tpu.memory_space<vmem>> -> memref<1x32xi32, #tpu.memory_space<vmem>>
        %dma_wait3A_144 = tpu.memref_squeeze %dma_wait3A_143 : memref<1x32xi32, #tpu.memory_space<vmem>> -> memref<32xi32, #tpu.memory_space<vmem>>
        %dma_wait3A_145 = arith.constant 0 : i32
        %dma_wait3A_146 = arith.constant 0 : i32
        %dma_wait3A_147 = tpu.memref_slice %arg2[%dma_wait3A_145, %dma_wait3A_146] : memref<20480x128xf32, #tpu.memory_space<hbm>> -> memref<20480x128xf32, #tpu.memory_space<hbm>>
        tpu.wait_indirect_dma semaphore(%arg13 : memref<!tpu.dma_semaphore, #tpu.memory_space<semaphore_mem>>) src(%dma_wait3A_147 : memref<20480x128xf32, #tpu.memory_space<hbm>>) dst(%dma_wait3A_141 : memref<32x128xf32, #tpu.memory_space<vmem>>)
        %dma_wait3A_148 = arith.constant 0 : i32
        %dma_wait3A_149 = arith.constant 64 : i32
        %dma_wait3A_150 = arith.constant 0 : i32
        %dma_wait3A_151 = tpu.memref_slice %arg10[%dma_wait3A_149, %dma_wait3A_150] : memref<128x128xf32, #tpu.memory_space<vmem>> -> memref<32x128xf32, #tpu.memory_space<vmem>>
        %dma_wait3A_152 = arith.constant 0 : i32
        %dma_wait3A_153 = tpu.memref_slice %arg8[%dma_wait3A_148, %dma_wait3A_152] : memref<64x32xi32, #tpu.memory_space<vmem>> -> memref<1x32xi32, #tpu.memory_space<vmem>>
        %dma_wait3A_154 = tpu.memref_squeeze %dma_wait3A_153 : memref<1x32xi32, #tpu.memory_space<vmem>> -> memref<32xi32, #tpu.memory_space<vmem>>
        %dma_wait3A_155 = arith.constant 0 : i32
        %dma_wait3A_156 = arith.constant 0 : i32
        %dma_wait3A_157 = tpu.memref_slice %arg2[%dma_wait3A_155, %dma_wait3A_156] : memref<20480x128xf32, #tpu.memory_space<hbm>> -> memref<20480x128xf32, #tpu.memory_space<hbm>>
        tpu.wait_indirect_dma semaphore(%arg14 : memref<!tpu.dma_semaphore, #tpu.memory_space<semaphore_mem>>) src(%dma_wait3A_157 : memref<20480x128xf32, #tpu.memory_space<hbm>>) dst(%dma_wait3A_151 : memref<32x128xf32, #tpu.memory_space<vmem>>)
        %dma_wait3A_158 = arith.constant 0 : i32
        %dma_wait3A_159 = arith.constant 96 : i32
        %dma_wait3A_160 = arith.constant 0 : i32
        %dma_wait3A_161 = tpu.memref_slice %arg10[%dma_wait3A_159, %dma_wait3A_160] : memref<128x128xf32, #tpu.memory_space<vmem>> -> memref<32x128xf32, #tpu.memory_space<vmem>>
        %dma_wait3A_162 = arith.constant 0 : i32
        %dma_wait3A_163 = tpu.memref_slice %arg8[%dma_wait3A_158, %dma_wait3A_162] : memref<64x32xi32, #tpu.memory_space<vmem>> -> memref<1x32xi32, #tpu.memory_space<vmem>>
        %dma_wait3A_164 = tpu.memref_squeeze %dma_wait3A_163 : memref<1x32xi32, #tpu.memory_space<vmem>> -> memref<32xi32, #tpu.memory_space<vmem>>
        %dma_wait3A_165 = arith.constant 0 : i32
        %dma_wait3A_166 = arith.constant 0 : i32
        %dma_wait3A_167 = tpu.memref_slice %arg2[%dma_wait3A_165, %dma_wait3A_166] : memref<20480x128xf32, #tpu.memory_space<hbm>> -> memref<20480x128xf32, #tpu.memory_space<hbm>>
        tpu.wait_indirect_dma semaphore(%arg15 : memref<!tpu.dma_semaphore, #tpu.memory_space<semaphore_mem>>) src(%dma_wait3A_167 : memref<20480x128xf32, #tpu.memory_space<hbm>>) dst(%dma_wait3A_161 : memref<32x128xf32, #tpu.memory_space<vmem>>)
        %dma_start3A_168 = arith.constant 0 : i32
        %dma_start3A_169 = tpu.memref_slice %arg9[%mul3A_127, %dma_start3A_168] : memref<16x128xi32, #tpu.memory_space<vmem>> -> memref<1x128xi32, #tpu.memory_space<vmem>>
        %dma_start3A_170 = tpu.memref_squeeze %dma_start3A_169 : memref<1x128xi32, #tpu.memory_space<vmem>> -> memref<128xi32, #tpu.memory_space<vmem>>
        %dma_start3A_171 = arith.constant 0 : i32
        %dma_start3A_172 = arith.constant 0 : i32
        %dma_start3A_173 = tpu.memref_slice %arg7[%dma_start3A_171, %dma_start3A_172] : memref<10240x128xf32, #tpu.memory_space<vmem_shared>> -> memref<10240x128xf32, #tpu.memory_space<vmem_shared>>
        tpu.enqueue_indirect_dma source(%arg10 : memref<128x128xf32, #tpu.memory_space<vmem>>) target(%dma_start3A_173 : memref<10240x128xf32, #tpu.memory_space<vmem_shared>>) offsets(%dma_start3A_170 : memref<128xi32, #tpu.memory_space<vmem>>) semaphore(%arg20 : memref<!tpu.dma_semaphore, #tpu.memory_space<semaphore_mem>>) {add = true}
        %dma_wait3A_174 = arith.constant 0 : i32
        %dma_wait3A_175 = arith.constant 0 : i32
        %dma_wait3A_176 = arith.constant 0 : i32
        %dma_wait3A_177 = tpu.memref_slice %arg11[%dma_wait3A_175, %dma_wait3A_176] : memref<128x128xf32, #tpu.memory_space<vmem>> -> memref<32x128xf32, #tpu.memory_space<vmem>>
        %dma_wait3A_178 = arith.constant 0 : i32
        %dma_wait3A_179 = tpu.memref_slice %arg8[%dma_wait3A_174, %dma_wait3A_178] : memref<64x32xi32, #tpu.memory_space<vmem>> -> memref<1x32xi32, #tpu.memory_space<vmem>>
        %dma_wait3A_180 = tpu.memref_squeeze %dma_wait3A_179 : memref<1x32xi32, #tpu.memory_space<vmem>> -> memref<32xi32, #tpu.memory_space<vmem>>
        %dma_wait3A_181 = arith.constant 0 : i32
        %dma_wait3A_182 = arith.constant 0 : i32
        %dma_wait3A_183 = tpu.memref_slice %arg2[%dma_wait3A_181, %dma_wait3A_182] : memref<20480x128xf32, #tpu.memory_space<hbm>> -> memref<20480x128xf32, #tpu.memory_space<hbm>>
        tpu.wait_indirect_dma semaphore(%arg16 : memref<!tpu.dma_semaphore, #tpu.memory_space<semaphore_mem>>) src(%dma_wait3A_183 : memref<20480x128xf32, #tpu.memory_space<hbm>>) dst(%dma_wait3A_177 : memref<32x128xf32, #tpu.memory_space<vmem>>)
        %dma_wait3A_184 = arith.constant 0 : i32
        %dma_wait3A_185 = arith.constant 32 : i32
        %dma_wait3A_186 = arith.constant 0 : i32
        %dma_wait3A_187 = tpu.memref_slice %arg11[%dma_wait3A_185, %dma_wait3A_186] : memref<128x128xf32, #tpu.memory_space<vmem>> -> memref<32x128xf32, #tpu.memory_space<vmem>>
        %dma_wait3A_188 = arith.constant 0 : i32
        %dma_wait3A_189 = tpu.memref_slice %arg8[%dma_wait3A_184, %dma_wait3A_188] : memref<64x32xi32, #tpu.memory_space<vmem>> -> memref<1x32xi32, #tpu.memory_space<vmem>>
        %dma_wait3A_190 = tpu.memref_squeeze %dma_wait3A_189 : memref<1x32xi32, #tpu.memory_space<vmem>> -> memref<32xi32, #tpu.memory_space<vmem>>
        %dma_wait3A_191 = arith.constant 0 : i32
        %dma_wait3A_192 = arith.constant 0 : i32
        %dma_wait3A_193 = tpu.memref_slice %arg2[%dma_wait3A_191, %dma_wait3A_192] : memref<20480x128xf32, #tpu.memory_space<hbm>> -> memref<20480x128xf32, #tpu.memory_space<hbm>>
        tpu.wait_indirect_dma semaphore(%arg17 : memref<!tpu.dma_semaphore, #tpu.memory_space<semaphore_mem>>) src(%dma_wait3A_193 : memref<20480x128xf32, #tpu.memory_space<hbm>>) dst(%dma_wait3A_187 : memref<32x128xf32, #tpu.memory_space<vmem>>)
        %dma_wait3A_194 = arith.constant 0 : i32
        %dma_wait3A_195 = arith.constant 64 : i32
        %dma_wait3A_196 = arith.constant 0 : i32
        %dma_wait3A_197 = tpu.memref_slice %arg11[%dma_wait3A_195, %dma_wait3A_196] : memref<128x128xf32, #tpu.memory_space<vmem>> -> memref<32x128xf32, #tpu.memory_space<vmem>>
        %dma_wait3A_198 = arith.constant 0 : i32
        %dma_wait3A_199 = tpu.memref_slice %arg8[%dma_wait3A_194, %dma_wait3A_198] : memref<64x32xi32, #tpu.memory_space<vmem>> -> memref<1x32xi32, #tpu.memory_space<vmem>>
        %dma_wait3A_200 = tpu.memref_squeeze %dma_wait3A_199 : memref<1x32xi32, #tpu.memory_space<vmem>> -> memref<32xi32, #tpu.memory_space<vmem>>
        %dma_wait3A_201 = arith.constant 0 : i32
        %dma_wait3A_202 = arith.constant 0 : i32
        %dma_wait3A_203 = tpu.memref_slice %arg2[%dma_wait3A_201, %dma_wait3A_202] : memref<20480x128xf32, #tpu.memory_space<hbm>> -> memref<20480x128xf32, #tpu.memory_space<hbm>>
        tpu.wait_indirect_dma semaphore(%arg18 : memref<!tpu.dma_semaphore, #tpu.memory_space<semaphore_mem>>) src(%dma_wait3A_203 : memref<20480x128xf32, #tpu.memory_space<hbm>>) dst(%dma_wait3A_197 : memref<32x128xf32, #tpu.memory_space<vmem>>)
        %dma_wait3A_204 = arith.constant 0 : i32
        %dma_wait3A_205 = arith.constant 96 : i32
        %dma_wait3A_206 = arith.constant 0 : i32
        %dma_wait3A_207 = tpu.memref_slice %arg11[%dma_wait3A_205, %dma_wait3A_206] : memref<128x128xf32, #tpu.memory_space<vmem>> -> memref<32x128xf32, #tpu.memory_space<vmem>>
        %dma_wait3A_208 = arith.constant 0 : i32
        %dma_wait3A_209 = tpu.memref_slice %arg8[%dma_wait3A_204, %dma_wait3A_208] : memref<64x32xi32, #tpu.memory_space<vmem>> -> memref<1x32xi32, #tpu.memory_space<vmem>>
        %dma_wait3A_210 = tpu.memref_squeeze %dma_wait3A_209 : memref<1x32xi32, #tpu.memory_space<vmem>> -> memref<32xi32, #tpu.memory_space<vmem>>
        %dma_wait3A_211 = arith.constant 0 : i32
        %dma_wait3A_212 = arith.constant 0 : i32
        %dma_wait3A_213 = tpu.memref_slice %arg2[%dma_wait3A_211, %dma_wait3A_212] : memref<20480x128xf32, #tpu.memory_space<hbm>> -> memref<20480x128xf32, #tpu.memory_space<hbm>>
        tpu.wait_indirect_dma semaphore(%arg19 : memref<!tpu.dma_semaphore, #tpu.memory_space<semaphore_mem>>) src(%dma_wait3A_213 : memref<20480x128xf32, #tpu.memory_space<hbm>>) dst(%dma_wait3A_207 : memref<32x128xf32, #tpu.memory_space<vmem>>)
        %add3A_214 = arith.constant 1 : i32
        %add3A_215 = arith.addi %mul3A_127, %add3A_214 : i32
        %dma_start3A_216 = arith.constant 0 : i32
        %dma_start3A_217 = tpu.memref_slice %arg9[%add3A_215, %dma_start3A_216] : memref<16x128xi32, #tpu.memory_space<vmem>> -> memref<1x128xi32, #tpu.memory_space<vmem>>
        %dma_start3A_218 = tpu.memref_squeeze %dma_start3A_217 : memref<1x128xi32, #tpu.memory_space<vmem>> -> memref<128xi32, #tpu.memory_space<vmem>>
        %dma_start3A_219 = arith.constant 0 : i32
        %dma_start3A_220 = arith.constant 0 : i32
        %dma_start3A_221 = tpu.memref_slice %arg7[%dma_start3A_219, %dma_start3A_220] : memref<10240x128xf32, #tpu.memory_space<vmem_shared>> -> memref<10240x128xf32, #tpu.memory_space<vmem_shared>>
        tpu.enqueue_indirect_dma source(%arg11 : memref<128x128xf32, #tpu.memory_space<vmem>>) target(%dma_start3A_221 : memref<10240x128xf32, #tpu.memory_space<vmem_shared>>) offsets(%dma_start3A_218 : memref<128xi32, #tpu.memory_space<vmem>>) semaphore(%arg21 : memref<!tpu.dma_semaphore, #tpu.memory_space<semaphore_mem>>) {add = true}
        %add3A_222 = arith.constant 2 : i32
        %add3A_223 = arith.addi %mul3A_127, %add3A_222 : i32
        %lt3A = arith.constant 16 : i32
        %lt3A_224 = arith.cmpi slt, %add3A_223, %lt3A : i32
        %convert_element_type3A = arith.extui %lt3A_224 : i1 to i32
        %cond3A = arith.constant 0 : i32
        %cond3A_225 = arith.cmpi ne, %convert_element_type3A, %cond3A : i32
        scf.if %cond3A_225 {
          %dma_wait3A_233 = arith.constant 0 : i32
          %dma_wait3A_234 = arith.constant 0 : i32
          %dma_wait3A_235 = tpu.memref_slice %arg9[%dma_wait3A_233, %dma_wait3A_234] : memref<16x128xi32, #tpu.memory_space<vmem>> -> memref<1x128xi32, #tpu.memory_space<vmem>>
          %dma_wait3A_236 = tpu.memref_squeeze %dma_wait3A_235 : memref<1x128xi32, #tpu.memory_space<vmem>> -> memref<128xi32, #tpu.memory_space<vmem>>
          %dma_wait3A_237 = arith.constant 0 : i32
          %dma_wait3A_238 = arith.constant 0 : i32
          %dma_wait3A_239 = tpu.memref_slice %arg7[%dma_wait3A_237, %dma_wait3A_238] : memref<10240x128xf32, #tpu.memory_space<vmem_shared>> -> memref<10240x128xf32, #tpu.memory_space<vmem_shared>>
          tpu.wait_indirect_dma semaphore(%arg20 : memref<!tpu.dma_semaphore, #tpu.memory_space<semaphore_mem>>) src(%arg10 : memref<128x128xf32, #tpu.memory_space<vmem>>) dst(%dma_wait3A_239 : memref<10240x128xf32, #tpu.memory_space<vmem_shared>>)
          %add3A_240 = arith.constant 2 : i32
          %add3A_241 = arith.addi %mul3A_127, %add3A_240 : i32
          %mul3A_242 = arith.constant 4 : i32
          %mul3A_243 = arith.muli %mul3A_242, %add3A_241 : i32
          %add3A_244 = arith.constant 0 : i32
          %add3A_245 = arith.addi %mul3A_243, %add3A_244 : i32
          %dma_start3A_246 = arith.constant 0 : i32
          %dma_start3A_247 = arith.constant 0 : i32
          %dma_start3A_248 = tpu.memref_slice %arg10[%dma_start3A_246, %dma_start3A_247] : memref<128x128xf32, #tpu.memory_space<vmem>> -> memref<32x128xf32, #tpu.memory_space<vmem>>
          %dma_start3A_249 = arith.constant 0 : i32
          %dma_start3A_250 = tpu.memref_slice %arg8[%add3A_245, %dma_start3A_249] : memref<64x32xi32, #tpu.memory_space<vmem>> -> memref<1x32xi32, #tpu.memory_space<vmem>>
          %dma_start3A_251 = tpu.memref_squeeze %dma_start3A_250 : memref<1x32xi32, #tpu.memory_space<vmem>> -> memref<32xi32, #tpu.memory_space<vmem>>
          %dma_start3A_252 = arith.constant 0 : i32
          %dma_start3A_253 = arith.constant 0 : i32
          %dma_start3A_254 = tpu.memref_slice %arg2[%dma_start3A_252, %dma_start3A_253] : memref<20480x128xf32, #tpu.memory_space<hbm>> -> memref<20480x128xf32, #tpu.memory_space<hbm>>
          tpu.enqueue_indirect_dma source(%dma_start3A_254 : memref<20480x128xf32, #tpu.memory_space<hbm>>) target(%dma_start3A_248 : memref<32x128xf32, #tpu.memory_space<vmem>>) offsets(%dma_start3A_251 : memref<32xi32, #tpu.memory_space<vmem>>) semaphore(%arg12 : memref<!tpu.dma_semaphore, #tpu.memory_space<semaphore_mem>>)
          %add3A_255 = arith.constant 2 : i32
          %add3A_256 = arith.addi %mul3A_127, %add3A_255 : i32
          %mul3A_257 = arith.constant 4 : i32
          %mul3A_258 = arith.muli %mul3A_257, %add3A_256 : i32
          %add3A_259 = arith.constant 1 : i32
          %add3A_260 = arith.addi %mul3A_258, %add3A_259 : i32
          %dma_start3A_261 = arith.constant 32 : i32
          %dma_start3A_262 = arith.constant 0 : i32
          %dma_start3A_263 = tpu.memref_slice %arg10[%dma_start3A_261, %dma_start3A_262] : memref<128x128xf32, #tpu.memory_space<vmem>> -> memref<32x128xf32, #tpu.memory_space<vmem>>
          %dma_start3A_264 = arith.constant 0 : i32
          %dma_start3A_265 = tpu.memref_slice %arg8[%add3A_260, %dma_start3A_264] : memref<64x32xi32, #tpu.memory_space<vmem>> -> memref<1x32xi32, #tpu.memory_space<vmem>>
          %dma_start3A_266 = tpu.memref_squeeze %dma_start3A_265 : memref<1x32xi32, #tpu.memory_space<vmem>> -> memref<32xi32, #tpu.memory_space<vmem>>
          %dma_start3A_267 = arith.constant 0 : i32
          %dma_start3A_268 = arith.constant 0 : i32
          %dma_start3A_269 = tpu.memref_slice %arg2[%dma_start3A_267, %dma_start3A_268] : memref<20480x128xf32, #tpu.memory_space<hbm>> -> memref<20480x128xf32, #tpu.memory_space<hbm>>
          tpu.enqueue_indirect_dma source(%dma_start3A_269 : memref<20480x128xf32, #tpu.memory_space<hbm>>) target(%dma_start3A_263 : memref<32x128xf32, #tpu.memory_space<vmem>>) offsets(%dma_start3A_266 : memref<32xi32, #tpu.memory_space<vmem>>) semaphore(%arg13 : memref<!tpu.dma_semaphore, #tpu.memory_space<semaphore_mem>>)
          %add3A_270 = arith.constant 2 : i32
          %add3A_271 = arith.addi %mul3A_127, %add3A_270 : i32
          %mul3A_272 = arith.constant 4 : i32
          %mul3A_273 = arith.muli %mul3A_272, %add3A_271 : i32
          %add3A_274 = arith.constant 2 : i32
          %add3A_275 = arith.addi %mul3A_273, %add3A_274 : i32
          %dma_start3A_276 = arith.constant 64 : i32
          %dma_start3A_277 = arith.constant 0 : i32
          %dma_start3A_278 = tpu.memref_slice %arg10[%dma_start3A_276, %dma_start3A_277] : memref<128x128xf32, #tpu.memory_space<vmem>> -> memref<32x128xf32, #tpu.memory_space<vmem>>
          %dma_start3A_279 = arith.constant 0 : i32
          %dma_start3A_280 = tpu.memref_slice %arg8[%add3A_275, %dma_start3A_279] : memref<64x32xi32, #tpu.memory_space<vmem>> -> memref<1x32xi32, #tpu.memory_space<vmem>>
          %dma_start3A_281 = tpu.memref_squeeze %dma_start3A_280 : memref<1x32xi32, #tpu.memory_space<vmem>> -> memref<32xi32, #tpu.memory_space<vmem>>
          %dma_start3A_282 = arith.constant 0 : i32
          %dma_start3A_283 = arith.constant 0 : i32
          %dma_start3A_284 = tpu.memref_slice %arg2[%dma_start3A_282, %dma_start3A_283] : memref<20480x128xf32, #tpu.memory_space<hbm>> -> memref<20480x128xf32, #tpu.memory_space<hbm>>
          tpu.enqueue_indirect_dma source(%dma_start3A_284 : memref<20480x128xf32, #tpu.memory_space<hbm>>) target(%dma_start3A_278 : memref<32x128xf32, #tpu.memory_space<vmem>>) offsets(%dma_start3A_281 : memref<32xi32, #tpu.memory_space<vmem>>) semaphore(%arg14 : memref<!tpu.dma_semaphore, #tpu.memory_space<semaphore_mem>>)
          %add3A_285 = arith.constant 2 : i32
          %add3A_286 = arith.addi %mul3A_127, %add3A_285 : i32
          %mul3A_287 = arith.constant 4 : i32
          %mul3A_288 = arith.muli %mul3A_287, %add3A_286 : i32
          %add3A_289 = arith.constant 3 : i32
          %add3A_290 = arith.addi %mul3A_288, %add3A_289 : i32
          %dma_start3A_291 = arith.constant 96 : i32
          %dma_start3A_292 = arith.constant 0 : i32
          %dma_start3A_293 = tpu.memref_slice %arg10[%dma_start3A_291, %dma_start3A_292] : memref<128x128xf32, #tpu.memory_space<vmem>> -> memref<32x128xf32, #tpu.memory_space<vmem>>
          %dma_start3A_294 = arith.constant 0 : i32
          %dma_start3A_295 = tpu.memref_slice %arg8[%add3A_290, %dma_start3A_294] : memref<64x32xi32, #tpu.memory_space<vmem>> -> memref<1x32xi32, #tpu.memory_space<vmem>>
          %dma_start3A_296 = tpu.memref_squeeze %dma_start3A_295 : memref<1x32xi32, #tpu.memory_space<vmem>> -> memref<32xi32, #tpu.memory_space<vmem>>
          %dma_start3A_297 = arith.constant 0 : i32
          %dma_start3A_298 = arith.constant 0 : i32
          %dma_start3A_299 = tpu.memref_slice %arg2[%dma_start3A_297, %dma_start3A_298] : memref<20480x128xf32, #tpu.memory_space<hbm>> -> memref<20480x128xf32, #tpu.memory_space<hbm>>
          tpu.enqueue_indirect_dma source(%dma_start3A_299 : memref<20480x128xf32, #tpu.memory_space<hbm>>) target(%dma_start3A_293 : memref<32x128xf32, #tpu.memory_space<vmem>>) offsets(%dma_start3A_296 : memref<32xi32, #tpu.memory_space<vmem>>) semaphore(%arg15 : memref<!tpu.dma_semaphore, #tpu.memory_space<semaphore_mem>>)
        } else {
        }
        %add3A_226 = arith.constant 3 : i32
        %add3A_227 = arith.addi %mul3A_127, %add3A_226 : i32
        %lt3A_228 = arith.constant 16 : i32
        %lt3A_229 = arith.cmpi slt, %add3A_227, %lt3A_228 : i32
        %convert_element_type3A_230 = arith.extui %lt3A_229 : i1 to i32
        %cond3A_231 = arith.constant 0 : i32
        %cond3A_232 = arith.cmpi ne, %convert_element_type3A_230, %cond3A_231 : i32
        scf.if %cond3A_232 {
          %dma_wait3A_233 = arith.constant 0 : i32
          %dma_wait3A_234 = arith.constant 0 : i32
          %dma_wait3A_235 = tpu.memref_slice %arg9[%dma_wait3A_233, %dma_wait3A_234] : memref<16x128xi32, #tpu.memory_space<vmem>> -> memref<1x128xi32, #tpu.memory_space<vmem>>
          %dma_wait3A_236 = tpu.memref_squeeze %dma_wait3A_235 : memref<1x128xi32, #tpu.memory_space<vmem>> -> memref<128xi32, #tpu.memory_space<vmem>>
          %dma_wait3A_237 = arith.constant 0 : i32
          %dma_wait3A_238 = arith.constant 0 : i32
          %dma_wait3A_239 = tpu.memref_slice %arg7[%dma_wait3A_237, %dma_wait3A_238] : memref<10240x128xf32, #tpu.memory_space<vmem_shared>> -> memref<10240x128xf32, #tpu.memory_space<vmem_shared>>
          tpu.wait_indirect_dma semaphore(%arg21 : memref<!tpu.dma_semaphore, #tpu.memory_space<semaphore_mem>>) src(%arg11 : memref<128x128xf32, #tpu.memory_space<vmem>>) dst(%dma_wait3A_239 : memref<10240x128xf32, #tpu.memory_space<vmem_shared>>)
          %add3A_240 = arith.constant 3 : i32
          %add3A_241 = arith.addi %mul3A_127, %add3A_240 : i32
          %mul3A_242 = arith.constant 4 : i32
          %mul3A_243 = arith.muli %mul3A_242, %add3A_241 : i32
          %add3A_244 = arith.constant 0 : i32
          %add3A_245 = arith.addi %mul3A_243, %add3A_244 : i32
          %dma_start3A_246 = arith.constant 0 : i32
          %dma_start3A_247 = arith.constant 0 : i32
          %dma_start3A_248 = tpu.memref_slice %arg11[%dma_start3A_246, %dma_start3A_247] : memref<128x128xf32, #tpu.memory_space<vmem>> -> memref<32x128xf32, #tpu.memory_space<vmem>>
          %dma_start3A_249 = arith.constant 0 : i32
          %dma_start3A_250 = tpu.memref_slice %arg8[%add3A_245, %dma_start3A_249] : memref<64x32xi32, #tpu.memory_space<vmem>> -> memref<1x32xi32, #tpu.memory_space<vmem>>
          %dma_start3A_251 = tpu.memref_squeeze %dma_start3A_250 : memref<1x32xi32, #tpu.memory_space<vmem>> -> memref<32xi32, #tpu.memory_space<vmem>>
          %dma_start3A_252 = arith.constant 0 : i32
          %dma_start3A_253 = arith.constant 0 : i32
          %dma_start3A_254 = tpu.memref_slice %arg2[%dma_start3A_252, %dma_start3A_253] : memref<20480x128xf32, #tpu.memory_space<hbm>> -> memref<20480x128xf32, #tpu.memory_space<hbm>>
          tpu.enqueue_indirect_dma source(%dma_start3A_254 : memref<20480x128xf32, #tpu.memory_space<hbm>>) target(%dma_start3A_248 : memref<32x128xf32, #tpu.memory_space<vmem>>) offsets(%dma_start3A_251 : memref<32xi32, #tpu.memory_space<vmem>>) semaphore(%arg16 : memref<!tpu.dma_semaphore, #tpu.memory_space<semaphore_mem>>)
          %add3A_255 = arith.constant 3 : i32
          %add3A_256 = arith.addi %mul3A_127, %add3A_255 : i32
          %mul3A_257 = arith.constant 4 : i32
          %mul3A_258 = arith.muli %mul3A_257, %add3A_256 : i32
          %add3A_259 = arith.constant 1 : i32
          %add3A_260 = arith.addi %mul3A_258, %add3A_259 : i32
          %dma_start3A_261 = arith.constant 32 : i32
          %dma_start3A_262 = arith.constant 0 : i32
          %dma_start3A_263 = tpu.memref_slice %arg11[%dma_start3A_261, %dma_start3A_262] : memref<128x128xf32, #tpu.memory_space<vmem>> -> memref<32x128xf32, #tpu.memory_space<vmem>>
          %dma_start3A_264 = arith.constant 0 : i32
          %dma_start3A_265 = tpu.memref_slice %arg8[%add3A_260, %dma_start3A_264] : memref<64x32xi32, #tpu.memory_space<vmem>> -> memref<1x32xi32, #tpu.memory_space<vmem>>
          %dma_start3A_266 = tpu.memref_squeeze %dma_start3A_265 : memref<1x32xi32, #tpu.memory_space<vmem>> -> memref<32xi32, #tpu.memory_space<vmem>>
          %dma_start3A_267 = arith.constant 0 : i32
          %dma_start3A_268 = arith.constant 0 : i32
          %dma_start3A_269 = tpu.memref_slice %arg2[%dma_start3A_267, %dma_start3A_268] : memref<20480x128xf32, #tpu.memory_space<hbm>> -> memref<20480x128xf32, #tpu.memory_space<hbm>>
          tpu.enqueue_indirect_dma source(%dma_start3A_269 : memref<20480x128xf32, #tpu.memory_space<hbm>>) target(%dma_start3A_263 : memref<32x128xf32, #tpu.memory_space<vmem>>) offsets(%dma_start3A_266 : memref<32xi32, #tpu.memory_space<vmem>>) semaphore(%arg17 : memref<!tpu.dma_semaphore, #tpu.memory_space<semaphore_mem>>)
          %add3A_270 = arith.constant 3 : i32
          %add3A_271 = arith.addi %mul3A_127, %add3A_270 : i32
          %mul3A_272 = arith.constant 4 : i32
          %mul3A_273 = arith.muli %mul3A_272, %add3A_271 : i32
          %add3A_274 = arith.constant 2 : i32
          %add3A_275 = arith.addi %mul3A_273, %add3A_274 : i32
          %dma_start3A_276 = arith.constant 64 : i32
          %dma_start3A_277 = arith.constant 0 : i32
          %dma_start3A_278 = tpu.memref_slice %arg11[%dma_start3A_276, %dma_start3A_277] : memref<128x128xf32, #tpu.memory_space<vmem>> -> memref<32x128xf32, #tpu.memory_space<vmem>>
          %dma_start3A_279 = arith.constant 0 : i32
          %dma_start3A_280 = tpu.memref_slice %arg8[%add3A_275, %dma_start3A_279] : memref<64x32xi32, #tpu.memory_space<vmem>> -> memref<1x32xi32, #tpu.memory_space<vmem>>
          %dma_start3A_281 = tpu.memref_squeeze %dma_start3A_280 : memref<1x32xi32, #tpu.memory_space<vmem>> -> memref<32xi32, #tpu.memory_space<vmem>>
          %dma_start3A_282 = arith.constant 0 : i32
          %dma_start3A_283 = arith.constant 0 : i32
          %dma_start3A_284 = tpu.memref_slice %arg2[%dma_start3A_282, %dma_start3A_283] : memref<20480x128xf32, #tpu.memory_space<hbm>> -> memref<20480x128xf32, #tpu.memory_space<hbm>>
          tpu.enqueue_indirect_dma source(%dma_start3A_284 : memref<20480x128xf32, #tpu.memory_space<hbm>>) target(%dma_start3A_278 : memref<32x128xf32, #tpu.memory_space<vmem>>) offsets(%dma_start3A_281 : memref<32xi32, #tpu.memory_space<vmem>>) semaphore(%arg18 : memref<!tpu.dma_semaphore, #tpu.memory_space<semaphore_mem>>)
          %add3A_285 = arith.constant 3 : i32
          %add3A_286 = arith.addi %mul3A_127, %add3A_285 : i32
          %mul3A_287 = arith.constant 4 : i32
          %mul3A_288 = arith.muli %mul3A_287, %add3A_286 : i32
          %add3A_289 = arith.constant 3 : i32
          %add3A_290 = arith.addi %mul3A_288, %add3A_289 : i32
          %dma_start3A_291 = arith.constant 96 : i32
          %dma_start3A_292 = arith.constant 0 : i32
          %dma_start3A_293 = tpu.memref_slice %arg11[%dma_start3A_291, %dma_start3A_292] : memref<128x128xf32, #tpu.memory_space<vmem>> -> memref<32x128xf32, #tpu.memory_space<vmem>>
          %dma_start3A_294 = arith.constant 0 : i32
          %dma_start3A_295 = tpu.memref_slice %arg8[%add3A_290, %dma_start3A_294] : memref<64x32xi32, #tpu.memory_space<vmem>> -> memref<1x32xi32, #tpu.memory_space<vmem>>
          %dma_start3A_296 = tpu.memref_squeeze %dma_start3A_295 : memref<1x32xi32, #tpu.memory_space<vmem>> -> memref<32xi32, #tpu.memory_space<vmem>>
          %dma_start3A_297 = arith.constant 0 : i32
          %dma_start3A_298 = arith.constant 0 : i32
          %dma_start3A_299 = tpu.memref_slice %arg2[%dma_start3A_297, %dma_start3A_298] : memref<20480x128xf32, #tpu.memory_space<hbm>> -> memref<20480x128xf32, #tpu.memory_space<hbm>>
          tpu.enqueue_indirect_dma source(%dma_start3A_299 : memref<20480x128xf32, #tpu.memory_space<hbm>>) target(%dma_start3A_293 : memref<32x128xf32, #tpu.memory_space<vmem>>) offsets(%dma_start3A_296 : memref<32xi32, #tpu.memory_space<vmem>>) semaphore(%arg19 : memref<!tpu.dma_semaphore, #tpu.memory_space<semaphore_mem>>)
        } else {
        }
      }
      %scan3A_111 = arith.constant 8 : i32
      %dma_wait3A = arith.constant 0 : i32
      %dma_wait3A_112 = arith.constant 0 : i32
      %dma_wait3A_113 = tpu.memref_slice %arg9[%dma_wait3A, %dma_wait3A_112] : memref<16x128xi32, #tpu.memory_space<vmem>> -> memref<1x128xi32, #tpu.memory_space<vmem>>
      %dma_wait3A_114 = tpu.memref_squeeze %dma_wait3A_113 : memref<1x128xi32, #tpu.memory_space<vmem>> -> memref<128xi32, #tpu.memory_space<vmem>>
      %dma_wait3A_115 = arith.constant 0 : i32
      %dma_wait3A_116 = arith.constant 0 : i32
      %dma_wait3A_117 = tpu.memref_slice %arg7[%dma_wait3A_115, %dma_wait3A_116] : memref<10240x128xf32, #tpu.memory_space<vmem_shared>> -> memref<10240x128xf32, #tpu.memory_space<vmem_shared>>
      tpu.wait_indirect_dma semaphore(%arg20 : memref<!tpu.dma_semaphore, #tpu.memory_space<semaphore_mem>>) src(%arg10 : memref<128x128xf32, #tpu.memory_space<vmem>>) dst(%dma_wait3A_117 : memref<10240x128xf32, #tpu.memory_space<vmem_shared>>)
      %dma_wait3A_118 = arith.constant 0 : i32
      %dma_wait3A_119 = arith.constant 0 : i32
      %dma_wait3A_120 = tpu.memref_slice %arg9[%dma_wait3A_118, %dma_wait3A_119] : memref<16x128xi32, #tpu.memory_space<vmem>> -> memref<1x128xi32, #tpu.memory_space<vmem>>
      %dma_wait3A_121 = tpu.memref_squeeze %dma_wait3A_120 : memref<1x128xi32, #tpu.memory_space<vmem>> -> memref<128xi32, #tpu.memory_space<vmem>>
      %dma_wait3A_122 = arith.constant 0 : i32
      %dma_wait3A_123 = arith.constant 0 : i32
      %dma_wait3A_124 = tpu.memref_slice %arg7[%dma_wait3A_122, %dma_wait3A_123] : memref<10240x128xf32, #tpu.memory_space<vmem_shared>> -> memref<10240x128xf32, #tpu.memory_space<vmem_shared>>
      tpu.wait_indirect_dma semaphore(%arg21 : memref<!tpu.dma_semaphore, #tpu.memory_space<semaphore_mem>>) src(%arg11 : memref<128x128xf32, #tpu.memory_space<vmem>>) dst(%dma_wait3A_124 : memref<10240x128xf32, #tpu.memory_space<vmem_shared>>)
    }
    %scan3A_5 = arith.constant 10 : i32
    %barrier3A_6 = arith.constant 0 : index
    tpu.barrier barrier_id(%barrier3A_6)
    %mul3A_7 = arith.constant 640 : i32
    %mul3A_8 = arith.muli %arg1, %mul3A_7 : i32
    %mul3A_9 = arith.constant 10240 : i32
    %mul3A_10 = arith.muli %arg0, %mul3A_9 : i32
    %mul3A_11 = arith.constant 640 : i32
    %mul3A_12 = arith.muli %arg1, %mul3A_11 : i32
    %add3A = arith.addi %mul3A_10, %mul3A_12 : i32
    "tpu.region"() ({
      %run_scoped3A = tpu.sem_alloc : memref<!tpu.dma_semaphore, #tpu.memory_space<semaphore_mem>>
      %dma_start3A = arith.constant 0 : i32
      %dma_start3A_13 = tpu.memref_slice %arg6[%add3A, %dma_start3A] : memref<20480x128xf32, #tpu.memory_space<hbm>> -> memref<640x128xf32, #tpu.memory_space<hbm>>
      %dma_start3A_14 = arith.constant 0 : i32
      %dma_start3A_15 = tpu.memref_slice %arg7[%mul3A_8, %dma_start3A_14] : memref<10240x128xf32, #tpu.memory_space<vmem_shared>> -> memref<640x128xf32, #tpu.memory_space<vmem_shared>>
      tpu.enqueue_dma source(%dma_start3A_15 : memref<640x128xf32, #tpu.memory_space<vmem_shared>>) target(%dma_start3A_13 : memref<640x128xf32, #tpu.memory_space<hbm>>) target_semaphore(%run_scoped3A : memref<!tpu.dma_semaphore, #tpu.memory_space<semaphore_mem>>)
      %dma_wait3A = arith.constant 0 : i32
      %dma_wait3A_16 = tpu.memref_slice %arg6[%add3A, %dma_wait3A] : memref<20480x128xf32, #tpu.memory_space<hbm>> -> memref<640x128xf32, #tpu.memory_space<hbm>>
      %dma_wait3A_17 = arith.constant 0 : i32
      %dma_wait3A_18 = tpu.memref_slice %arg7[%mul3A_8, %dma_wait3A_17] : memref<10240x128xf32, #tpu.memory_space<vmem_shared>> -> memref<640x128xf32, #tpu.memory_space<vmem_shared>>
      tpu.wait_dma2 semaphore(%run_scoped3A : memref<!tpu.dma_semaphore, #tpu.memory_space<semaphore_mem>>) src(%dma_wait3A_18 : memref<640x128xf32, #tpu.memory_space<vmem_shared>>) dst(%dma_wait3A_16 : memref<640x128xf32, #tpu.memory_space<hbm>>)
      tpu.yield
    }) : () -> ()
    return
  }
}

#map = affine_map<(d0, d1) -> (0, 0)>
#map1 = affine_map<(d0, d1) -> (0, 0, 0)>
module attributes {stable_mosaic.version = 14 : i64} {
  func.func @_sc_prep_body(%arg0: i32, %arg1: i32, %arg2: memref<10240x128xf32, #tpu.memory_space<hbm>>, %arg3: memref<32x5x64xi32, #tpu.memory_space<hbm>>, %arg4: memref<2x2560x128xi32, #tpu.memory_space<hbm>>, %arg5: memref<128x128xf32, #tpu.memory_space<hbm>>, %arg6: memref<640x128xf32, #tpu.memory_space<hbm>>, %arg7: memref<20480x128xf32, #tpu.memory_space<hbm>>, %arg8: memref<10240x128xf32, #tpu.memory_space<hbm>>, %arg9: memref<10240x128xf32, #tpu.memory_space<hbm>>, %arg10: memref<10240x128xf32, #tpu.memory_space<vmem_shared>>, %arg11: memref<16x128xi32, #tpu.memory_space<vmem>>, %arg12: memref<128x128xf32, #tpu.memory_space<vmem>>, %arg13: memref<5x64xi32, #tpu.memory_space<vmem>>, %arg14: memref<64x128xf32, #tpu.memory_space<vmem>>, %arg15: memref<!tpu.dma_semaphore, #tpu.memory_space<semaphore_mem>>) attributes {dimension_semantics = [#tpu.dimension_semantics<core_parallel>, #tpu.dimension_semantics<subcore_parallel>], iteration_bounds = array<i64: 2, 16>, scalar_prefetch = 0 : i64, scratch_operands = 6 : i64, tpu.core_type = #tpu.core_type<sc_vector_subcore>, window_params = [{transform_indices = #map}, {transform_indices = #map1}, {transform_indices = #map1}, {transform_indices = #map}, {transform_indices = #map}, {transform_indices = #map}, {transform_indices = #map}, {transform_indices = #map}]} {
    %mul3A = arith.constant 16 : i32
    %mul3A_0 = arith.muli %arg0, %mul3A : i32
    %add3A = arith.addi %mul3A_0, %arg1 : i32
    %mul3A_1 = arith.constant 640 : i32
    %mul3A_2 = arith.muli %arg1, %mul3A_1 : i32
    "tpu.region"() ({
      %run_scoped3A = tpu.sem_alloc : memref<!tpu.dma_semaphore, #tpu.memory_space<semaphore_mem>>
      %dma_start3A = arith.constant 0 : i32
      %dma_start3A_26 = tpu.memref_slice %arg10[%mul3A_2, %dma_start3A] : memref<10240x128xf32, #tpu.memory_space<vmem_shared>> -> memref<640x128xf32, #tpu.memory_space<vmem_shared>>
      tpu.enqueue_dma source(%arg6 : memref<640x128xf32, #tpu.memory_space<hbm>>) target(%dma_start3A_26 : memref<640x128xf32, #tpu.memory_space<vmem_shared>>) target_semaphore(%run_scoped3A : memref<!tpu.dma_semaphore, #tpu.memory_space<semaphore_mem>>)
      %dma_wait3A = arith.constant 0 : i32
      %dma_wait3A_27 = tpu.memref_slice %arg10[%mul3A_2, %dma_wait3A] : memref<10240x128xf32, #tpu.memory_space<vmem_shared>> -> memref<640x128xf32, #tpu.memory_space<vmem_shared>>
      tpu.wait_dma2 semaphore(%run_scoped3A : memref<!tpu.dma_semaphore, #tpu.memory_space<semaphore_mem>>) src(%arg6 : memref<640x128xf32, #tpu.memory_space<hbm>>) dst(%dma_wait3A_27 : memref<640x128xf32, #tpu.memory_space<vmem_shared>>)
      tpu.yield
    }) : () -> ()
    %barrier3A = arith.constant 0 : index
    tpu.barrier barrier_id(%barrier3A)
    "tpu.region"() ({
      %run_scoped3A = tpu.sem_alloc : memref<!tpu.dma_semaphore, #tpu.memory_space<semaphore_mem>>
      tpu.enqueue_dma source(%arg5 : memref<128x128xf32, #tpu.memory_space<hbm>>) target(%arg12 : memref<128x128xf32, #tpu.memory_space<vmem>>) target_semaphore(%run_scoped3A : memref<!tpu.dma_semaphore, #tpu.memory_space<semaphore_mem>>)
      tpu.wait_dma2 semaphore(%run_scoped3A : memref<!tpu.dma_semaphore, #tpu.memory_space<semaphore_mem>>) src(%arg5 : memref<128x128xf32, #tpu.memory_space<hbm>>) dst(%arg12 : memref<128x128xf32, #tpu.memory_space<vmem>>)
      tpu.yield
    }) : () -> ()
    %scan3A = arith.constant 0 : i32
    %scan3A_3 = arith.constant 0 : i32
    %scan3A_4 = arith.constant 10 : i32
    %scan3A_5 = arith.addi %scan3A_3, %scan3A_4 : i32
    %scan3A_6 = arith.constant 1 : i32
    scf.for %scan3A_26 = %scan3A_3 to %scan3A_5 step %scan3A_6  : i32 {
      %mul3A_27 = arith.constant 160 : i32
      %mul3A_28 = arith.muli %arg1, %mul3A_27 : i32
      %mul3A_29 = arith.constant 16 : i32
      %mul3A_30 = arith.muli %scan3A_26, %mul3A_29 : i32
      %add3A_31 = arith.addi %mul3A_28, %mul3A_30 : i32
      "tpu.region"() ({
        %run_scoped3A = tpu.sem_alloc : memref<!tpu.dma_semaphore, #tpu.memory_space<semaphore_mem>>
        %dma_start3A = arith.constant 0 : i32
        %dma_start3A_43 = tpu.memref_slice %arg4[%arg0, %add3A_31, %dma_start3A] : memref<2x2560x128xi32, #tpu.memory_space<hbm>> -> memref<1x16x128xi32, #tpu.memory_space<hbm>>
        %dma_start3A_44 = tpu.memref_squeeze %dma_start3A_43 : memref<1x16x128xi32, #tpu.memory_space<hbm>> -> memref<16x128xi32, #tpu.memory_space<hbm>>
        %dma_start3A_45 = arith.constant 0 : i32
        %dma_start3A_46 = tpu.memref_slice %arg4[%arg0, %add3A_31, %dma_start3A_45] : memref<2x2560x128xi32, #tpu.memory_space<hbm>> -> memref<1x16x128xi32, #tpu.memory_space<hbm>>
        %dma_start3A_47 = tpu.memref_squeeze %dma_start3A_46 : memref<1x16x128xi32, #tpu.memory_space<hbm>> -> memref<16x128xi32, #tpu.memory_space<hbm>>
        tpu.enqueue_dma source(%dma_start3A_47 : memref<16x128xi32, #tpu.memory_space<hbm>>) target(%arg11 : memref<16x128xi32, #tpu.memory_space<vmem>>) target_semaphore(%run_scoped3A : memref<!tpu.dma_semaphore, #tpu.memory_space<semaphore_mem>>)
        %dma_wait3A = arith.constant 0 : i32
        %dma_wait3A_48 = tpu.memref_slice %arg4[%arg0, %add3A_31, %dma_wait3A] : memref<2x2560x128xi32, #tpu.memory_space<hbm>> -> memref<1x16x128xi32, #tpu.memory_space<hbm>>
        %dma_wait3A_49 = tpu.memref_squeeze %dma_wait3A_48 : memref<1x16x128xi32, #tpu.memory_space<hbm>> -> memref<16x128xi32, #tpu.memory_space<hbm>>
        %dma_wait3A_50 = arith.constant 0 : i32
        %dma_wait3A_51 = tpu.memref_slice %arg4[%arg0, %add3A_31, %dma_wait3A_50] : memref<2x2560x128xi32, #tpu.memory_space<hbm>> -> memref<1x16x128xi32, #tpu.memory_space<hbm>>
        %dma_wait3A_52 = tpu.memref_squeeze %dma_wait3A_51 : memref<1x16x128xi32, #tpu.memory_space<hbm>> -> memref<16x128xi32, #tpu.memory_space<hbm>>
        tpu.wait_dma2 semaphore(%run_scoped3A : memref<!tpu.dma_semaphore, #tpu.memory_space<semaphore_mem>>) src(%dma_wait3A_52 : memref<16x128xi32, #tpu.memory_space<hbm>>) dst(%arg11 : memref<16x128xi32, #tpu.memory_space<vmem>>)
        tpu.yield
      }) : () -> ()
      %scan3A_32 = arith.constant 0 : i32
      %scan3A_33 = arith.constant 0 : i32
      %scan3A_34 = arith.constant 16 : i32
      %scan3A_35 = arith.addi %scan3A_33, %scan3A_34 : i32
      %scan3A_36 = arith.constant 1 : i32
      scf.for %scan3A_43 = %scan3A_33 to %scan3A_35 step %scan3A_36  : i32 {
        %dma_start3A = arith.constant 0 : i32
        %dma_start3A_44 = tpu.memref_slice %arg11[%scan3A_43, %dma_start3A] : memref<16x128xi32, #tpu.memory_space<vmem>> -> memref<1x128xi32, #tpu.memory_space<vmem>>
        %dma_start3A_45 = tpu.memref_squeeze %dma_start3A_44 : memref<1x128xi32, #tpu.memory_space<vmem>> -> memref<128xi32, #tpu.memory_space<vmem>>
        %dma_start3A_46 = arith.constant 0 : i32
        %dma_start3A_47 = arith.constant 0 : i32
        %dma_start3A_48 = tpu.memref_slice %arg10[%dma_start3A_46, %dma_start3A_47] : memref<10240x128xf32, #tpu.memory_space<vmem_shared>> -> memref<10240x128xf32, #tpu.memory_space<vmem_shared>>
        tpu.enqueue_indirect_dma source(%arg12 : memref<128x128xf32, #tpu.memory_space<vmem>>) target(%dma_start3A_48 : memref<10240x128xf32, #tpu.memory_space<vmem_shared>>) offsets(%dma_start3A_45 : memref<128xi32, #tpu.memory_space<vmem>>) semaphore(%arg15 : memref<!tpu.dma_semaphore, #tpu.memory_space<semaphore_mem>>) {add = true}
      }
      %scan3A_37 = arith.constant 16 : i32
      %scan3A_38 = arith.constant 0 : i32
      %scan3A_39 = arith.constant 16 : i32
      %scan3A_40 = arith.addi %scan3A_38, %scan3A_39 : i32
      %scan3A_41 = arith.constant 1 : i32
      scf.for %scan3A_43 = %scan3A_38 to %scan3A_40 step %scan3A_41  : i32 {
        %dma_wait3A = arith.constant 0 : i32
        %dma_wait3A_44 = arith.constant 0 : i32
        %dma_wait3A_45 = tpu.memref_slice %arg11[%dma_wait3A, %dma_wait3A_44] : memref<16x128xi32, #tpu.memory_space<vmem>> -> memref<1x128xi32, #tpu.memory_space<vmem>>
        %dma_wait3A_46 = tpu.memref_squeeze %dma_wait3A_45 : memref<1x128xi32, #tpu.memory_space<vmem>> -> memref<128xi32, #tpu.memory_space<vmem>>
        %dma_wait3A_47 = arith.constant 0 : i32
        %dma_wait3A_48 = arith.constant 0 : i32
        %dma_wait3A_49 = tpu.memref_slice %arg10[%dma_wait3A_47, %dma_wait3A_48] : memref<10240x128xf32, #tpu.memory_space<vmem_shared>> -> memref<10240x128xf32, #tpu.memory_space<vmem_shared>>
        tpu.wait_indirect_dma semaphore(%arg15 : memref<!tpu.dma_semaphore, #tpu.memory_space<semaphore_mem>>) src(%arg12 : memref<128x128xf32, #tpu.memory_space<vmem>>) dst(%dma_wait3A_49 : memref<10240x128xf32, #tpu.memory_space<vmem_shared>>)
      }
      %scan3A_42 = arith.constant 16 : i32
    }
    %scan3A_7 = arith.constant 10 : i32
    %mul3A_8 = arith.constant 320 : i32
    %mul3A_9 = arith.muli %add3A, %mul3A_8 : i32
    %mul3A_10 = arith.constant 320 : i32
    %mul3A_11 = arith.muli %add3A, %mul3A_10 : i32
    "tpu.region"() ({
      %run_scoped3A = tpu.sem_alloc : memref<!tpu.dma_semaphore, #tpu.memory_space<semaphore_mem>>
      %dma_start3A = arith.constant 0 : i32
      %dma_start3A_26 = tpu.memref_slice %arg7[%mul3A_11, %dma_start3A] : memref<20480x128xf32, #tpu.memory_space<hbm>> -> memref<320x128xf32, #tpu.memory_space<hbm>>
      %dma_start3A_27 = arith.constant 0 : i32
      %dma_start3A_28 = tpu.memref_slice %arg2[%mul3A_9, %dma_start3A_27] : memref<10240x128xf32, #tpu.memory_space<hbm>> -> memref<320x128xf32, #tpu.memory_space<hbm>>
      tpu.enqueue_dma source(%dma_start3A_28 : memref<320x128xf32, #tpu.memory_space<hbm>>) target(%dma_start3A_26 : memref<320x128xf32, #tpu.memory_space<hbm>>) target_semaphore(%run_scoped3A : memref<!tpu.dma_semaphore, #tpu.memory_space<semaphore_mem>>)
      %dma_wait3A = arith.constant 0 : i32
      %dma_wait3A_29 = tpu.memref_slice %arg7[%mul3A_11, %dma_wait3A] : memref<20480x128xf32, #tpu.memory_space<hbm>> -> memref<320x128xf32, #tpu.memory_space<hbm>>
      %dma_wait3A_30 = arith.constant 0 : i32
      %dma_wait3A_31 = tpu.memref_slice %arg2[%mul3A_9, %dma_wait3A_30] : memref<10240x128xf32, #tpu.memory_space<hbm>> -> memref<320x128xf32, #tpu.memory_space<hbm>>
      tpu.wait_dma2 semaphore(%run_scoped3A : memref<!tpu.dma_semaphore, #tpu.memory_space<semaphore_mem>>) src(%dma_wait3A_31 : memref<320x128xf32, #tpu.memory_space<hbm>>) dst(%dma_wait3A_29 : memref<320x128xf32, #tpu.memory_space<hbm>>)
      tpu.yield
    }) : () -> ()
    "tpu.region"() ({
      %run_scoped3A = tpu.sem_alloc : memref<!tpu.dma_semaphore, #tpu.memory_space<semaphore_mem>>
      %dma_start3A = arith.constant 0 : i32
      %dma_start3A_26 = arith.constant 0 : i32
      %dma_start3A_27 = tpu.memref_slice %arg3[%add3A, %dma_start3A, %dma_start3A_26] : memref<32x5x64xi32, #tpu.memory_space<hbm>> -> memref<1x5x64xi32, #tpu.memory_space<hbm>>
      %dma_start3A_28 = tpu.memref_squeeze %dma_start3A_27 : memref<1x5x64xi32, #tpu.memory_space<hbm>> -> memref<5x64xi32, #tpu.memory_space<hbm>>
      %dma_start3A_29 = arith.constant 0 : i32
      %dma_start3A_30 = arith.constant 0 : i32
      %dma_start3A_31 = tpu.memref_slice %arg3[%add3A, %dma_start3A_29, %dma_start3A_30] : memref<32x5x64xi32, #tpu.memory_space<hbm>> -> memref<1x5x64xi32, #tpu.memory_space<hbm>>
      %dma_start3A_32 = tpu.memref_squeeze %dma_start3A_31 : memref<1x5x64xi32, #tpu.memory_space<hbm>> -> memref<5x64xi32, #tpu.memory_space<hbm>>
      tpu.enqueue_dma source(%dma_start3A_32 : memref<5x64xi32, #tpu.memory_space<hbm>>) target(%arg13 : memref<5x64xi32, #tpu.memory_space<vmem>>) target_semaphore(%run_scoped3A : memref<!tpu.dma_semaphore, #tpu.memory_space<semaphore_mem>>)
      %dma_wait3A = arith.constant 0 : i32
      %dma_wait3A_33 = arith.constant 0 : i32
      %dma_wait3A_34 = tpu.memref_slice %arg3[%add3A, %dma_wait3A, %dma_wait3A_33] : memref<32x5x64xi32, #tpu.memory_space<hbm>> -> memref<1x5x64xi32, #tpu.memory_space<hbm>>
      %dma_wait3A_35 = tpu.memref_squeeze %dma_wait3A_34 : memref<1x5x64xi32, #tpu.memory_space<hbm>> -> memref<5x64xi32, #tpu.memory_space<hbm>>
      %dma_wait3A_36 = arith.constant 0 : i32
      %dma_wait3A_37 = arith.constant 0 : i32
      %dma_wait3A_38 = tpu.memref_slice %arg3[%add3A, %dma_wait3A_36, %dma_wait3A_37] : memref<32x5x64xi32, #tpu.memory_space<hbm>> -> memref<1x5x64xi32, #tpu.memory_space<hbm>>
      %dma_wait3A_39 = tpu.memref_squeeze %dma_wait3A_38 : memref<1x5x64xi32, #tpu.memory_space<hbm>> -> memref<5x64xi32, #tpu.memory_space<hbm>>
      tpu.wait_dma2 semaphore(%run_scoped3A : memref<!tpu.dma_semaphore, #tpu.memory_space<semaphore_mem>>) src(%dma_wait3A_39 : memref<5x64xi32, #tpu.memory_space<hbm>>) dst(%arg13 : memref<5x64xi32, #tpu.memory_space<vmem>>)
      tpu.yield
    }) : () -> ()
    %scan3A_12 = arith.constant 0 : i32
    %scan3A_13 = arith.constant 0 : i32
    %scan3A_14 = arith.constant 5 : i32
    %scan3A_15 = arith.addi %scan3A_13, %scan3A_14 : i32
    %scan3A_16 = arith.constant 1 : i32
    scf.for %scan3A_26 = %scan3A_13 to %scan3A_15 step %scan3A_16  : i32 {
      %mul3A_27 = arith.constant 5 : i32
      %mul3A_28 = arith.muli %add3A, %mul3A_27 : i32
      %add3A_29 = arith.addi %mul3A_28, %scan3A_26 : i32
      "tpu.region"() ({
        %run_scoped3A = tpu.sem_alloc : memref<!tpu.dma_semaphore, #tpu.memory_space<semaphore_mem>>
        %dma_start3A = arith.constant 0 : i32
        %dma_start3A_34 = tpu.memref_slice %arg13[%scan3A_26, %dma_start3A] : memref<5x64xi32, #tpu.memory_space<vmem>> -> memref<1x64xi32, #tpu.memory_space<vmem>>
        %dma_start3A_35 = tpu.memref_squeeze %dma_start3A_34 : memref<1x64xi32, #tpu.memory_space<vmem>> -> memref<64xi32, #tpu.memory_space<vmem>>
        %dma_start3A_36 = arith.constant 0 : i32
        %dma_start3A_37 = arith.constant 0 : i32
        %dma_start3A_38 = tpu.memref_slice %arg2[%dma_start3A_36, %dma_start3A_37] : memref<10240x128xf32, #tpu.memory_space<hbm>> -> memref<10240x128xf32, #tpu.memory_space<hbm>>
        tpu.enqueue_indirect_dma source(%dma_start3A_38 : memref<10240x128xf32, #tpu.memory_space<hbm>>) target(%arg14 : memref<64x128xf32, #tpu.memory_space<vmem>>) offsets(%dma_start3A_35 : memref<64xi32, #tpu.memory_space<vmem>>) semaphore(%run_scoped3A : memref<!tpu.dma_semaphore, #tpu.memory_space<semaphore_mem>>)
        %dma_wait3A = arith.constant 0 : i32
        %dma_wait3A_39 = tpu.memref_slice %arg13[%scan3A_26, %dma_wait3A] : memref<5x64xi32, #tpu.memory_space<vmem>> -> memref<1x64xi32, #tpu.memory_space<vmem>>
        %dma_wait3A_40 = tpu.memref_squeeze %dma_wait3A_39 : memref<1x64xi32, #tpu.memory_space<vmem>> -> memref<64xi32, #tpu.memory_space<vmem>>
        %dma_wait3A_41 = arith.constant 0 : i32
        %dma_wait3A_42 = arith.constant 0 : i32
        %dma_wait3A_43 = tpu.memref_slice %arg2[%dma_wait3A_41, %dma_wait3A_42] : memref<10240x128xf32, #tpu.memory_space<hbm>> -> memref<10240x128xf32, #tpu.memory_space<hbm>>
        tpu.wait_indirect_dma semaphore(%run_scoped3A : memref<!tpu.dma_semaphore, #tpu.memory_space<semaphore_mem>>) src(%dma_wait3A_43 : memref<10240x128xf32, #tpu.memory_space<hbm>>) dst(%arg14 : memref<64x128xf32, #tpu.memory_space<vmem>>)
        tpu.yield
      }) : () -> ()
      %mul3A_30 = arith.constant 64 : i32
      %mul3A_31 = arith.muli %add3A_29, %mul3A_30 : i32
      %add3A_32 = arith.constant 10240 : i32
      %add3A_33 = arith.addi %add3A_32, %mul3A_31 : i32
      "tpu.region"() ({
        %run_scoped3A = tpu.sem_alloc : memref<!tpu.dma_semaphore, #tpu.memory_space<semaphore_mem>>
        %dma_start3A = arith.constant 0 : i32
        %dma_start3A_34 = tpu.memref_slice %arg7[%add3A_33, %dma_start3A] : memref<20480x128xf32, #tpu.memory_space<hbm>> -> memref<64x128xf32, #tpu.memory_space<hbm>>
        %dma_start3A_35 = arith.constant 0 : i32
        %dma_start3A_36 = tpu.memref_slice %arg7[%add3A_33, %dma_start3A_35] : memref<20480x128xf32, #tpu.memory_space<hbm>> -> memref<64x128xf32, #tpu.memory_space<hbm>>
        tpu.enqueue_dma source(%arg14 : memref<64x128xf32, #tpu.memory_space<vmem>>) target(%dma_start3A_36 : memref<64x128xf32, #tpu.memory_space<hbm>>) target_semaphore(%run_scoped3A : memref<!tpu.dma_semaphore, #tpu.memory_space<semaphore_mem>>)
        %dma_wait3A = arith.constant 0 : i32
        %dma_wait3A_37 = tpu.memref_slice %arg7[%add3A_33, %dma_wait3A] : memref<20480x128xf32, #tpu.memory_space<hbm>> -> memref<64x128xf32, #tpu.memory_space<hbm>>
        %dma_wait3A_38 = arith.constant 0 : i32
        %dma_wait3A_39 = tpu.memref_slice %arg7[%add3A_33, %dma_wait3A_38] : memref<20480x128xf32, #tpu.memory_space<hbm>> -> memref<64x128xf32, #tpu.memory_space<hbm>>
        tpu.wait_dma2 semaphore(%run_scoped3A : memref<!tpu.dma_semaphore, #tpu.memory_space<semaphore_mem>>) src(%arg14 : memref<64x128xf32, #tpu.memory_space<vmem>>) dst(%dma_wait3A_39 : memref<64x128xf32, #tpu.memory_space<hbm>>)
        tpu.yield
      }) : () -> ()
    }
    %scan3A_17 = arith.constant 5 : i32
    %barrier3A_18 = arith.constant 0 : index
    tpu.barrier barrier_id(%barrier3A_18)
    %eq3A = arith.constant 0 : i32
    %eq3A_19 = arith.cmpi eq, %arg0, %eq3A : i32
    %convert_element_type3A = arith.extui %eq3A_19 : i1 to i32
    %cond3A = arith.constant 0 : i32
    %cond3A_20 = arith.cmpi ne, %convert_element_type3A, %cond3A : i32
    scf.if %cond3A_20 {
      %mul3A_26 = arith.constant 640 : i32
      %mul3A_27 = arith.muli %arg1, %mul3A_26 : i32
      %mul3A_28 = arith.constant 640 : i32
      %mul3A_29 = arith.muli %arg1, %mul3A_28 : i32
      "tpu.region"() ({
        %run_scoped3A = tpu.sem_alloc : memref<!tpu.dma_semaphore, #tpu.memory_space<semaphore_mem>>
        %dma_start3A = arith.constant 0 : i32
        %dma_start3A_30 = tpu.memref_slice %arg8[%mul3A_29, %dma_start3A] : memref<10240x128xf32, #tpu.memory_space<hbm>> -> memref<640x128xf32, #tpu.memory_space<hbm>>
        %dma_start3A_31 = arith.constant 0 : i32
        %dma_start3A_32 = tpu.memref_slice %arg10[%mul3A_27, %dma_start3A_31] : memref<10240x128xf32, #tpu.memory_space<vmem_shared>> -> memref<640x128xf32, #tpu.memory_space<vmem_shared>>
        tpu.enqueue_dma source(%dma_start3A_32 : memref<640x128xf32, #tpu.memory_space<vmem_shared>>) target(%dma_start3A_30 : memref<640x128xf32, #tpu.memory_space<hbm>>) target_semaphore(%run_scoped3A : memref<!tpu.dma_semaphore, #tpu.memory_space<semaphore_mem>>)
        %dma_wait3A = arith.constant 0 : i32
        %dma_wait3A_33 = tpu.memref_slice %arg8[%mul3A_29, %dma_wait3A] : memref<10240x128xf32, #tpu.memory_space<hbm>> -> memref<640x128xf32, #tpu.memory_space<hbm>>
        %dma_wait3A_34 = arith.constant 0 : i32
        %dma_wait3A_35 = tpu.memref_slice %arg10[%mul3A_27, %dma_wait3A_34] : memref<10240x128xf32, #tpu.memory_space<vmem_shared>> -> memref<640x128xf32, #tpu.memory_space<vmem_shared>>
        tpu.wait_dma2 semaphore(%run_scoped3A : memref<!tpu.dma_semaphore, #tpu.memory_space<semaphore_mem>>) src(%dma_wait3A_35 : memref<640x128xf32, #tpu.memory_space<vmem_shared>>) dst(%dma_wait3A_33 : memref<640x128xf32, #tpu.memory_space<hbm>>)
        tpu.yield
      }) : () -> ()
    } else {
    }
    %eq3A_21 = arith.constant 1 : i32
    %eq3A_22 = arith.cmpi eq, %arg0, %eq3A_21 : i32
    %convert_element_type3A_23 = arith.extui %eq3A_22 : i1 to i32
    %cond3A_24 = arith.constant 0 : i32
    %cond3A_25 = arith.cmpi ne, %convert_element_type3A_23, %cond3A_24 : i32
    scf.if %cond3A_25 {
      %mul3A_26 = arith.constant 640 : i32
      %mul3A_27 = arith.muli %arg1, %mul3A_26 : i32
      %mul3A_28 = arith.constant 640 : i32
      %mul3A_29 = arith.muli %arg1, %mul3A_28 : i32
      "tpu.region"() ({
        %run_scoped3A = tpu.sem_alloc : memref<!tpu.dma_semaphore, #tpu.memory_space<semaphore_mem>>
        %dma_start3A = arith.constant 0 : i32
        %dma_start3A_30 = tpu.memref_slice %arg9[%mul3A_29, %dma_start3A] : memref<10240x128xf32, #tpu.memory_space<hbm>> -> memref<640x128xf32, #tpu.memory_space<hbm>>
        %dma_start3A_31 = arith.constant 0 : i32
        %dma_start3A_32 = tpu.memref_slice %arg10[%mul3A_27, %dma_start3A_31] : memref<10240x128xf32, #tpu.memory_space<vmem_shared>> -> memref<640x128xf32, #tpu.memory_space<vmem_shared>>
        tpu.enqueue_dma source(%dma_start3A_32 : memref<640x128xf32, #tpu.memory_space<vmem_shared>>) target(%dma_start3A_30 : memref<640x128xf32, #tpu.memory_space<hbm>>) target_semaphore(%run_scoped3A : memref<!tpu.dma_semaphore, #tpu.memory_space<semaphore_mem>>)
        %dma_wait3A = arith.constant 0 : i32
        %dma_wait3A_33 = tpu.memref_slice %arg9[%mul3A_29, %dma_wait3A] : memref<10240x128xf32, #tpu.memory_space<hbm>> -> memref<640x128xf32, #tpu.memory_space<hbm>>
        %dma_wait3A_34 = arith.constant 0 : i32
        %dma_wait3A_35 = tpu.memref_slice %arg10[%mul3A_27, %dma_wait3A_34] : memref<10240x128xf32, #tpu.memory_space<vmem_shared>> -> memref<640x128xf32, #tpu.memory_space<vmem_shared>>
        tpu.wait_dma2 semaphore(%run_scoped3A : memref<!tpu.dma_semaphore, #tpu.memory_space<semaphore_mem>>) src(%dma_wait3A_35 : memref<640x128xf32, #tpu.memory_space<vmem_shared>>) dst(%dma_wait3A_33 : memref<640x128xf32, #tpu.memory_space<hbm>>)
        tpu.yield
      }) : () -> ()
    } else {
    }
    return
  }
}

#map = affine_map<(d0, d1) -> (0, 0)>
#map1 = affine_map<(d0, d1) -> (0, 0, 0)>
module attributes {stable_mosaic.version = 14 : i64} {
  func.func @_sc_scatter_body(%arg0: i32, %arg1: i32, %arg2: memref<20480x128xf32, #tpu.memory_space<hbm>>, %arg3: memref<2x10240x32xi32, #tpu.memory_space<hbm>>, %arg4: memref<2560x128xi32, #tpu.memory_space<hbm>>, %arg5: memref<640x128xf32, #tpu.memory_space<hbm>>, %arg6: memref<20480x128xf32, #tpu.memory_space<hbm>>, %arg7: memref<10240x128xf32, #tpu.memory_space<vmem_shared>>, %arg8: memref<64x32xi32, #tpu.memory_space<vmem>>, %arg9: memref<16x128xi32, #tpu.memory_space<vmem>>, %arg10: memref<128x128xf32, #tpu.memory_space<vmem>>, %arg11: memref<128x128xf32, #tpu.memory_space<vmem>>, %arg12: memref<!tpu.dma_semaphore, #tpu.memory_space<semaphore_mem>>, %arg13: memref<!tpu.dma_semaphore, #tpu.memory_space<semaphore_mem>>, %arg14: memref<!tpu.dma_semaphore, #tpu.memory_space<semaphore_mem>>, %arg15: memref<!tpu.dma_semaphore, #tpu.memory_space<semaphore_mem>>, %arg16: memref<!tpu.dma_semaphore, #tpu.memory_space<semaphore_mem>>, %arg17: memref<!tpu.dma_semaphore, #tpu.memory_space<semaphore_mem>>, %arg18: memref<!tpu.dma_semaphore, #tpu.memory_space<semaphore_mem>>, %arg19: memref<!tpu.dma_semaphore, #tpu.memory_space<semaphore_mem>>, %arg20: memref<!tpu.dma_semaphore, #tpu.memory_space<semaphore_mem>>, %arg21: memref<!tpu.dma_semaphore, #tpu.memory_space<semaphore_mem>>) attributes {dimension_semantics = [#tpu.dimension_semantics<core_parallel>, #tpu.dimension_semantics<subcore_parallel>], iteration_bounds = array<i64: 2, 16>, scalar_prefetch = 0 : i64, scratch_operands = 15 : i64, tpu.core_type = #tpu.core_type<sc_vector_subcore>, window_params = [{transform_indices = #map}, {transform_indices = #map1}, {transform_indices = #map}, {transform_indices = #map}, {transform_indices = #map}]} {
    %mul3A = arith.constant 640 : i32
    %mul3A_0 = arith.muli %arg1, %mul3A : i32
    "tpu.region"() ({
      %run_scoped3A = tpu.sem_alloc : memref<!tpu.dma_semaphore, #tpu.memory_space<semaphore_mem>>
      %dma_start3A = arith.constant 0 : i32
      %dma_start3A_13 = tpu.memref_slice %arg7[%mul3A_0, %dma_start3A] : memref<10240x128xf32, #tpu.memory_space<vmem_shared>> -> memref<640x128xf32, #tpu.memory_space<vmem_shared>>
      tpu.enqueue_dma source(%arg5 : memref<640x128xf32, #tpu.memory_space<hbm>>) target(%dma_start3A_13 : memref<640x128xf32, #tpu.memory_space<vmem_shared>>) target_semaphore(%run_scoped3A : memref<!tpu.dma_semaphore, #tpu.memory_space<semaphore_mem>>)
      %dma_wait3A = arith.constant 0 : i32
      %dma_wait3A_14 = tpu.memref_slice %arg7[%mul3A_0, %dma_wait3A] : memref<10240x128xf32, #tpu.memory_space<vmem_shared>> -> memref<640x128xf32, #tpu.memory_space<vmem_shared>>
      tpu.wait_dma2 semaphore(%run_scoped3A : memref<!tpu.dma_semaphore, #tpu.memory_space<semaphore_mem>>) src(%arg5 : memref<640x128xf32, #tpu.memory_space<hbm>>) dst(%dma_wait3A_14 : memref<640x128xf32, #tpu.memory_space<vmem_shared>>)
      tpu.yield
    }) : () -> ()
    %barrier3A = arith.constant 0 : index
    tpu.barrier barrier_id(%barrier3A)
    %scan3A = arith.constant 0 : i32
    %scan3A_1 = arith.constant 0 : i32
    %scan3A_2 = arith.constant 10 : i32
    %scan3A_3 = arith.addi %scan3A_1, %scan3A_2 : i32
    %scan3A_4 = arith.constant 1 : i32
    scf.for %scan3A_13 = %scan3A_1 to %scan3A_3 step %scan3A_4  : i32 {
      %mul3A_14 = arith.constant 4 : i32
      %mul3A_15 = arith.muli %arg1, %mul3A_14 : i32
      %mul3A_16 = arith.constant 160 : i32
      %mul3A_17 = arith.muli %mul3A_15, %mul3A_16 : i32
      %mul3A_18 = arith.constant 4 : i32
      %mul3A_19 = arith.muli %scan3A_13, %mul3A_18 : i32
      %mul3A_20 = arith.constant 16 : i32
      %mul3A_21 = arith.muli %mul3A_19, %mul3A_20 : i32
      %add3A_22 = arith.addi %mul3A_17, %mul3A_21 : i32
      "tpu.region"() ({
        %run_scoped3A = tpu.sem_alloc : memref<!tpu.dma_semaphore, #tpu.memory_space<semaphore_mem>>
        %dma_start3A_125 = arith.constant 0 : i32
        %dma_start3A_126 = tpu.memref_slice %arg3[%arg0, %add3A_22, %dma_start3A_125] : memref<2x10240x32xi32, #tpu.memory_space<hbm>> -> memref<1x64x32xi32, #tpu.memory_space<hbm>>
        %dma_start3A_127 = tpu.memref_squeeze %dma_start3A_126 : memref<1x64x32xi32, #tpu.memory_space<hbm>> -> memref<64x32xi32, #tpu.memory_space<hbm>>
        %dma_start3A_128 = arith.constant 0 : i32
        %dma_start3A_129 = tpu.memref_slice %arg3[%arg0, %add3A_22, %dma_start3A_128] : memref<2x10240x32xi32, #tpu.memory_space<hbm>> -> memref<1x64x32xi32, #tpu.memory_space<hbm>>
        %dma_start3A_130 = tpu.memref_squeeze %dma_start3A_129 : memref<1x64x32xi32, #tpu.memory_space<hbm>> -> memref<64x32xi32, #tpu.memory_space<hbm>>
        tpu.enqueue_dma source(%dma_start3A_130 : memref<64x32xi32, #tpu.memory_space<hbm>>) target(%arg8 : memref<64x32xi32, #tpu.memory_space<vmem>>) target_semaphore(%run_scoped3A : memref<!tpu.dma_semaphore, #tpu.memory_space<semaphore_mem>>)
        %dma_wait3A_131 = arith.constant 0 : i32
        %dma_wait3A_132 = tpu.memref_slice %arg3[%arg0, %add3A_22, %dma_wait3A_131] : memref<2x10240x32xi32, #tpu.memory_space<hbm>> -> memref<1x64x32xi32, #tpu.memory_space<hbm>>
        %dma_wait3A_133 = tpu.memref_squeeze %dma_wait3A_132 : memref<1x64x32xi32, #tpu.memory_space<hbm>> -> memref<64x32xi32, #tpu.memory_space<hbm>>
        %dma_wait3A_134 = arith.constant 0 : i32
        %dma_wait3A_135 = tpu.memref_slice %arg3[%arg0, %add3A_22, %dma_wait3A_134] : memref<2x10240x32xi32, #tpu.memory_space<hbm>> -> memref<1x64x32xi32, #tpu.memory_space<hbm>>
        %dma_wait3A_136 = tpu.memref_squeeze %dma_wait3A_135 : memref<1x64x32xi32, #tpu.memory_space<hbm>> -> memref<64x32xi32, #tpu.memory_space<hbm>>
        tpu.wait_dma2 semaphore(%run_scoped3A : memref<!tpu.dma_semaphore, #tpu.memory_space<semaphore_mem>>) src(%dma_wait3A_136 : memref<64x32xi32, #tpu.memory_space<hbm>>) dst(%arg8 : memref<64x32xi32, #tpu.memory_space<vmem>>)
        tpu.yield
      }) : () -> ()
      %mul3A_23 = arith.constant 160 : i32
      %mul3A_24 = arith.muli %arg1, %mul3A_23 : i32
      %mul3A_25 = arith.constant 16 : i32
      %mul3A_26 = arith.muli %scan3A_13, %mul3A_25 : i32
      %add3A_27 = arith.addi %mul3A_24, %mul3A_26 : i32
      "tpu.region"() ({
        %run_scoped3A = tpu.sem_alloc : memref<!tpu.dma_semaphore, #tpu.memory_space<semaphore_mem>>
        %dma_start3A_125 = arith.constant 0 : i32
        %dma_start3A_126 = tpu.memref_slice %arg4[%add3A_27, %dma_start3A_125] : memref<2560x128xi32, #tpu.memory_space<hbm>> -> memref<16x128xi32, #tpu.memory_space<hbm>>
        %dma_start3A_127 = arith.constant 0 : i32
        %dma_start3A_128 = tpu.memref_slice %arg4[%add3A_27, %dma_start3A_127] : memref<2560x128xi32, #tpu.memory_space<hbm>> -> memref<16x128xi32, #tpu.memory_space<hbm>>
        tpu.enqueue_dma source(%dma_start3A_128 : memref<16x128xi32, #tpu.memory_space<hbm>>) target(%arg9 : memref<16x128xi32, #tpu.memory_space<vmem>>) target_semaphore(%run_scoped3A : memref<!tpu.dma_semaphore, #tpu.memory_space<semaphore_mem>>)
        %dma_wait3A_129 = arith.constant 0 : i32
        %dma_wait3A_130 = tpu.memref_slice %arg4[%add3A_27, %dma_wait3A_129] : memref<2560x128xi32, #tpu.memory_space<hbm>> -> memref<16x128xi32, #tpu.memory_space<hbm>>
        %dma_wait3A_131 = arith.constant 0 : i32
        %dma_wait3A_132 = tpu.memref_slice %arg4[%add3A_27, %dma_wait3A_131] : memref<2560x128xi32, #tpu.memory_space<hbm>> -> memref<16x128xi32, #tpu.memory_space<hbm>>
        tpu.wait_dma2 semaphore(%run_scoped3A : memref<!tpu.dma_semaphore, #tpu.memory_space<semaphore_mem>>) src(%dma_wait3A_132 : memref<16x128xi32, #tpu.memory_space<hbm>>) dst(%arg9 : memref<16x128xi32, #tpu.memory_space<vmem>>)
        tpu.yield
      }) : () -> ()
      %dma_start3A = arith.constant 0 : i32
      %dma_start3A_28 = arith.constant 0 : i32
      %dma_start3A_29 = arith.constant 0 : i32
      %dma_start3A_30 = tpu.memref_slice %arg10[%dma_start3A_28, %dma_start3A_29] : memref<128x128xf32, #tpu.memory_space<vmem>> -> memref<32x128xf32, #tpu.memory_space<vmem>>
      %dma_start3A_31 = arith.constant 0 : i32
      %dma_start3A_32 = tpu.memref_slice %arg8[%dma_start3A, %dma_start3A_31] : memref<64x32xi32, #tpu.memory_space<vmem>> -> memref<1x32xi32, #tpu.memory_space<vmem>>
      %dma_start3A_33 = tpu.memref_squeeze %dma_start3A_32 : memref<1x32xi32, #tpu.memory_space<vmem>> -> memref<32xi32, #tpu.memory_space<vmem>>
      %dma_start3A_34 = arith.constant 0 : i32
      %dma_start3A_35 = arith.constant 0 : i32
      %dma_start3A_36 = tpu.memref_slice %arg2[%dma_start3A_34, %dma_start3A_35] : memref<20480x128xf32, #tpu.memory_space<hbm>> -> memref<20480x128xf32, #tpu.memory_space<hbm>>
      tpu.enqueue_indirect_dma source(%dma_start3A_36 : memref<20480x128xf32, #tpu.memory_space<hbm>>) target(%dma_start3A_30 : memref<32x128xf32, #tpu.memory_space<vmem>>) offsets(%dma_start3A_33 : memref<32xi32, #tpu.memory_space<vmem>>) semaphore(%arg12 : memref<!tpu.dma_semaphore, #tpu.memory_space<semaphore_mem>>)
      %dma_start3A_37 = arith.constant 4 : i32
      %dma_start3A_38 = arith.constant 0 : i32
      %dma_start3A_39 = arith.constant 0 : i32
      %dma_start3A_40 = tpu.memref_slice %arg11[%dma_start3A_38, %dma_start3A_39] : memref<128x128xf32, #tpu.memory_space<vmem>> -> memref<32x128xf32, #tpu.memory_space<vmem>>
      %dma_start3A_41 = arith.constant 0 : i32
      %dma_start3A_42 = tpu.memref_slice %arg8[%dma_start3A_37, %dma_start3A_41] : memref<64x32xi32, #tpu.memory_space<vmem>> -> memref<1x32xi32, #tpu.memory_space<vmem>>
      %dma_start3A_43 = tpu.memref_squeeze %dma_start3A_42 : memref<1x32xi32, #tpu.memory_space<vmem>> -> memref<32xi32, #tpu.memory_space<vmem>>
      %dma_start3A_44 = arith.constant 0 : i32
      %dma_start3A_45 = arith.constant 0 : i32
      %dma_start3A_46 = tpu.memref_slice %arg2[%dma_start3A_44, %dma_start3A_45] : memref<20480x128xf32, #tpu.memory_space<hbm>> -> memref<20480x128xf32, #tpu.memory_space<hbm>>
      tpu.enqueue_indirect_dma source(%dma_start3A_46 : memref<20480x128xf32, #tpu.memory_space<hbm>>) target(%dma_start3A_40 : memref<32x128xf32, #tpu.memory_space<vmem>>) offsets(%dma_start3A_43 : memref<32xi32, #tpu.memory_space<vmem>>) semaphore(%arg16 : memref<!tpu.dma_semaphore, #tpu.memory_space<semaphore_mem>>)
      %dma_start3A_47 = arith.constant 1 : i32
      %dma_start3A_48 = arith.constant 32 : i32
      %dma_start3A_49 = arith.constant 0 : i32
      %dma_start3A_50 = tpu.memref_slice %arg10[%dma_start3A_48, %dma_start3A_49] : memref<128x128xf32, #tpu.memory_space<vmem>> -> memref<32x128xf32, #tpu.memory_space<vmem>>
      %dma_start3A_51 = arith.constant 0 : i32
      %dma_start3A_52 = tpu.memref_slice %arg8[%dma_start3A_47, %dma_start3A_51] : memref<64x32xi32, #tpu.memory_space<vmem>> -> memref<1x32xi32, #tpu.memory_space<vmem>>
      %dma_start3A_53 = tpu.memref_squeeze %dma_start3A_52 : memref<1x32xi32, #tpu.memory_space<vmem>> -> memref<32xi32, #tpu.memory_space<vmem>>
      %dma_start3A_54 = arith.constant 0 : i32
      %dma_start3A_55 = arith.constant 0 : i32
      %dma_start3A_56 = tpu.memref_slice %arg2[%dma_start3A_54, %dma_start3A_55] : memref<20480x128xf32, #tpu.memory_space<hbm>> -> memref<20480x128xf32, #tpu.memory_space<hbm>>
      tpu.enqueue_indirect_dma source(%dma_start3A_56 : memref<20480x128xf32, #tpu.memory_space<hbm>>) target(%dma_start3A_50 : memref<32x128xf32, #tpu.memory_space<vmem>>) offsets(%dma_start3A_53 : memref<32xi32, #tpu.memory_space<vmem>>) semaphore(%arg13 : memref<!tpu.dma_semaphore, #tpu.memory_space<semaphore_mem>>)
      %dma_start3A_57 = arith.constant 5 : i32
      %dma_start3A_58 = arith.constant 32 : i32
      %dma_start3A_59 = arith.constant 0 : i32
      %dma_start3A_60 = tpu.memref_slice %arg11[%dma_start3A_58, %dma_start3A_59] : memref<128x128xf32, #tpu.memory_space<vmem>> -> memref<32x128xf32, #tpu.memory_space<vmem>>
      %dma_start3A_61 = arith.constant 0 : i32
      %dma_start3A_62 = tpu.memref_slice %arg8[%dma_start3A_57, %dma_start3A_61] : memref<64x32xi32, #tpu.memory_space<vmem>> -> memref<1x32xi32, #tpu.memory_space<vmem>>
      %dma_start3A_63 = tpu.memref_squeeze %dma_start3A_62 : memref<1x32xi32, #tpu.memory_space<vmem>> -> memref<32xi32, #tpu.memory_space<vmem>>
      %dma_start3A_64 = arith.constant 0 : i32
      %dma_start3A_65 = arith.constant 0 : i32
      %dma_start3A_66 = tpu.memref_slice %arg2[%dma_start3A_64, %dma_start3A_65] : memref<20480x128xf32, #tpu.memory_space<hbm>> -> memref<20480x128xf32, #tpu.memory_space<hbm>>
      tpu.enqueue_indirect_dma source(%dma_start3A_66 : memref<20480x128xf32, #tpu.memory_space<hbm>>) target(%dma_start3A_60 : memref<32x128xf32, #tpu.memory_space<vmem>>) offsets(%dma_start3A_63 : memref<32xi32, #tpu.memory_space<vmem>>) semaphore(%arg17 : memref<!tpu.dma_semaphore, #tpu.memory_space<semaphore_mem>>)
      %dma_start3A_67 = arith.constant 2 : i32
      %dma_start3A_68 = arith.constant 64 : i32
      %dma_start3A_69 = arith.constant 0 : i32
      %dma_start3A_70 = tpu.memref_slice %arg10[%dma_start3A_68, %dma_start3A_69] : memref<128x128xf32, #tpu.memory_space<vmem>> -> memref<32x128xf32, #tpu.memory_space<vmem>>
      %dma_start3A_71 = arith.constant 0 : i32
      %dma_start3A_72 = tpu.memref_slice %arg8[%dma_start3A_67, %dma_start3A_71] : memref<64x32xi32, #tpu.memory_space<vmem>> -> memref<1x32xi32, #tpu.memory_space<vmem>>
      %dma_start3A_73 = tpu.memref_squeeze %dma_start3A_72 : memref<1x32xi32, #tpu.memory_space<vmem>> -> memref<32xi32, #tpu.memory_space<vmem>>
      %dma_start3A_74 = arith.constant 0 : i32
      %dma_start3A_75 = arith.constant 0 : i32
      %dma_start3A_76 = tpu.memref_slice %arg2[%dma_start3A_74, %dma_start3A_75] : memref<20480x128xf32, #tpu.memory_space<hbm>> -> memref<20480x128xf32, #tpu.memory_space<hbm>>
      tpu.enqueue_indirect_dma source(%dma_start3A_76 : memref<20480x128xf32, #tpu.memory_space<hbm>>) target(%dma_start3A_70 : memref<32x128xf32, #tpu.memory_space<vmem>>) offsets(%dma_start3A_73 : memref<32xi32, #tpu.memory_space<vmem>>) semaphore(%arg14 : memref<!tpu.dma_semaphore, #tpu.memory_space<semaphore_mem>>)
      %dma_start3A_77 = arith.constant 6 : i32
      %dma_start3A_78 = arith.constant 64 : i32
      %dma_start3A_79 = arith.constant 0 : i32
      %dma_start3A_80 = tpu.memref_slice %arg11[%dma_start3A_78, %dma_start3A_79] : memref<128x128xf32, #tpu.memory_space<vmem>> -> memref<32x128xf32, #tpu.memory_space<vmem>>
      %dma_start3A_81 = arith.constant 0 : i32
      %dma_start3A_82 = tpu.memref_slice %arg8[%dma_start3A_77, %dma_start3A_81] : memref<64x32xi32, #tpu.memory_space<vmem>> -> memref<1x32xi32, #tpu.memory_space<vmem>>
      %dma_start3A_83 = tpu.memref_squeeze %dma_start3A_82 : memref<1x32xi32, #tpu.memory_space<vmem>> -> memref<32xi32, #tpu.memory_space<vmem>>
      %dma_start3A_84 = arith.constant 0 : i32
      %dma_start3A_85 = arith.constant 0 : i32
      %dma_start3A_86 = tpu.memref_slice %arg2[%dma_start3A_84, %dma_start3A_85] : memref<20480x128xf32, #tpu.memory_space<hbm>> -> memref<20480x128xf32, #tpu.memory_space<hbm>>
      tpu.enqueue_indirect_dma source(%dma_start3A_86 : memref<20480x128xf32, #tpu.memory_space<hbm>>) target(%dma_start3A_80 : memref<32x128xf32, #tpu.memory_space<vmem>>) offsets(%dma_start3A_83 : memref<32xi32, #tpu.memory_space<vmem>>) semaphore(%arg18 : memref<!tpu.dma_semaphore, #tpu.memory_space<semaphore_mem>>)
      %dma_start3A_87 = arith.constant 3 : i32
      %dma_start3A_88 = arith.constant 96 : i32
      %dma_start3A_89 = arith.constant 0 : i32
      %dma_start3A_90 = tpu.memref_slice %arg10[%dma_start3A_88, %dma_start3A_89] : memref<128x128xf32, #tpu.memory_space<vmem>> -> memref<32x128xf32, #tpu.memory_space<vmem>>
      %dma_start3A_91 = arith.constant 0 : i32
      %dma_start3A_92 = tpu.memref_slice %arg8[%dma_start3A_87, %dma_start3A_91] : memref<64x32xi32, #tpu.memory_space<vmem>> -> memref<1x32xi32, #tpu.memory_space<vmem>>
      %dma_start3A_93 = tpu.memref_squeeze %dma_start3A_92 : memref<1x32xi32, #tpu.memory_space<vmem>> -> memref<32xi32, #tpu.memory_space<vmem>>
      %dma_start3A_94 = arith.constant 0 : i32
      %dma_start3A_95 = arith.constant 0 : i32
      %dma_start3A_96 = tpu.memref_slice %arg2[%dma_start3A_94, %dma_start3A_95] : memref<20480x128xf32, #tpu.memory_space<hbm>> -> memref<20480x128xf32, #tpu.memory_space<hbm>>
      tpu.enqueue_indirect_dma source(%dma_start3A_96 : memref<20480x128xf32, #tpu.memory_space<hbm>>) target(%dma_start3A_90 : memref<32x128xf32, #tpu.memory_space<vmem>>) offsets(%dma_start3A_93 : memref<32xi32, #tpu.memory_space<vmem>>) semaphore(%arg15 : memref<!tpu.dma_semaphore, #tpu.memory_space<semaphore_mem>>)
      %dma_start3A_97 = arith.constant 7 : i32
      %dma_start3A_98 = arith.constant 96 : i32
      %dma_start3A_99 = arith.constant 0 : i32
      %dma_start3A_100 = tpu.memref_slice %arg11[%dma_start3A_98, %dma_start3A_99] : memref<128x128xf32, #tpu.memory_space<vmem>> -> memref<32x128xf32, #tpu.memory_space<vmem>>
      %dma_start3A_101 = arith.constant 0 : i32
      %dma_start3A_102 = tpu.memref_slice %arg8[%dma_start3A_97, %dma_start3A_101] : memref<64x32xi32, #tpu.memory_space<vmem>> -> memref<1x32xi32, #tpu.memory_space<vmem>>
      %dma_start3A_103 = tpu.memref_squeeze %dma_start3A_102 : memref<1x32xi32, #tpu.memory_space<vmem>> -> memref<32xi32, #tpu.memory_space<vmem>>
      %dma_start3A_104 = arith.constant 0 : i32
      %dma_start3A_105 = arith.constant 0 : i32
      %dma_start3A_106 = tpu.memref_slice %arg2[%dma_start3A_104, %dma_start3A_105] : memref<20480x128xf32, #tpu.memory_space<hbm>> -> memref<20480x128xf32, #tpu.memory_space<hbm>>
      tpu.enqueue_indirect_dma source(%dma_start3A_106 : memref<20480x128xf32, #tpu.memory_space<hbm>>) target(%dma_start3A_100 : memref<32x128xf32, #tpu.memory_space<vmem>>) offsets(%dma_start3A_103 : memref<32xi32, #tpu.memory_space<vmem>>) semaphore(%arg19 : memref<!tpu.dma_semaphore, #tpu.memory_space<semaphore_mem>>)
      %scan3A_107 = arith.constant 0 : i32
      %scan3A_108 = arith.constant 8 : i32
      %scan3A_109 = arith.addi %scan3A_107, %scan3A_108 : i32
      %scan3A_110 = arith.constant 1 : i32
      scf.for %scan3A_125 = %scan3A_107 to %scan3A_109 step %scan3A_110  : i32 {
        %mul3A_126 = arith.constant 2 : i32
        %mul3A_127 = arith.muli %mul3A_126, %scan3A_125 : i32
        %dma_wait3A_128 = arith.constant 0 : i32
        %dma_wait3A_129 = arith.constant 0 : i32
        %dma_wait3A_130 = arith.constant 0 : i32
        %dma_wait3A_131 = tpu.memref_slice %arg10[%dma_wait3A_129, %dma_wait3A_130] : memref<128x128xf32, #tpu.memory_space<vmem>> -> memref<32x128xf32, #tpu.memory_space<vmem>>
        %dma_wait3A_132 = arith.constant 0 : i32
        %dma_wait3A_133 = tpu.memref_slice %arg8[%dma_wait3A_128, %dma_wait3A_132] : memref<64x32xi32, #tpu.memory_space<vmem>> -> memref<1x32xi32, #tpu.memory_space<vmem>>
        %dma_wait3A_134 = tpu.memref_squeeze %dma_wait3A_133 : memref<1x32xi32, #tpu.memory_space<vmem>> -> memref<32xi32, #tpu.memory_space<vmem>>
        %dma_wait3A_135 = arith.constant 0 : i32
        %dma_wait3A_136 = arith.constant 0 : i32
        %dma_wait3A_137 = tpu.memref_slice %arg2[%dma_wait3A_135, %dma_wait3A_136] : memref<20480x128xf32, #tpu.memory_space<hbm>> -> memref<20480x128xf32, #tpu.memory_space<hbm>>
        tpu.wait_indirect_dma semaphore(%arg12 : memref<!tpu.dma_semaphore, #tpu.memory_space<semaphore_mem>>) src(%dma_wait3A_137 : memref<20480x128xf32, #tpu.memory_space<hbm>>) dst(%dma_wait3A_131 : memref<32x128xf32, #tpu.memory_space<vmem>>)
        %dma_wait3A_138 = arith.constant 0 : i32
        %dma_wait3A_139 = arith.constant 32 : i32
        %dma_wait3A_140 = arith.constant 0 : i32
        %dma_wait3A_141 = tpu.memref_slice %arg10[%dma_wait3A_139, %dma_wait3A_140] : memref<128x128xf32, #tpu.memory_space<vmem>> -> memref<32x128xf32, #tpu.memory_space<vmem>>
        %dma_wait3A_142 = arith.constant 0 : i32
        %dma_wait3A_143 = tpu.memref_slice %arg8[%dma_wait3A_138, %dma_wait3A_142] : memref<64x32xi32, #tpu.memory_space<vmem>> -> memref<1x32xi32, #tpu.memory_space<vmem>>
        %dma_wait3A_144 = tpu.memref_squeeze %dma_wait3A_143 : memref<1x32xi32, #tpu.memory_space<vmem>> -> memref<32xi32, #tpu.memory_space<vmem>>
        %dma_wait3A_145 = arith.constant 0 : i32
        %dma_wait3A_146 = arith.constant 0 : i32
        %dma_wait3A_147 = tpu.memref_slice %arg2[%dma_wait3A_145, %dma_wait3A_146] : memref<20480x128xf32, #tpu.memory_space<hbm>> -> memref<20480x128xf32, #tpu.memory_space<hbm>>
        tpu.wait_indirect_dma semaphore(%arg13 : memref<!tpu.dma_semaphore, #tpu.memory_space<semaphore_mem>>) src(%dma_wait3A_147 : memref<20480x128xf32, #tpu.memory_space<hbm>>) dst(%dma_wait3A_141 : memref<32x128xf32, #tpu.memory_space<vmem>>)
        %dma_wait3A_148 = arith.constant 0 : i32
        %dma_wait3A_149 = arith.constant 64 : i32
        %dma_wait3A_150 = arith.constant 0 : i32
        %dma_wait3A_151 = tpu.memref_slice %arg10[%dma_wait3A_149, %dma_wait3A_150] : memref<128x128xf32, #tpu.memory_space<vmem>> -> memref<32x128xf32, #tpu.memory_space<vmem>>
        %dma_wait3A_152 = arith.constant 0 : i32
        %dma_wait3A_153 = tpu.memref_slice %arg8[%dma_wait3A_148, %dma_wait3A_152] : memref<64x32xi32, #tpu.memory_space<vmem>> -> memref<1x32xi32, #tpu.memory_space<vmem>>
        %dma_wait3A_154 = tpu.memref_squeeze %dma_wait3A_153 : memref<1x32xi32, #tpu.memory_space<vmem>> -> memref<32xi32, #tpu.memory_space<vmem>>
        %dma_wait3A_155 = arith.constant 0 : i32
        %dma_wait3A_156 = arith.constant 0 : i32
        %dma_wait3A_157 = tpu.memref_slice %arg2[%dma_wait3A_155, %dma_wait3A_156] : memref<20480x128xf32, #tpu.memory_space<hbm>> -> memref<20480x128xf32, #tpu.memory_space<hbm>>
        tpu.wait_indirect_dma semaphore(%arg14 : memref<!tpu.dma_semaphore, #tpu.memory_space<semaphore_mem>>) src(%dma_wait3A_157 : memref<20480x128xf32, #tpu.memory_space<hbm>>) dst(%dma_wait3A_151 : memref<32x128xf32, #tpu.memory_space<vmem>>)
        %dma_wait3A_158 = arith.constant 0 : i32
        %dma_wait3A_159 = arith.constant 96 : i32
        %dma_wait3A_160 = arith.constant 0 : i32
        %dma_wait3A_161 = tpu.memref_slice %arg10[%dma_wait3A_159, %dma_wait3A_160] : memref<128x128xf32, #tpu.memory_space<vmem>> -> memref<32x128xf32, #tpu.memory_space<vmem>>
        %dma_wait3A_162 = arith.constant 0 : i32
        %dma_wait3A_163 = tpu.memref_slice %arg8[%dma_wait3A_158, %dma_wait3A_162] : memref<64x32xi32, #tpu.memory_space<vmem>> -> memref<1x32xi32, #tpu.memory_space<vmem>>
        %dma_wait3A_164 = tpu.memref_squeeze %dma_wait3A_163 : memref<1x32xi32, #tpu.memory_space<vmem>> -> memref<32xi32, #tpu.memory_space<vmem>>
        %dma_wait3A_165 = arith.constant 0 : i32
        %dma_wait3A_166 = arith.constant 0 : i32
        %dma_wait3A_167 = tpu.memref_slice %arg2[%dma_wait3A_165, %dma_wait3A_166] : memref<20480x128xf32, #tpu.memory_space<hbm>> -> memref<20480x128xf32, #tpu.memory_space<hbm>>
        tpu.wait_indirect_dma semaphore(%arg15 : memref<!tpu.dma_semaphore, #tpu.memory_space<semaphore_mem>>) src(%dma_wait3A_167 : memref<20480x128xf32, #tpu.memory_space<hbm>>) dst(%dma_wait3A_161 : memref<32x128xf32, #tpu.memory_space<vmem>>)
        %dma_start3A_168 = arith.constant 0 : i32
        %dma_start3A_169 = tpu.memref_slice %arg9[%mul3A_127, %dma_start3A_168] : memref<16x128xi32, #tpu.memory_space<vmem>> -> memref<1x128xi32, #tpu.memory_space<vmem>>
        %dma_start3A_170 = tpu.memref_squeeze %dma_start3A_169 : memref<1x128xi32, #tpu.memory_space<vmem>> -> memref<128xi32, #tpu.memory_space<vmem>>
        %dma_start3A_171 = arith.constant 0 : i32
        %dma_start3A_172 = arith.constant 0 : i32
        %dma_start3A_173 = tpu.memref_slice %arg7[%dma_start3A_171, %dma_start3A_172] : memref<10240x128xf32, #tpu.memory_space<vmem_shared>> -> memref<10240x128xf32, #tpu.memory_space<vmem_shared>>
        tpu.enqueue_indirect_dma source(%arg10 : memref<128x128xf32, #tpu.memory_space<vmem>>) target(%dma_start3A_173 : memref<10240x128xf32, #tpu.memory_space<vmem_shared>>) offsets(%dma_start3A_170 : memref<128xi32, #tpu.memory_space<vmem>>) semaphore(%arg20 : memref<!tpu.dma_semaphore, #tpu.memory_space<semaphore_mem>>) {add = true}
        %dma_wait3A_174 = arith.constant 0 : i32
        %dma_wait3A_175 = arith.constant 0 : i32
        %dma_wait3A_176 = arith.constant 0 : i32
        %dma_wait3A_177 = tpu.memref_slice %arg11[%dma_wait3A_175, %dma_wait3A_176] : memref<128x128xf32, #tpu.memory_space<vmem>> -> memref<32x128xf32, #tpu.memory_space<vmem>>
        %dma_wait3A_178 = arith.constant 0 : i32
        %dma_wait3A_179 = tpu.memref_slice %arg8[%dma_wait3A_174, %dma_wait3A_178] : memref<64x32xi32, #tpu.memory_space<vmem>> -> memref<1x32xi32, #tpu.memory_space<vmem>>
        %dma_wait3A_180 = tpu.memref_squeeze %dma_wait3A_179 : memref<1x32xi32, #tpu.memory_space<vmem>> -> memref<32xi32, #tpu.memory_space<vmem>>
        %dma_wait3A_181 = arith.constant 0 : i32
        %dma_wait3A_182 = arith.constant 0 : i32
        %dma_wait3A_183 = tpu.memref_slice %arg2[%dma_wait3A_181, %dma_wait3A_182] : memref<20480x128xf32, #tpu.memory_space<hbm>> -> memref<20480x128xf32, #tpu.memory_space<hbm>>
        tpu.wait_indirect_dma semaphore(%arg16 : memref<!tpu.dma_semaphore, #tpu.memory_space<semaphore_mem>>) src(%dma_wait3A_183 : memref<20480x128xf32, #tpu.memory_space<hbm>>) dst(%dma_wait3A_177 : memref<32x128xf32, #tpu.memory_space<vmem>>)
        %dma_wait3A_184 = arith.constant 0 : i32
        %dma_wait3A_185 = arith.constant 32 : i32
        %dma_wait3A_186 = arith.constant 0 : i32
        %dma_wait3A_187 = tpu.memref_slice %arg11[%dma_wait3A_185, %dma_wait3A_186] : memref<128x128xf32, #tpu.memory_space<vmem>> -> memref<32x128xf32, #tpu.memory_space<vmem>>
        %dma_wait3A_188 = arith.constant 0 : i32
        %dma_wait3A_189 = tpu.memref_slice %arg8[%dma_wait3A_184, %dma_wait3A_188] : memref<64x32xi32, #tpu.memory_space<vmem>> -> memref<1x32xi32, #tpu.memory_space<vmem>>
        %dma_wait3A_190 = tpu.memref_squeeze %dma_wait3A_189 : memref<1x32xi32, #tpu.memory_space<vmem>> -> memref<32xi32, #tpu.memory_space<vmem>>
        %dma_wait3A_191 = arith.constant 0 : i32
        %dma_wait3A_192 = arith.constant 0 : i32
        %dma_wait3A_193 = tpu.memref_slice %arg2[%dma_wait3A_191, %dma_wait3A_192] : memref<20480x128xf32, #tpu.memory_space<hbm>> -> memref<20480x128xf32, #tpu.memory_space<hbm>>
        tpu.wait_indirect_dma semaphore(%arg17 : memref<!tpu.dma_semaphore, #tpu.memory_space<semaphore_mem>>) src(%dma_wait3A_193 : memref<20480x128xf32, #tpu.memory_space<hbm>>) dst(%dma_wait3A_187 : memref<32x128xf32, #tpu.memory_space<vmem>>)
        %dma_wait3A_194 = arith.constant 0 : i32
        %dma_wait3A_195 = arith.constant 64 : i32
        %dma_wait3A_196 = arith.constant 0 : i32
        %dma_wait3A_197 = tpu.memref_slice %arg11[%dma_wait3A_195, %dma_wait3A_196] : memref<128x128xf32, #tpu.memory_space<vmem>> -> memref<32x128xf32, #tpu.memory_space<vmem>>
        %dma_wait3A_198 = arith.constant 0 : i32
        %dma_wait3A_199 = tpu.memref_slice %arg8[%dma_wait3A_194, %dma_wait3A_198] : memref<64x32xi32, #tpu.memory_space<vmem>> -> memref<1x32xi32, #tpu.memory_space<vmem>>
        %dma_wait3A_200 = tpu.memref_squeeze %dma_wait3A_199 : memref<1x32xi32, #tpu.memory_space<vmem>> -> memref<32xi32, #tpu.memory_space<vmem>>
        %dma_wait3A_201 = arith.constant 0 : i32
        %dma_wait3A_202 = arith.constant 0 : i32
        %dma_wait3A_203 = tpu.memref_slice %arg2[%dma_wait3A_201, %dma_wait3A_202] : memref<20480x128xf32, #tpu.memory_space<hbm>> -> memref<20480x128xf32, #tpu.memory_space<hbm>>
        tpu.wait_indirect_dma semaphore(%arg18 : memref<!tpu.dma_semaphore, #tpu.memory_space<semaphore_mem>>) src(%dma_wait3A_203 : memref<20480x128xf32, #tpu.memory_space<hbm>>) dst(%dma_wait3A_197 : memref<32x128xf32, #tpu.memory_space<vmem>>)
        %dma_wait3A_204 = arith.constant 0 : i32
        %dma_wait3A_205 = arith.constant 96 : i32
        %dma_wait3A_206 = arith.constant 0 : i32
        %dma_wait3A_207 = tpu.memref_slice %arg11[%dma_wait3A_205, %dma_wait3A_206] : memref<128x128xf32, #tpu.memory_space<vmem>> -> memref<32x128xf32, #tpu.memory_space<vmem>>
        %dma_wait3A_208 = arith.constant 0 : i32
        %dma_wait3A_209 = tpu.memref_slice %arg8[%dma_wait3A_204, %dma_wait3A_208] : memref<64x32xi32, #tpu.memory_space<vmem>> -> memref<1x32xi32, #tpu.memory_space<vmem>>
        %dma_wait3A_210 = tpu.memref_squeeze %dma_wait3A_209 : memref<1x32xi32, #tpu.memory_space<vmem>> -> memref<32xi32, #tpu.memory_space<vmem>>
        %dma_wait3A_211 = arith.constant 0 : i32
        %dma_wait3A_212 = arith.constant 0 : i32
        %dma_wait3A_213 = tpu.memref_slice %arg2[%dma_wait3A_211, %dma_wait3A_212] : memref<20480x128xf32, #tpu.memory_space<hbm>> -> memref<20480x128xf32, #tpu.memory_space<hbm>>
        tpu.wait_indirect_dma semaphore(%arg19 : memref<!tpu.dma_semaphore, #tpu.memory_space<semaphore_mem>>) src(%dma_wait3A_213 : memref<20480x128xf32, #tpu.memory_space<hbm>>) dst(%dma_wait3A_207 : memref<32x128xf32, #tpu.memory_space<vmem>>)
        %add3A_214 = arith.constant 1 : i32
        %add3A_215 = arith.addi %mul3A_127, %add3A_214 : i32
        %dma_start3A_216 = arith.constant 0 : i32
        %dma_start3A_217 = tpu.memref_slice %arg9[%add3A_215, %dma_start3A_216] : memref<16x128xi32, #tpu.memory_space<vmem>> -> memref<1x128xi32, #tpu.memory_space<vmem>>
        %dma_start3A_218 = tpu.memref_squeeze %dma_start3A_217 : memref<1x128xi32, #tpu.memory_space<vmem>> -> memref<128xi32, #tpu.memory_space<vmem>>
        %dma_start3A_219 = arith.constant 0 : i32
        %dma_start3A_220 = arith.constant 0 : i32
        %dma_start3A_221 = tpu.memref_slice %arg7[%dma_start3A_219, %dma_start3A_220] : memref<10240x128xf32, #tpu.memory_space<vmem_shared>> -> memref<10240x128xf32, #tpu.memory_space<vmem_shared>>
        tpu.enqueue_indirect_dma source(%arg11 : memref<128x128xf32, #tpu.memory_space<vmem>>) target(%dma_start3A_221 : memref<10240x128xf32, #tpu.memory_space<vmem_shared>>) offsets(%dma_start3A_218 : memref<128xi32, #tpu.memory_space<vmem>>) semaphore(%arg21 : memref<!tpu.dma_semaphore, #tpu.memory_space<semaphore_mem>>) {add = true}
        %add3A_222 = arith.constant 2 : i32
        %add3A_223 = arith.addi %mul3A_127, %add3A_222 : i32
        %lt3A = arith.constant 16 : i32
        %lt3A_224 = arith.cmpi slt, %add3A_223, %lt3A : i32
        %convert_element_type3A = arith.extui %lt3A_224 : i1 to i32
        %cond3A = arith.constant 0 : i32
        %cond3A_225 = arith.cmpi ne, %convert_element_type3A, %cond3A : i32
        scf.if %cond3A_225 {
          %dma_wait3A_233 = arith.constant 0 : i32
          %dma_wait3A_234 = arith.constant 0 : i32
          %dma_wait3A_235 = tpu.memref_slice %arg9[%dma_wait3A_233, %dma_wait3A_234] : memref<16x128xi32, #tpu.memory_space<vmem>> -> memref<1x128xi32, #tpu.memory_space<vmem>>
          %dma_wait3A_236 = tpu.memref_squeeze %dma_wait3A_235 : memref<1x128xi32, #tpu.memory_space<vmem>> -> memref<128xi32, #tpu.memory_space<vmem>>
          %dma_wait3A_237 = arith.constant 0 : i32
          %dma_wait3A_238 = arith.constant 0 : i32
          %dma_wait3A_239 = tpu.memref_slice %arg7[%dma_wait3A_237, %dma_wait3A_238] : memref<10240x128xf32, #tpu.memory_space<vmem_shared>> -> memref<10240x128xf32, #tpu.memory_space<vmem_shared>>
          tpu.wait_indirect_dma semaphore(%arg20 : memref<!tpu.dma_semaphore, #tpu.memory_space<semaphore_mem>>) src(%arg10 : memref<128x128xf32, #tpu.memory_space<vmem>>) dst(%dma_wait3A_239 : memref<10240x128xf32, #tpu.memory_space<vmem_shared>>)
          %add3A_240 = arith.constant 2 : i32
          %add3A_241 = arith.addi %mul3A_127, %add3A_240 : i32
          %mul3A_242 = arith.constant 4 : i32
          %mul3A_243 = arith.muli %mul3A_242, %add3A_241 : i32
          %add3A_244 = arith.constant 0 : i32
          %add3A_245 = arith.addi %mul3A_243, %add3A_244 : i32
          %dma_start3A_246 = arith.constant 0 : i32
          %dma_start3A_247 = arith.constant 0 : i32
          %dma_start3A_248 = tpu.memref_slice %arg10[%dma_start3A_246, %dma_start3A_247] : memref<128x128xf32, #tpu.memory_space<vmem>> -> memref<32x128xf32, #tpu.memory_space<vmem>>
          %dma_start3A_249 = arith.constant 0 : i32
          %dma_start3A_250 = tpu.memref_slice %arg8[%add3A_245, %dma_start3A_249] : memref<64x32xi32, #tpu.memory_space<vmem>> -> memref<1x32xi32, #tpu.memory_space<vmem>>
          %dma_start3A_251 = tpu.memref_squeeze %dma_start3A_250 : memref<1x32xi32, #tpu.memory_space<vmem>> -> memref<32xi32, #tpu.memory_space<vmem>>
          %dma_start3A_252 = arith.constant 0 : i32
          %dma_start3A_253 = arith.constant 0 : i32
          %dma_start3A_254 = tpu.memref_slice %arg2[%dma_start3A_252, %dma_start3A_253] : memref<20480x128xf32, #tpu.memory_space<hbm>> -> memref<20480x128xf32, #tpu.memory_space<hbm>>
          tpu.enqueue_indirect_dma source(%dma_start3A_254 : memref<20480x128xf32, #tpu.memory_space<hbm>>) target(%dma_start3A_248 : memref<32x128xf32, #tpu.memory_space<vmem>>) offsets(%dma_start3A_251 : memref<32xi32, #tpu.memory_space<vmem>>) semaphore(%arg12 : memref<!tpu.dma_semaphore, #tpu.memory_space<semaphore_mem>>)
          %add3A_255 = arith.constant 2 : i32
          %add3A_256 = arith.addi %mul3A_127, %add3A_255 : i32
          %mul3A_257 = arith.constant 4 : i32
          %mul3A_258 = arith.muli %mul3A_257, %add3A_256 : i32
          %add3A_259 = arith.constant 1 : i32
          %add3A_260 = arith.addi %mul3A_258, %add3A_259 : i32
          %dma_start3A_261 = arith.constant 32 : i32
          %dma_start3A_262 = arith.constant 0 : i32
          %dma_start3A_263 = tpu.memref_slice %arg10[%dma_start3A_261, %dma_start3A_262] : memref<128x128xf32, #tpu.memory_space<vmem>> -> memref<32x128xf32, #tpu.memory_space<vmem>>
          %dma_start3A_264 = arith.constant 0 : i32
          %dma_start3A_265 = tpu.memref_slice %arg8[%add3A_260, %dma_start3A_264] : memref<64x32xi32, #tpu.memory_space<vmem>> -> memref<1x32xi32, #tpu.memory_space<vmem>>
          %dma_start3A_266 = tpu.memref_squeeze %dma_start3A_265 : memref<1x32xi32, #tpu.memory_space<vmem>> -> memref<32xi32, #tpu.memory_space<vmem>>
          %dma_start3A_267 = arith.constant 0 : i32
          %dma_start3A_268 = arith.constant 0 : i32
          %dma_start3A_269 = tpu.memref_slice %arg2[%dma_start3A_267, %dma_start3A_268] : memref<20480x128xf32, #tpu.memory_space<hbm>> -> memref<20480x128xf32, #tpu.memory_space<hbm>>
          tpu.enqueue_indirect_dma source(%dma_start3A_269 : memref<20480x128xf32, #tpu.memory_space<hbm>>) target(%dma_start3A_263 : memref<32x128xf32, #tpu.memory_space<vmem>>) offsets(%dma_start3A_266 : memref<32xi32, #tpu.memory_space<vmem>>) semaphore(%arg13 : memref<!tpu.dma_semaphore, #tpu.memory_space<semaphore_mem>>)
          %add3A_270 = arith.constant 2 : i32
          %add3A_271 = arith.addi %mul3A_127, %add3A_270 : i32
          %mul3A_272 = arith.constant 4 : i32
          %mul3A_273 = arith.muli %mul3A_272, %add3A_271 : i32
          %add3A_274 = arith.constant 2 : i32
          %add3A_275 = arith.addi %mul3A_273, %add3A_274 : i32
          %dma_start3A_276 = arith.constant 64 : i32
          %dma_start3A_277 = arith.constant 0 : i32
          %dma_start3A_278 = tpu.memref_slice %arg10[%dma_start3A_276, %dma_start3A_277] : memref<128x128xf32, #tpu.memory_space<vmem>> -> memref<32x128xf32, #tpu.memory_space<vmem>>
          %dma_start3A_279 = arith.constant 0 : i32
          %dma_start3A_280 = tpu.memref_slice %arg8[%add3A_275, %dma_start3A_279] : memref<64x32xi32, #tpu.memory_space<vmem>> -> memref<1x32xi32, #tpu.memory_space<vmem>>
          %dma_start3A_281 = tpu.memref_squeeze %dma_start3A_280 : memref<1x32xi32, #tpu.memory_space<vmem>> -> memref<32xi32, #tpu.memory_space<vmem>>
          %dma_start3A_282 = arith.constant 0 : i32
          %dma_start3A_283 = arith.constant 0 : i32
          %dma_start3A_284 = tpu.memref_slice %arg2[%dma_start3A_282, %dma_start3A_283] : memref<20480x128xf32, #tpu.memory_space<hbm>> -> memref<20480x128xf32, #tpu.memory_space<hbm>>
          tpu.enqueue_indirect_dma source(%dma_start3A_284 : memref<20480x128xf32, #tpu.memory_space<hbm>>) target(%dma_start3A_278 : memref<32x128xf32, #tpu.memory_space<vmem>>) offsets(%dma_start3A_281 : memref<32xi32, #tpu.memory_space<vmem>>) semaphore(%arg14 : memref<!tpu.dma_semaphore, #tpu.memory_space<semaphore_mem>>)
          %add3A_285 = arith.constant 2 : i32
          %add3A_286 = arith.addi %mul3A_127, %add3A_285 : i32
          %mul3A_287 = arith.constant 4 : i32
          %mul3A_288 = arith.muli %mul3A_287, %add3A_286 : i32
          %add3A_289 = arith.constant 3 : i32
          %add3A_290 = arith.addi %mul3A_288, %add3A_289 : i32
          %dma_start3A_291 = arith.constant 96 : i32
          %dma_start3A_292 = arith.constant 0 : i32
          %dma_start3A_293 = tpu.memref_slice %arg10[%dma_start3A_291, %dma_start3A_292] : memref<128x128xf32, #tpu.memory_space<vmem>> -> memref<32x128xf32, #tpu.memory_space<vmem>>
          %dma_start3A_294 = arith.constant 0 : i32
          %dma_start3A_295 = tpu.memref_slice %arg8[%add3A_290, %dma_start3A_294] : memref<64x32xi32, #tpu.memory_space<vmem>> -> memref<1x32xi32, #tpu.memory_space<vmem>>
          %dma_start3A_296 = tpu.memref_squeeze %dma_start3A_295 : memref<1x32xi32, #tpu.memory_space<vmem>> -> memref<32xi32, #tpu.memory_space<vmem>>
          %dma_start3A_297 = arith.constant 0 : i32
          %dma_start3A_298 = arith.constant 0 : i32
          %dma_start3A_299 = tpu.memref_slice %arg2[%dma_start3A_297, %dma_start3A_298] : memref<20480x128xf32, #tpu.memory_space<hbm>> -> memref<20480x128xf32, #tpu.memory_space<hbm>>
          tpu.enqueue_indirect_dma source(%dma_start3A_299 : memref<20480x128xf32, #tpu.memory_space<hbm>>) target(%dma_start3A_293 : memref<32x128xf32, #tpu.memory_space<vmem>>) offsets(%dma_start3A_296 : memref<32xi32, #tpu.memory_space<vmem>>) semaphore(%arg15 : memref<!tpu.dma_semaphore, #tpu.memory_space<semaphore_mem>>)
        } else {
        }
        %add3A_226 = arith.constant 3 : i32
        %add3A_227 = arith.addi %mul3A_127, %add3A_226 : i32
        %lt3A_228 = arith.constant 16 : i32
        %lt3A_229 = arith.cmpi slt, %add3A_227, %lt3A_228 : i32
        %convert_element_type3A_230 = arith.extui %lt3A_229 : i1 to i32
        %cond3A_231 = arith.constant 0 : i32
        %cond3A_232 = arith.cmpi ne, %convert_element_type3A_230, %cond3A_231 : i32
        scf.if %cond3A_232 {
          %dma_wait3A_233 = arith.constant 0 : i32
          %dma_wait3A_234 = arith.constant 0 : i32
          %dma_wait3A_235 = tpu.memref_slice %arg9[%dma_wait3A_233, %dma_wait3A_234] : memref<16x128xi32, #tpu.memory_space<vmem>> -> memref<1x128xi32, #tpu.memory_space<vmem>>
          %dma_wait3A_236 = tpu.memref_squeeze %dma_wait3A_235 : memref<1x128xi32, #tpu.memory_space<vmem>> -> memref<128xi32, #tpu.memory_space<vmem>>
          %dma_wait3A_237 = arith.constant 0 : i32
          %dma_wait3A_238 = arith.constant 0 : i32
          %dma_wait3A_239 = tpu.memref_slice %arg7[%dma_wait3A_237, %dma_wait3A_238] : memref<10240x128xf32, #tpu.memory_space<vmem_shared>> -> memref<10240x128xf32, #tpu.memory_space<vmem_shared>>
          tpu.wait_indirect_dma semaphore(%arg21 : memref<!tpu.dma_semaphore, #tpu.memory_space<semaphore_mem>>) src(%arg11 : memref<128x128xf32, #tpu.memory_space<vmem>>) dst(%dma_wait3A_239 : memref<10240x128xf32, #tpu.memory_space<vmem_shared>>)
          %add3A_240 = arith.constant 3 : i32
          %add3A_241 = arith.addi %mul3A_127, %add3A_240 : i32
          %mul3A_242 = arith.constant 4 : i32
          %mul3A_243 = arith.muli %mul3A_242, %add3A_241 : i32
          %add3A_244 = arith.constant 0 : i32
          %add3A_245 = arith.addi %mul3A_243, %add3A_244 : i32
          %dma_start3A_246 = arith.constant 0 : i32
          %dma_start3A_247 = arith.constant 0 : i32
          %dma_start3A_248 = tpu.memref_slice %arg11[%dma_start3A_246, %dma_start3A_247] : memref<128x128xf32, #tpu.memory_space<vmem>> -> memref<32x128xf32, #tpu.memory_space<vmem>>
          %dma_start3A_249 = arith.constant 0 : i32
          %dma_start3A_250 = tpu.memref_slice %arg8[%add3A_245, %dma_start3A_249] : memref<64x32xi32, #tpu.memory_space<vmem>> -> memref<1x32xi32, #tpu.memory_space<vmem>>
          %dma_start3A_251 = tpu.memref_squeeze %dma_start3A_250 : memref<1x32xi32, #tpu.memory_space<vmem>> -> memref<32xi32, #tpu.memory_space<vmem>>
          %dma_start3A_252 = arith.constant 0 : i32
          %dma_start3A_253 = arith.constant 0 : i32
          %dma_start3A_254 = tpu.memref_slice %arg2[%dma_start3A_252, %dma_start3A_253] : memref<20480x128xf32, #tpu.memory_space<hbm>> -> memref<20480x128xf32, #tpu.memory_space<hbm>>
          tpu.enqueue_indirect_dma source(%dma_start3A_254 : memref<20480x128xf32, #tpu.memory_space<hbm>>) target(%dma_start3A_248 : memref<32x128xf32, #tpu.memory_space<vmem>>) offsets(%dma_start3A_251 : memref<32xi32, #tpu.memory_space<vmem>>) semaphore(%arg16 : memref<!tpu.dma_semaphore, #tpu.memory_space<semaphore_mem>>)
          %add3A_255 = arith.constant 3 : i32
          %add3A_256 = arith.addi %mul3A_127, %add3A_255 : i32
          %mul3A_257 = arith.constant 4 : i32
          %mul3A_258 = arith.muli %mul3A_257, %add3A_256 : i32
          %add3A_259 = arith.constant 1 : i32
          %add3A_260 = arith.addi %mul3A_258, %add3A_259 : i32
          %dma_start3A_261 = arith.constant 32 : i32
          %dma_start3A_262 = arith.constant 0 : i32
          %dma_start3A_263 = tpu.memref_slice %arg11[%dma_start3A_261, %dma_start3A_262] : memref<128x128xf32, #tpu.memory_space<vmem>> -> memref<32x128xf32, #tpu.memory_space<vmem>>
          %dma_start3A_264 = arith.constant 0 : i32
          %dma_start3A_265 = tpu.memref_slice %arg8[%add3A_260, %dma_start3A_264] : memref<64x32xi32, #tpu.memory_space<vmem>> -> memref<1x32xi32, #tpu.memory_space<vmem>>
          %dma_start3A_266 = tpu.memref_squeeze %dma_start3A_265 : memref<1x32xi32, #tpu.memory_space<vmem>> -> memref<32xi32, #tpu.memory_space<vmem>>
          %dma_start3A_267 = arith.constant 0 : i32
          %dma_start3A_268 = arith.constant 0 : i32
          %dma_start3A_269 = tpu.memref_slice %arg2[%dma_start3A_267, %dma_start3A_268] : memref<20480x128xf32, #tpu.memory_space<hbm>> -> memref<20480x128xf32, #tpu.memory_space<hbm>>
          tpu.enqueue_indirect_dma source(%dma_start3A_269 : memref<20480x128xf32, #tpu.memory_space<hbm>>) target(%dma_start3A_263 : memref<32x128xf32, #tpu.memory_space<vmem>>) offsets(%dma_start3A_266 : memref<32xi32, #tpu.memory_space<vmem>>) semaphore(%arg17 : memref<!tpu.dma_semaphore, #tpu.memory_space<semaphore_mem>>)
          %add3A_270 = arith.constant 3 : i32
          %add3A_271 = arith.addi %mul3A_127, %add3A_270 : i32
          %mul3A_272 = arith.constant 4 : i32
          %mul3A_273 = arith.muli %mul3A_272, %add3A_271 : i32
          %add3A_274 = arith.constant 2 : i32
          %add3A_275 = arith.addi %mul3A_273, %add3A_274 : i32
          %dma_start3A_276 = arith.constant 64 : i32
          %dma_start3A_277 = arith.constant 0 : i32
          %dma_start3A_278 = tpu.memref_slice %arg11[%dma_start3A_276, %dma_start3A_277] : memref<128x128xf32, #tpu.memory_space<vmem>> -> memref<32x128xf32, #tpu.memory_space<vmem>>
          %dma_start3A_279 = arith.constant 0 : i32
          %dma_start3A_280 = tpu.memref_slice %arg8[%add3A_275, %dma_start3A_279] : memref<64x32xi32, #tpu.memory_space<vmem>> -> memref<1x32xi32, #tpu.memory_space<vmem>>
          %dma_start3A_281 = tpu.memref_squeeze %dma_start3A_280 : memref<1x32xi32, #tpu.memory_space<vmem>> -> memref<32xi32, #tpu.memory_space<vmem>>
          %dma_start3A_282 = arith.constant 0 : i32
          %dma_start3A_283 = arith.constant 0 : i32
          %dma_start3A_284 = tpu.memref_slice %arg2[%dma_start3A_282, %dma_start3A_283] : memref<20480x128xf32, #tpu.memory_space<hbm>> -> memref<20480x128xf32, #tpu.memory_space<hbm>>
          tpu.enqueue_indirect_dma source(%dma_start3A_284 : memref<20480x128xf32, #tpu.memory_space<hbm>>) target(%dma_start3A_278 : memref<32x128xf32, #tpu.memory_space<vmem>>) offsets(%dma_start3A_281 : memref<32xi32, #tpu.memory_space<vmem>>) semaphore(%arg18 : memref<!tpu.dma_semaphore, #tpu.memory_space<semaphore_mem>>)
          %add3A_285 = arith.constant 3 : i32
          %add3A_286 = arith.addi %mul3A_127, %add3A_285 : i32
          %mul3A_287 = arith.constant 4 : i32
          %mul3A_288 = arith.muli %mul3A_287, %add3A_286 : i32
          %add3A_289 = arith.constant 3 : i32
          %add3A_290 = arith.addi %mul3A_288, %add3A_289 : i32
          %dma_start3A_291 = arith.constant 96 : i32
          %dma_start3A_292 = arith.constant 0 : i32
          %dma_start3A_293 = tpu.memref_slice %arg11[%dma_start3A_291, %dma_start3A_292] : memref<128x128xf32, #tpu.memory_space<vmem>> -> memref<32x128xf32, #tpu.memory_space<vmem>>
          %dma_start3A_294 = arith.constant 0 : i32
          %dma_start3A_295 = tpu.memref_slice %arg8[%add3A_290, %dma_start3A_294] : memref<64x32xi32, #tpu.memory_space<vmem>> -> memref<1x32xi32, #tpu.memory_space<vmem>>
          %dma_start3A_296 = tpu.memref_squeeze %dma_start3A_295 : memref<1x32xi32, #tpu.memory_space<vmem>> -> memref<32xi32, #tpu.memory_space<vmem>>
          %dma_start3A_297 = arith.constant 0 : i32
          %dma_start3A_298 = arith.constant 0 : i32
          %dma_start3A_299 = tpu.memref_slice %arg2[%dma_start3A_297, %dma_start3A_298] : memref<20480x128xf32, #tpu.memory_space<hbm>> -> memref<20480x128xf32, #tpu.memory_space<hbm>>
          tpu.enqueue_indirect_dma source(%dma_start3A_299 : memref<20480x128xf32, #tpu.memory_space<hbm>>) target(%dma_start3A_293 : memref<32x128xf32, #tpu.memory_space<vmem>>) offsets(%dma_start3A_296 : memref<32xi32, #tpu.memory_space<vmem>>) semaphore(%arg19 : memref<!tpu.dma_semaphore, #tpu.memory_space<semaphore_mem>>)
        } else {
        }
      }
      %scan3A_111 = arith.constant 8 : i32
      %dma_wait3A = arith.constant 0 : i32
      %dma_wait3A_112 = arith.constant 0 : i32
      %dma_wait3A_113 = tpu.memref_slice %arg9[%dma_wait3A, %dma_wait3A_112] : memref<16x128xi32, #tpu.memory_space<vmem>> -> memref<1x128xi32, #tpu.memory_space<vmem>>
      %dma_wait3A_114 = tpu.memref_squeeze %dma_wait3A_113 : memref<1x128xi32, #tpu.memory_space<vmem>> -> memref<128xi32, #tpu.memory_space<vmem>>
      %dma_wait3A_115 = arith.constant 0 : i32
      %dma_wait3A_116 = arith.constant 0 : i32
      %dma_wait3A_117 = tpu.memref_slice %arg7[%dma_wait3A_115, %dma_wait3A_116] : memref<10240x128xf32, #tpu.memory_space<vmem_shared>> -> memref<10240x128xf32, #tpu.memory_space<vmem_shared>>
      tpu.wait_indirect_dma semaphore(%arg20 : memref<!tpu.dma_semaphore, #tpu.memory_space<semaphore_mem>>) src(%arg10 : memref<128x128xf32, #tpu.memory_space<vmem>>) dst(%dma_wait3A_117 : memref<10240x128xf32, #tpu.memory_space<vmem_shared>>)
      %dma_wait3A_118 = arith.constant 0 : i32
      %dma_wait3A_119 = arith.constant 0 : i32
      %dma_wait3A_120 = tpu.memref_slice %arg9[%dma_wait3A_118, %dma_wait3A_119] : memref<16x128xi32, #tpu.memory_space<vmem>> -> memref<1x128xi32, #tpu.memory_space<vmem>>
      %dma_wait3A_121 = tpu.memref_squeeze %dma_wait3A_120 : memref<1x128xi32, #tpu.memory_space<vmem>> -> memref<128xi32, #tpu.memory_space<vmem>>
      %dma_wait3A_122 = arith.constant 0 : i32
      %dma_wait3A_123 = arith.constant 0 : i32
      %dma_wait3A_124 = tpu.memref_slice %arg7[%dma_wait3A_122, %dma_wait3A_123] : memref<10240x128xf32, #tpu.memory_space<vmem_shared>> -> memref<10240x128xf32, #tpu.memory_space<vmem_shared>>
      tpu.wait_indirect_dma semaphore(%arg21 : memref<!tpu.dma_semaphore, #tpu.memory_space<semaphore_mem>>) src(%arg11 : memref<128x128xf32, #tpu.memory_space<vmem>>) dst(%dma_wait3A_124 : memref<10240x128xf32, #tpu.memory_space<vmem_shared>>)
    }
    %scan3A_5 = arith.constant 10 : i32
    %barrier3A_6 = arith.constant 0 : index
    tpu.barrier barrier_id(%barrier3A_6)
    %mul3A_7 = arith.constant 640 : i32
    %mul3A_8 = arith.muli %arg1, %mul3A_7 : i32
    %mul3A_9 = arith.constant 10240 : i32
    %mul3A_10 = arith.muli %arg0, %mul3A_9 : i32
    %mul3A_11 = arith.constant 640 : i32
    %mul3A_12 = arith.muli %arg1, %mul3A_11 : i32
    %add3A = arith.addi %mul3A_10, %mul3A_12 : i32
    "tpu.region"() ({
      %run_scoped3A = tpu.sem_alloc : memref<!tpu.dma_semaphore, #tpu.memory_space<semaphore_mem>>
      %dma_start3A = arith.constant 0 : i32
      %dma_start3A_13 = tpu.memref_slice %arg6[%add3A, %dma_start3A] : memref<20480x128xf32, #tpu.memory_space<hbm>> -> memref<640x128xf32, #tpu.memory_space<hbm>>
      %dma_start3A_14 = arith.constant 0 : i32
      %dma_start3A_15 = tpu.memref_slice %arg7[%mul3A_8, %dma_start3A_14] : memref<10240x128xf32, #tpu.memory_space<vmem_shared>> -> memref<640x128xf32, #tpu.memory_space<vmem_shared>>
      tpu.enqueue_dma source(%dma_start3A_15 : memref<640x128xf32, #tpu.memory_space<vmem_shared>>) target(%dma_start3A_13 : memref<640x128xf32, #tpu.memory_space<hbm>>) target_semaphore(%run_scoped3A : memref<!tpu.dma_semaphore, #tpu.memory_space<semaphore_mem>>)
      %dma_wait3A = arith.constant 0 : i32
      %dma_wait3A_16 = tpu.memref_slice %arg6[%add3A, %dma_wait3A] : memref<20480x128xf32, #tpu.memory_space<hbm>> -> memref<640x128xf32, #tpu.memory_space<hbm>>
      %dma_wait3A_17 = arith.constant 0 : i32
      %dma_wait3A_18 = tpu.memref_slice %arg7[%mul3A_8, %dma_wait3A_17] : memref<10240x128xf32, #tpu.memory_space<vmem_shared>> -> memref<640x128xf32, #tpu.memory_space<vmem_shared>>
      tpu.wait_dma2 semaphore(%run_scoped3A : memref<!tpu.dma_semaphore, #tpu.memory_space<semaphore_mem>>) src(%dma_wait3A_18 : memref<640x128xf32, #tpu.memory_space<vmem_shared>>) dst(%dma_wait3A_16 : memref<640x128xf32, #tpu.memory_space<hbm>>)
      tpu.yield
    }) : () -> ()
    return
  }
}

module attributes {stable_mosaic.version = 14 : i64} {
  func.func @_tc_stage1(%arg0: i32, %arg1: memref<256x128xf32, #tpu.memory_space<vmem>>, %arg2: memref<256x128xf32, #tpu.memory_space<vmem>>, %arg3: memref<128x128xf32, #tpu.memory_space<vmem>>, %arg4: memref<256x128xf32, #tpu.memory_space<vmem>>) attributes {dimension_semantics = [#tpu.dimension_semantics<arbitrary>], iteration_bounds = array<i64: 80>, scalar_prefetch = 0 : i64, scratch_operands = 0 : i64, tpu.core_type = #tpu.core_type<tc>, window_params = [{transform_indices = @transform_0, window_bounds = array<i64: 256, 128>}, {transform_indices = @transform_1, window_bounds = array<i64: 256, 128>}, {pipeline_mode = #tpu.pipeline_mode<synchronous>, transform_indices = @transform_2, window_bounds = array<i64: 128, 128>}, {transform_indices = @transform_3, window_bounds = array<i64: 256, 128>}]} {
    %get3A = arith.constant 0 : index
    %get3A_0 = arith.constant 0 : index
    %get3A_1 = vector.load %arg2[%get3A, %get3A_0] : memref<256x128xf32, #tpu.memory_space<vmem>>, vector<256x1xf32>
    %max3A = arith.constant 1.000000e+00 : f32
    %max3A_2 = vector.broadcast %max3A : f32 to vector<256x1xf32>
    %max3A_3 = arith.maximumf %get3A_1, %max3A_2 : vector<256x1xf32>
    %rsqrt3A = math.rsqrt %max3A_3 : vector<256x1xf32>
    %get3A_4 = arith.constant 0 : index
    %get3A_5 = arith.constant 0 : index
    %get3A_6 = vector.load %arg1[%get3A_4, %get3A_5] : memref<256x128xf32, #tpu.memory_space<vmem>>, vector<256x128xf32>
    %mul3A = vector.broadcast %rsqrt3A : vector<256x1xf32> to vector<256x128xf32>
    %mul3A_7 = arith.mulf %get3A_6, %mul3A : vector<256x128xf32>
    %get3A_8 = arith.constant 0 : index
    %get3A_9 = arith.constant 0 : index
    %get3A_10 = vector.load %arg3[%get3A_8, %get3A_9] : memref<128x128xf32, #tpu.memory_space<vmem>>, vector<128x128xf32>
    %dot_general3A = arith.constant dense<0.000000e+00> : vector<256x128xf32>
    %dot_general3A_11 = tpu.matmul %mul3A_7, %get3A_10, %dot_general3A {dimension_numbers = #tpu.dot_dimension_numbers<[1], [0], [0], [1], [0, 0, 1, 1], [], []>, transpose_lhs_hint = false} : vector<256x128xf32>, vector<128x128xf32>, vector<256x128xf32> -> vector<256x128xf32>
    %swap3A = arith.constant 0 : index
    %swap3A_12 = arith.constant 0 : index
    %swap3A_13 = vector.load %arg4[%swap3A, %swap3A_12] : memref<256x128xf32, #tpu.memory_space<vmem>>, vector<256x128xf32>
    tpu.vector_store %arg4[%swap3A, %swap3A_12], %dot_general3A_11 {strides = array<i32>} : memref<256x128xf32, #tpu.memory_space<vmem>>, vector<256x128xf32>,
    return
  }
  func.func @transform_0(%arg0: i32) -> (i32, i32) {
    %c0_i32 = arith.constant 0 : i32
    %c0_i32_0 = arith.constant 0 : i32
    return %arg0, %c0_i32 : i32, i32
  }
  func.func @transform_1(%arg0: i32) -> (i32, i32) {
    %jit3A = arith.constant 40 : i32
    %eq3A = arith.constant 0 : i32
    %eq3A_0 = arith.cmpi eq, %jit3A, %eq3A : i32
    %jit3A_1 = arith.constant 1 : i32
    %select_n3A = arith.select %eq3A_0, %jit3A_1, %jit3A : i32
    %rem3A = arith.remsi %arg0, %select_n3A : i32
    %ne3A = arith.constant 0 : i32
    %ne3A_2 = arith.cmpi ne, %rem3A, %ne3A : i32
    %lt3A = arith.constant 0 : i32
    %lt3A_3 = arith.cmpi slt, %rem3A, %lt3A : i32
    %lt3A_4 = arith.constant 0 : i32
    %lt3A_5 = arith.cmpi slt, %select_n3A, %lt3A_4 : i32
    %ne3A_6 = arith.xori %lt3A_3, %lt3A_5 : i1
    %and3A = arith.andi %ne3A_6, %ne3A_2 : i1
    %add3A = arith.addi %rem3A, %select_n3A : i32
    %select_n3A_7 = arith.select %and3A, %add3A, %rem3A : i32
    %c0_i32 = arith.constant 0 : i32
    %c0_i32_8 = arith.constant 0 : i32
    return %select_n3A_7, %c0_i32 : i32, i32
  }
  func.func @transform_2(%arg0: i32) -> (i32, i32) {
    %c0_i32 = arith.constant 0 : i32
    %c0_i32_0 = arith.constant 0 : i32
    %c0_i32_1 = arith.constant 0 : i32
    return %c0_i32, %c0_i32_0 : i32, i32
  }
  func.func @transform_3(%arg0: i32) -> (i32, i32) {
    %c0_i32 = arith.constant 0 : i32
    %c0_i32_0 = arith.constant 0 : i32
    return %arg0, %c0_i32 : i32, i32
  }
}

module attributes {stable_mosaic.version = 14 : i64} {
  func.func @_tc_stage2(%arg0: i32, %arg1: memref<256x128xf32, #tpu.memory_space<vmem>>, %arg2: memref<256x128xf32, #tpu.memory_space<vmem>>, %arg3: memref<256x128xf32, #tpu.memory_space<vmem>>, %arg4: memref<1x128xf32, #tpu.memory_space<vmem>>, %arg5: memref<1x128xf32, #tpu.memory_space<vmem>>, %arg6: memref<128x128xf32, #tpu.memory_space<vmem>>, %arg7: memref<256x128xf32, #tpu.memory_space<vmem>>) attributes {dimension_semantics = [#tpu.dimension_semantics<arbitrary>], iteration_bounds = array<i64: 80>, scalar_prefetch = 0 : i64, scratch_operands = 0 : i64, tpu.core_type = #tpu.core_type<tc>, window_params = [{transform_indices = @transform_0, window_bounds = array<i64: 256, 128>}, {transform_indices = @transform_1, window_bounds = array<i64: 256, 128>}, {transform_indices = @transform_2, window_bounds = array<i64: 256, 128>}, {pipeline_mode = #tpu.pipeline_mode<synchronous>, transform_indices = @transform_3, window_bounds = array<i64: 1, 128>}, {pipeline_mode = #tpu.pipeline_mode<synchronous>, transform_indices = @transform_4, window_bounds = array<i64: 1, 128>}, {pipeline_mode = #tpu.pipeline_mode<synchronous>, transform_indices = @transform_5, window_bounds = array<i64: 128, 128>}, {transform_indices = @transform_6, window_bounds = array<i64: 256, 128>}]} {
    %get3A = arith.constant 0 : index
    %get3A_0 = arith.constant 0 : index
    %get3A_1 = vector.load %arg2[%get3A, %get3A_0] : memref<256x128xf32, #tpu.memory_space<vmem>>, vector<256x1xf32>
    %max3A = arith.constant 1.000000e+00 : f32
    %max3A_2 = vector.broadcast %max3A : f32 to vector<256x1xf32>
    %max3A_3 = arith.maximumf %get3A_1, %max3A_2 : vector<256x1xf32>
    %rsqrt3A = math.rsqrt %max3A_3 : vector<256x1xf32>
    %get3A_4 = arith.constant 0 : index
    %get3A_5 = arith.constant 0 : index
    %get3A_6 = vector.load %arg1[%get3A_4, %get3A_5] : memref<256x128xf32, #tpu.memory_space<vmem>>, vector<256x128xf32>
    %mul3A = vector.broadcast %rsqrt3A : vector<256x1xf32> to vector<256x128xf32>
    %mul3A_7 = arith.mulf %get3A_6, %mul3A : vector<256x128xf32>
    %get3A_8 = arith.constant 0 : index
    %get3A_9 = arith.constant 0 : index
    %get3A_10 = vector.load %arg4[%get3A_8, %get3A_9] : memref<1x128xf32, #tpu.memory_space<vmem>>, vector<1x128xf32>
    %add3A = vector.broadcast %get3A_10 : vector<1x128xf32> to vector<256x128xf32>
    %add3A_11 = arith.addf %mul3A_7, %add3A : vector<256x128xf32>
    %max3A_12 = arith.constant 0.000000e+00 : f32
    %max3A_13 = vector.broadcast %max3A_12 : f32 to vector<256x128xf32>
    %max3A_14 = arith.maximumf %add3A_11, %max3A_13 : vector<256x128xf32>
    %get3A_15 = arith.constant 0 : index
    %get3A_16 = arith.constant 0 : index
    %get3A_17 = vector.load %arg5[%get3A_15, %get3A_16] : memref<1x128xf32, #tpu.memory_space<vmem>>, vector<1x128xf32>
    %min3A = arith.constant 0.000000e+00 : f32
    %min3A_18 = vector.broadcast %min3A : f32 to vector<256x128xf32>
    %min3A_19 = arith.minimumf %add3A_11, %min3A_18 : vector<256x128xf32>
    %mul3A_20 = vector.broadcast %get3A_17 : vector<1x128xf32> to vector<256x128xf32>
    %mul3A_21 = arith.mulf %mul3A_20, %min3A_19 : vector<256x128xf32>
    %add3A_22 = arith.addf %max3A_14, %mul3A_21 : vector<256x128xf32>
    %get3A_23 = arith.constant 0 : index
    %get3A_24 = arith.constant 0 : index
    %get3A_25 = vector.load %arg3[%get3A_23, %get3A_24] : memref<256x128xf32, #tpu.memory_space<vmem>>, vector<256x1xf32>
    %max3A_26 = arith.constant 1.000000e+00 : f32
    %max3A_27 = vector.broadcast %max3A_26 : f32 to vector<256x1xf32>
    %max3A_28 = arith.maximumf %get3A_25, %max3A_27 : vector<256x1xf32>
    %rsqrt3A_29 = math.rsqrt %max3A_28 : vector<256x1xf32>
    %mul3A_30 = vector.broadcast %rsqrt3A_29 : vector<256x1xf32> to vector<256x128xf32>
    %mul3A_31 = arith.mulf %add3A_22, %mul3A_30 : vector<256x128xf32>
    %get3A_32 = arith.constant 0 : index
    %get3A_33 = arith.constant 0 : index
    %get3A_34 = vector.load %arg6[%get3A_32, %get3A_33] : memref<128x128xf32, #tpu.memory_space<vmem>>, vector<128x128xf32>
    %dot_general3A = arith.constant dense<0.000000e+00> : vector<256x128xf32>
    %dot_general3A_35 = tpu.matmul %mul3A_31, %get3A_34, %dot_general3A {dimension_numbers = #tpu.dot_dimension_numbers<[1], [0], [0], [1], [0, 0, 1, 1], [], []>, transpose_lhs_hint = false} : vector<256x128xf32>, vector<128x128xf32>, vector<256x128xf32> -> vector<256x128xf32>
    %swap3A = arith.constant 0 : index
    %swap3A_36 = arith.constant 0 : index
    %swap3A_37 = vector.load %arg7[%swap3A, %swap3A_36] : memref<256x128xf32, #tpu.memory_space<vmem>>, vector<256x128xf32>
    tpu.vector_store %arg7[%swap3A, %swap3A_36], %dot_general3A_35 {strides = array<i32>} : memref<256x128xf32, #tpu.memory_space<vmem>>, vector<256x128xf32>,
    return
  }
  func.func @transform_0(%arg0: i32) -> (i32, i32) {
    %c0_i32 = arith.constant 0 : i32
    %c0_i32_0 = arith.constant 0 : i32
    return %arg0, %c0_i32 : i32, i32
  }
  func.func @transform_1(%arg0: i32) -> (i32, i32) {
    %jit3A = arith.constant 40 : i32
    %eq3A = arith.constant 0 : i32
    %eq3A_0 = arith.cmpi eq, %jit3A, %eq3A : i32
    %jit3A_1 = arith.constant 1 : i32
    %select_n3A = arith.select %eq3A_0, %jit3A_1, %jit3A : i32
    %rem3A = arith.remsi %arg0, %select_n3A : i32
    %ne3A = arith.constant 0 : i32
    %ne3A_2 = arith.cmpi ne, %rem3A, %ne3A : i32
    %lt3A = arith.constant 0 : i32
    %lt3A_3 = arith.cmpi slt, %rem3A, %lt3A : i32
    %lt3A_4 = arith.constant 0 : i32
    %lt3A_5 = arith.cmpi slt, %select_n3A, %lt3A_4 : i32
    %ne3A_6 = arith.xori %lt3A_3, %lt3A_5 : i1
    %and3A = arith.andi %ne3A_6, %ne3A_2 : i1
    %add3A = arith.addi %rem3A, %select_n3A : i32
    %select_n3A_7 = arith.select %and3A, %add3A, %rem3A : i32
    %c0_i32 = arith.constant 0 : i32
    %c0_i32_8 = arith.constant 0 : i32
    return %select_n3A_7, %c0_i32 : i32, i32
  }
  func.func @transform_2(%arg0: i32) -> (i32, i32) {
    %jit3A = arith.constant 40 : i32
    %eq3A = arith.constant 0 : i32
    %eq3A_0 = arith.cmpi eq, %jit3A, %eq3A : i32
    %jit3A_1 = arith.constant 1 : i32
    %select_n3A = arith.select %eq3A_0, %jit3A_1, %jit3A : i32
    %rem3A = arith.remsi %arg0, %select_n3A : i32
    %ne3A = arith.constant 0 : i32
    %ne3A_2 = arith.cmpi ne, %rem3A, %ne3A : i32
    %lt3A = arith.constant 0 : i32
    %lt3A_3 = arith.cmpi slt, %rem3A, %lt3A : i32
    %lt3A_4 = arith.constant 0 : i32
    %lt3A_5 = arith.cmpi slt, %select_n3A, %lt3A_4 : i32
    %ne3A_6 = arith.xori %lt3A_3, %lt3A_5 : i1
    %and3A = arith.andi %ne3A_6, %ne3A_2 : i1
    %add3A = arith.addi %rem3A, %select_n3A : i32
    %select_n3A_7 = arith.select %and3A, %add3A, %rem3A : i32
    %c0_i32 = arith.constant 0 : i32
    %c0_i32_8 = arith.constant 0 : i32
    return %select_n3A_7, %c0_i32 : i32, i32
  }
  func.func @transform_3(%arg0: i32) -> (i32, i32) {
    %c0_i32 = arith.constant 0 : i32
    %c0_i32_0 = arith.constant 0 : i32
    %c0_i32_1 = arith.constant 0 : i32
    return %c0_i32, %c0_i32_0 : i32, i32
  }
  func.func @transform_4(%arg0: i32) -> (i32, i32) {
    %c0_i32 = arith.constant 0 : i32
    %c0_i32_0 = arith.constant 0 : i32
    %c0_i32_1 = arith.constant 0 : i32
    return %c0_i32, %c0_i32_0 : i32, i32
  }
  func.func @transform_5(%arg0: i32) -> (i32, i32) {
    %c0_i32 = arith.constant 0 : i32
    %c0_i32_0 = arith.constant 0 : i32
    %c0_i32_1 = arith.constant 0 : i32
    return %c0_i32, %c0_i32_0 : i32, i32
  }
  func.func @transform_6(%arg0: i32) -> (i32, i32) {
    %c0_i32 = arith.constant 0 : i32
    %c0_i32_0 = arith.constant 0 : i32
    return %arg0, %c0_i32 : i32, i32
  }
}

module attributes {stable_mosaic.version = 14 : i64} {
  func.func @_tc_stage3(%arg0: i32, %arg1: memref<2048x128xf32, #tpu.memory_space<vmem>>, %arg2: memref<2048x128xf32, #tpu.memory_space<vmem>>, %arg3: memref<1x128xf32, #tpu.memory_space<vmem>>, %arg4: memref<1x128xf32, #tpu.memory_space<vmem>>, %arg5: memref<128x128xf32, #tpu.memory_space<vmem>>, %arg6: memref<1x128xf32, #tpu.memory_space<vmem>>, %arg7: memref<8x256xf32, #tpu.memory_space<vmem>>) attributes {dimension_semantics = [#tpu.dimension_semantics<arbitrary>], iteration_bounds = array<i64: 10>, scalar_prefetch = 0 : i64, scratch_operands = 0 : i64, tpu.core_type = #tpu.core_type<tc>, window_params = [{transform_indices = @transform_0, window_bounds = array<i64: 2048, 128>}, {transform_indices = @transform_1, window_bounds = array<i64: 2048, 128>}, {pipeline_mode = #tpu.pipeline_mode<synchronous>, transform_indices = @transform_2, window_bounds = array<i64: 1, 128>}, {pipeline_mode = #tpu.pipeline_mode<synchronous>, transform_indices = @transform_3, window_bounds = array<i64: 1, 128>}, {pipeline_mode = #tpu.pipeline_mode<synchronous>, transform_indices = @transform_4, window_bounds = array<i64: 128, 128>}, {pipeline_mode = #tpu.pipeline_mode<synchronous>, transform_indices = @transform_5, window_bounds = array<i64: 1, 128>}, {transform_indices = @transform_6, window_bounds = array<i64: 8, 256>}]} {
    %get3A = arith.constant 0 : index
    %get3A_0 = arith.constant 0 : index
    %get3A_1 = vector.load %arg2[%get3A, %get3A_0] : memref<2048x128xf32, #tpu.memory_space<vmem>>, vector<2048x1xf32>
    %max3A = arith.constant 1.000000e+00 : f32
    %max3A_2 = vector.broadcast %max3A : f32 to vector<2048x1xf32>
    %max3A_3 = arith.maximumf %get3A_1, %max3A_2 : vector<2048x1xf32>
    %rsqrt3A = math.rsqrt %max3A_3 : vector<2048x1xf32>
    %get3A_4 = arith.constant 0 : index
    %get3A_5 = arith.constant 0 : index
    %get3A_6 = vector.load %arg1[%get3A_4, %get3A_5] : memref<2048x128xf32, #tpu.memory_space<vmem>>, vector<2048x128xf32>
    %mul3A = vector.broadcast %rsqrt3A : vector<2048x1xf32> to vector<2048x128xf32>
    %mul3A_7 = arith.mulf %get3A_6, %mul3A : vector<2048x128xf32>
    %get3A_8 = arith.constant 0 : index
    %get3A_9 = arith.constant 0 : index
    %get3A_10 = vector.load %arg3[%get3A_8, %get3A_9] : memref<1x128xf32, #tpu.memory_space<vmem>>, vector<1x128xf32>
    %add3A = vector.broadcast %get3A_10 : vector<1x128xf32> to vector<2048x128xf32>
    %add3A_11 = arith.addf %mul3A_7, %add3A : vector<2048x128xf32>
    %max3A_12 = arith.constant 0.000000e+00 : f32
    %max3A_13 = vector.broadcast %max3A_12 : f32 to vector<2048x128xf32>
    %max3A_14 = arith.maximumf %add3A_11, %max3A_13 : vector<2048x128xf32>
    %get3A_15 = arith.constant 0 : index
    %get3A_16 = arith.constant 0 : index
    %get3A_17 = vector.load %arg4[%get3A_15, %get3A_16] : memref<1x128xf32, #tpu.memory_space<vmem>>, vector<1x128xf32>
    %min3A = arith.constant 0.000000e+00 : f32
    %min3A_18 = vector.broadcast %min3A : f32 to vector<2048x128xf32>
    %min3A_19 = arith.minimumf %add3A_11, %min3A_18 : vector<2048x128xf32>
    %mul3A_20 = vector.broadcast %get3A_17 : vector<1x128xf32> to vector<2048x128xf32>
    %mul3A_21 = arith.mulf %mul3A_20, %min3A_19 : vector<2048x128xf32>
    %add3A_22 = arith.addf %max3A_14, %mul3A_21 : vector<2048x128xf32>
    %get3A_23 = arith.constant 0 : index
    %get3A_24 = arith.constant 0 : index
    %get3A_25 = vector.load %arg5[%get3A_23, %get3A_24] : memref<128x128xf32, #tpu.memory_space<vmem>>, vector<128x128xf32>
    %dot_general3A = arith.constant dense<0.000000e+00> : vector<2048x128xf32>
    %dot_general3A_26 = tpu.matmul %add3A_22, %get3A_25, %dot_general3A {dimension_numbers = #tpu.dot_dimension_numbers<[1], [0], [0], [1], [0, 0, 1, 1], [], []>, transpose_lhs_hint = false} : vector<2048x128xf32>, vector<128x128xf32>, vector<2048x128xf32> -> vector<2048x128xf32>
    %get3A_27 = arith.constant 0 : index
    %get3A_28 = arith.constant 0 : index
    %get3A_29 = vector.load %arg6[%get3A_27, %get3A_28] : memref<1x128xf32, #tpu.memory_space<vmem>>, vector<1x128xf32>
    %add3A_30 = vector.broadcast %get3A_29 : vector<1x128xf32> to vector<2048x128xf32>
    %add3A_31 = arith.addf %dot_general3A_26, %add3A_30 : vector<2048x128xf32>
    %reduce_sum3A = arith.constant dense<0.000000e+00> : vector<2048xf32>
    %reduce_sum3A_32 = vector.multi_reduction <add>, %add3A_31, %reduce_sum3A [1] : vector<2048x128xf32> to vector<2048xf32>
    %reshape3A = vector.shape_cast %reduce_sum3A_32 : vector<2048xf32> to vector<8x256xf32>
    %swap3A = arith.constant 0 : index
    %swap3A_33 = arith.constant 0 : index
    %swap3A_34 = vector.load %arg7[%swap3A, %swap3A_33] : memref<8x256xf32, #tpu.memory_space<vmem>>, vector<8x256xf32>
    tpu.vector_store %arg7[%swap3A, %swap3A_33], %reshape3A {strides = array<i32>} : memref<8x256xf32, #tpu.memory_space<vmem>>, vector<8x256xf32>,
    return
  }
  func.func @transform_0(%arg0: i32) -> (i32, i32) {
    %c0_i32 = arith.constant 0 : i32
    %c0_i32_0 = arith.constant 0 : i32
    return %arg0, %c0_i32 : i32, i32
  }
  func.func @transform_1(%arg0: i32) -> (i32, i32) {
    %jit3A = arith.constant 5 : i32
    %eq3A = arith.constant 0 : i32
    %eq3A_0 = arith.cmpi eq, %jit3A, %eq3A : i32
    %jit3A_1 = arith.constant 1 : i32
    %select_n3A = arith.select %eq3A_0, %jit3A_1, %jit3A : i32
    %rem3A = arith.remsi %arg0, %select_n3A : i32
    %ne3A = arith.constant 0 : i32
    %ne3A_2 = arith.cmpi ne, %rem3A, %ne3A : i32
    %lt3A = arith.constant 0 : i32
    %lt3A_3 = arith.cmpi slt, %rem3A, %lt3A : i32
    %lt3A_4 = arith.constant 0 : i32
    %lt3A_5 = arith.cmpi slt, %select_n3A, %lt3A_4 : i32
    %ne3A_6 = arith.xori %lt3A_3, %lt3A_5 : i1
    %and3A = arith.andi %ne3A_6, %ne3A_2 : i1
    %add3A = arith.addi %rem3A, %select_n3A : i32
    %select_n3A_7 = arith.select %and3A, %add3A, %rem3A : i32
    %c0_i32 = arith.constant 0 : i32
    %c0_i32_8 = arith.constant 0 : i32
    return %select_n3A_7, %c0_i32 : i32, i32
  }
  func.func @transform_2(%arg0: i32) -> (i32, i32) {
    %c0_i32 = arith.constant 0 : i32
    %c0_i32_0 = arith.constant 0 : i32
    %c0_i32_1 = arith.constant 0 : i32
    return %c0_i32, %c0_i32_0 : i32, i32
  }
  func.func @transform_3(%arg0: i32) -> (i32, i32) {
    %c0_i32 = arith.constant 0 : i32
    %c0_i32_0 = arith.constant 0 : i32
    %c0_i32_1 = arith.constant 0 : i32
    return %c0_i32, %c0_i32_0 : i32, i32
  }
  func.func @transform_4(%arg0: i32) -> (i32, i32) {
    %c0_i32 = arith.constant 0 : i32
    %c0_i32_0 = arith.constant 0 : i32
    %c0_i32_1 = arith.constant 0 : i32
    return %c0_i32, %c0_i32_0 : i32, i32
  }
  func.func @transform_5(%arg0: i32) -> (i32, i32) {
    %c0_i32 = arith.constant 0 : i32
    %c0_i32_0 = arith.constant 0 : i32
    %c0_i32_1 = arith.constant 0 : i32
    return %c0_i32, %c0_i32_0 : i32, i32
  }
  func.func @transform_6(%arg0: i32) -> (i32, i32) {
    %c0_i32 = arith.constant 0 : i32
    %c0_i32_0 = arith.constant 0 : i32
    return %arg0, %c0_i32 : i32, i32
  }
}

</mosaic_0001>

<sc_bundles>
// kernel: kernel.11.cloned.1.call-start
scs
__scs_entry_jumppad:
0x0: {  	(pc) =	sbr.rel $0x88, $3  }
0x1: {  	(tag) =	ssettag $0x0;
	lr =	simm.s32 $0x1  }
0x2: {  	[smem:$0x3F98] =	sst lr;
	_ =	strace $0xD0000000  }
0x3: {  	_ = 	snop  }
0x4: {  	_ = 	snop  }
0x5: {  	_ = 	snop  }
0x6: {  	_ = 	snop  }
0x7: {  	_ = 	snop  }
__scs_overlays_trampoline_lowered:
0x8: {  	[smem:$0x3FA7] =	sst s0  }
0x9: {  	[smem:$0x3FA8] =	sst s1  }
0xa: {  	[smem:$0x3FA9] =	sst s2  }
0xb: {  	[smem:$0x3FAA] =	sst s3  }
0xc: {  	[smem:$0x3FAB] =	sst s4  }
0xd: {  	[smem:$0x3FAC] =	sst s5  }
0xe: {  	[smem:$0x3FAD] =	sst s6  }
0xf: {  	[smem:$0x3FAE] =	sst s7  }
0x10: {  	[smem:$0x3FAF] =	sst s8  }
0x11: {  	[smem:$0x3FB0] =	sst s9;
	s0 =	simm.s32 @!p0 $0x0  }
0x12: {  	s1 =	sld [smem:$0x3F96];
	s0 =	simm.s32 @p0 $0x1  }
0x13: {  	[smem:$0x3FB1] =	sst s0;
	s0 =	simm.s32 @!p1 $0x0  }
0x14: {  	s2 =	sld [smem:$0x3F95];
	s0 =	simm.s32 @p1 $0x1  }
0x15: {  	[smem:$0x3FB2] =	sst s0;
	s0 =	simm.s32 @!p2 $0x0  }
0x16: {  	s3 =	sld [smem:$0x3FDB];
	s0 =	simm.s32 @p2 $0x1  }
0x17: {  	s4 =	simm.s32 $0x1BF5;
	[smem:$0x3FB4] =	sst s0  }
0x18: {  	s0 =	sld [smem:$0x3F97];
	_ =	swait.ge [sflag:s4], $0x0  }
0x19: {  	s7 =	sld [smem:$0x3F98]  }
0x1a: {  	s8 =	sadd.s32 $0xFFFFE003, lr  }
0x1b: {  	s9 =	sadd.s32 $0xFFFFFEF7, lr;
	s5 =	simm.s32 $0xFFFFFFFF;
	p2 =	slt.u32 s8, $0xFFFFF086  }
0x1c: {  	p1 =	slt.u32 s9, $0xF7A;
	s5 =	simm.s32 @!p2 $0x0  }
0x1d: {  	s5 =	simm.s32 @p1 $0x1;
	p0 =	seq.s32 s7, s2  }
0x1e: {  	s7 =	smul.u32 @!p0 $0xF7A, s2;
	p2 =	seq.s32 @!p0 s5, $0x0  }
0x1f: {  	s9 =	smul.u32 $0xF7A, s1;
	s8 =	simm.s32 @!p0 $0x1BF5;
	p2 =	por !p2, p0  }
0x20: {  	[sflag:s8] =	ssyncset.s32 @!p0 $0xFFFFF086;
	s6 =	sadd.s32 @!p0 s3, s7;
	s7 =	simm.s32 @!p0 $0x108  }
0x21: {  	s3 =	sadd.s32 s3, s9;
	s6 =	sadd.s32 @!p0 $0x88, s6;
	s7 =	simm.s32 @p2 $0x1082  }
0x22: {  	[simem:s7], [sflag:s8] =	dma.local @!p0 [hbm:s6], $0xF7A  }
0x23: {  	s9 =	sor.u32 $0xD0000000, s2;
	s6 =	simm.s32 $0x108;
	_ =	swait.ge @!p0 [sflag:s8], $0x0  }
0x24: {  	s3 =	sadd.s32 $0x88, s3;
	s6 =	simm.s32 @!p1 $0x1082;
	[sflag:s4] =	ssyncset.s32 $0xFFFFF086  }
0x25: {  	[simem:s6], [sflag:s4] =	dma.local [hbm:s3], $0xF7A  }
0x26: {  	[smem:$0x3F98] =	sst s1;
	(tag) =	ssettag s2;
	_ =	strace s9  }
0x27: {  	s1 =	sld [smem:$0x3FA8]  }
0x28: {  	s2 =	sld [smem:$0x3FA9]  }
0x29: {  	s4 =	sld [smem:$0x3FAB]  }
0x2a: {  	p0 =	seq.s32 s5, $0x0;
	s5 =	sld [smem:$0x3FAC]  }
0x2b: {  	s6 =	sld [smem:$0x3FAD]  }
0x2c: {  	s7 =	sld [smem:$0x3FAE]  }
0x2d: {  	s3 =	simm.s32 $0x108;
	s8 =	sld [smem:$0x3FAF]  }
0x2e: {  	s3 =	simm.s32 @!p0 $0x1082;
	s9 =	sld [smem:$0x3FB0]  }
0x2f: {  	lr =	sadd.s32 s0, s3;
	s0 =	sld [smem:$0x3FA7]  }
0x30: {  	s3 =	sld [smem:$0x3FAA]  }
0x31: {  	[smem:$0x3FB3] =	sst s10  }
0x32: {  	s10 =	sld [smem:$0x3FB1];
	_ =	sdelay $0x3  }
0x33: {  	p0 =	seq.s32 s10, $0x1;
	s10 =	sld [smem:$0x3FB3];
	_ =	sdelay $0x3  }
0x34: {  	[smem:$0x3FB3] =	sst s10  }
0x35: {  	s10 =	sld [smem:$0x3FB2];
	_ =	sdelay $0x3  }
0x36: {  	p1 =	seq.s32 s10, $0x1;
	s10 =	sld [smem:$0x3FB3];
	_ =	sdelay $0x3  }
0x37: {  	[smem:$0x3FB3] =	sst s10  }
0x38: {  	s10 =	sld [smem:$0x3FB4]  }
0x39: {  	_ = 	snop;
	(pc) =	sbr.ind lr, $3  }
0x3a: {  	_ = 	snop  }
0x3b: {  	_ = 	snop  }
0x3c: {  	p2 =	seq.s32 s10, $0x1;
	s10 =	sld [smem:$0x3FB3]  }
0x3d: {  	_ =	shalt  }
0x3e: {  	_ =	shalt  }
0x3f: {  	_ =	shalt  }
0x40: {  	_ =	shalt  }
0x41: {  	_ =	shalt  }
0x42: {  	_ =	shalt  }
0x43: {  	_ =	shalt  }
0x44: {  	_ =	shalt  }
0x45: {  	_ =	shalt  }
0x46: {  	_ =	shalt  }
0x47: {  	_ =	shalt  }
0x48: {  	_ =	shalt  }
0x49: {  	_ =	shalt  }
0x4a: {  	_ =	shalt  }
0x4b: {  	_ =	shalt  }
0x4c: {  	_ =	shalt  }
0x4d: {  	_ =	shalt  }
0x4e: {  	_ =	shalt  }
0x4f: {  	_ =	shalt  }
0x50: {  	_ =	shalt  }
0x51: {  	_ =	shalt  }
0x52: {  	_ =	shalt  }
0x53: {  	_ =	shalt  }
0x54: {  	_ =	shalt  }
0x55: {  	_ =	shalt  }
0x56: {  	_ =	shalt  }
0x57: {  	_ =	shalt  }
0x58: {  	_ =	shalt  }
0x59: {  	_ =	shalt  }
0x5a: {  	_ =	shalt  }
0x5b: {  	_ =	shalt  }
0x5c: {  	_ =	shalt  }
0x5d: {  	_ =	shalt  }
0x5e: {  	_ =	shalt  }
0x5f: {  	_ =	shalt  }
0x60: {  	_ =	shalt  }
0x61: {  	_ =	shalt  }
0x62: {  	_ =	shalt  }
0x63: {  	_ =	shalt  }
0x64: {  	_ =	shalt  }
0x65: {  	_ =	shalt  }
0x66: {  	_ =	shalt  }
0x67: {  	_ =	shalt  }
0x68: {  	_ =	shalt  }
0x69: {  	_ =	shalt  }
0x6a: {  	_ =	shalt  }
0x6b: {  	_ =	shalt  }
0x6c: {  	_ =	shalt  }
0x6d: {  	_ =	shalt  }
0x6e: {  	_ =	shalt  }
0x6f: {  	_ =	shalt  }
0x70: {  	_ =	shalt  }
0x71: {  	_ =	shalt  }
0x72: {  	_ =	shalt  }
0x73: {  	_ =	shalt  }
0x74: {  	_ =	shalt  }
0x75: {  	_ =	shalt  }
0x76: {  	_ =	shalt  }
0x77: {  	_ =	shalt  }
0x78: {  	_ =	shalt  }
0x79: {  	_ =	shalt  }
0x7a: {  	_ =	shalt  }
0x7b: {  	_ =	shalt  }
0x7c: {  	_ =	shalt  }
0x7d: {  	_ =	shalt  }
0x7e: {  	_ =	shalt  }
0x7f: {  	_ =	shalt  }
0x80: {  	_ =	shalt  }
0x81: {  	_ =	shalt  }
0x82: {  	_ =	shalt  }
0x83: {  	_ =	shalt  }
0x84: {  	_ =	shalt  }
0x85: {  	_ =	shalt  }
0x86: {  	_ =	shalt  }
0x87: {  	_ =	shalt  }
.Lfunc_end0:
.L_simem_size_0:
called_computation.1_lowered:
.L_overlay_start_0:
0x88: {  	s2 =	sld [smem:$0x3FD9]  }
0x89: {  	s3 =	sld [smem:$0x3FFE];
	_ =	sdelay $0x1  }
0x8a: {  	s1 =	srdreg.scid  }
0x8b: {  	s0 =	sand.u32 $0x1, s1  }
0x8c: {  	s16 =	sshll.u32 s0, $0xA;
	s2 =	sadd.s32 s3, s2  }
0x8d: {  	s2 =	sadd.s32 s2, s16  }
0x8e: {  	[smem:$0x3FBF] =	sst s2  }
0x8f: {  	_ = 	snop  }
0x90: {  	(tm) =	ssettm $0x1  }
0x91: {  	s17 =	sld [smem:$0x3FFB];
	_ =	sdelay $0x3  }
0x92: {  	_ =	strace s17  }
0x93: {  	s2 =	sld [smem:$0x3FFC];
	_ =	sdelay $0x3  }
0x94: {  	_ =	strace s2  }
0x95: {  	s2 =	sld [smem:$0x3FFD];
	_ =	sdelay $0x3  }
0x96: {  	_ =	strace s2  }
0x97: {  	_ =	strace $0x8FFFFFFF  }
0x98: {  	s18 =	sld [smem:$0x3FDB];
	_ =	sdelay $0x1  }
0x99: {  	s19 =	simm.s32 $_scs_section_size  }
0x9a: {  	s4 =	simm.s32 $_size__tile_overlayer_lowered;
	s5 =	simm.s32 $_tile_overlayer_lowered  }
0x9b: {  	s22 =	simm.s32 $0x1BFF;
	s21 =	sshll.u32 s5, $0x1;
	s2 =	sadd.s32 s19, s18  }
0x9c: {  	s6 =	simm.s32 $0x0;
	s20 =	sshll.u32 s4, $0x1;
	s4 =	sadd.s32 s21, s2  }
0x9d: {  	[timem:s6], [sflag:s22] =	dma.local [hbm:s4], s20  }
0x9e: {  	_ =	swait.ge [sflag:s22], s20  }
0x9f: {  	s3 =	ssub.s32 $0x0, s20;
	[sflag:s22] =	ssyncset.done $0x0  }
0xa0: {  	[sflag:s22] =	ssyncadd.s32 s3;
	_ =	sdelay $0x1  }
0xa1: {  	s23 =	simm.s32 $0x1B8B  }
0xa2: {  	_ =	swait.ge [sflag:s23], $0x1  }
0xa3: {  	[sflag:s23] =	ssyncset.done $0x0  }
0xa4: {  	s25 =	simm.s32 $0x1B8E;
	s24 =	sld [smem:$0x3FFE];
	[sflag:s23] =	ssyncadd.s32 $0xFFFFFFFF  }
0xa5: {  	s26 =	simm.s32 $execute0_lowered;
	[smem:$0x3FD2] =	sst s25  }
0xa6: {  	s4 =	sshll.u32 s26, $0x1;
	_ =	strace $0x80000049;
	[dreg:$0x1] =	wrdreg $0xFFFFFFFF  }
0xa7: {  	s28 =	simm.s32 $_size_execute0_lowered;
	s2 =	sadd.s32 s2, s4;
	[dreg:$0x0] =	wrdreg $0x0  }
0xa8: {  	s4 =	sshll.u32 s28, $0x1;
	[dreg:$0x2] =	wrdreg s2  }
0xa9: {  	[dreg:$0x3] =	wrdreg s4  }
0xaa: {  	[dreg:$0x4] =	wrdreg $0xC0  }
0xab: {  	_ =	task [dreg:s6], $0x5FFFF  }
0xac: {  	[dreg:$0x1] =	wrdreg $0xFFFFFFFF  }
0xad: {  	[dreg:$0x0] =	wrdreg $0x60  }
0xae: {  	[dreg:$0x2] =	wrdreg s24  }
0xaf: {  	[dreg:$0x3] =	wrdreg $0x0  }
0xb0: {  	[dreg:$0x4] =	wrdreg $0x9  }
0xb1: {  	_ =	task.clear_ibuf [dreg:s6], $0x5FFFF;
	_ =	strace $0x90000049  }
0xb2: {  	s29 =	simm.s32 $0x9;
	_ =	strace $0x8000004B  }
0xb3: {  	_ =	swait.ge [sflag:s29], $0x1  }
0xb4: {  	[sflag:s29] =	ssyncadd.s32 $0xFFFFFFFF  }
0xb5: {  	_ =	strace $0x9000004B  }
0xb6: {  	_ =	sfence  }
0xb7: {  	s30 =	sld [smem:$0x0];
	_ =	sdelay $0x2  }
0xb8: {  	s31 =	sshll.u32 s1, $0xD;
	s1 =	sshrl.u32 s1, $0x2  }
0xb9: {  	s3 =	sand.u32 $0x4000, s31;
	s1 =	sadd.s32 s1, s30  }
0xba: {  	s0 =	sor.u32 s3, s0;
	s1 =	sshll.u32 s1, $0x11  }
0xbb: {  	s0 =	sor.u32 s1, s0  }
0xbc: {  	s0 =	sadd.s32 $0x8F2B, s0  }
0xbd: {  	[sflag:s0] =	ssyncadd.remote.s32 $0x1  }
0xbe: {  	_ =	sfence.sel $0xFFFF  }
0xbf: {  	[dreg:$0x0] =	wrdreg $0xFFFFFFFF;
	(pc) =	sbr.abs _section_cstart, $3  }
0xc0: {  	[dreg:$0x1] =	wrdreg $0xFFFFFFFF  }
0xc1: {  	_ =	task.clear_ibuf [dreg:s6], $0x2FFFF;
	_ =	strace $0x9FFFFFFF  }
0xc2: {  	(tm) =	ssettm $0x7FFFFFFF  }
0xc3: {  	_ =	shalt  }
tec
execute0_lowered:
.L_overlay_start_1:
0x0: {  	(tag) =	ssettag $0x1  }
0x1: {  	s0 =	rddreg [dreg:$0x0]  }
0x2: {  	s1 =	rddreg [dreg:$0x1];
	s28 =	simm.s32 $0x0  }
0x3: {  	s2 =	srdreg.scid;
	s6 =	stileid.u32;
	s14 =	simm.s32 $0xB  }
0x4: {  	s15 =	simm.s32 $0x14000;
	s17 =	simm.s32 $0x20;
	s18 =	simm.s32 $0x16800  }
0x5: {  	s29 =	simm.s32 $0x1C800;
	s31 =	simm.s32 $0x19800;
	s11 =	simm.s32 $0x2  }
0x6: {  	s12 =	simm.s32 $0x3;
	s13 =	simm.s32 $0x80;
	s16 =	simm.s32 $0x6  }
0x7: {  	[smem:$0x7FF] =	sst s28;
	s2 =	sand.u32 $0x1, s2;
	s3 =	smul.u32 $0x2800, s6  }
0x8: {  	s4 =	sadd.s32 $0x4B000, s0;
	s5 =	sadd.s32 $0xEB000, s0;
	s21 =	smul.u32 $0x50000, s6  }
0x9: {  	s7 =	sadd.s32 $0x2800, s0;
	s20 =	sadd.s32 $0x48800, s0;
	s8 =	smul.u32 $0x14000, s6  }
0xa: {  	s10 =	smul.u32 $0x5000, s6;
	_ =	strace $0x8000004A;
	[dreg:$0x4] =	wrdreg s5  }
0xb: {  	s25 =	sshll.u32 s6, $0x6;
	s19 =	smul.u32 $0x28000, s2;
	[dreg:$0x5] =	wrdreg s7  }
0xc: {  	[dreg:$0x6] =	wrdreg s20;
	s22 =	ssub.s32 $0x2, s2;
	s2 =	smul.u32 $0x140000, s2  }
0xd: {  	s30 =	sor.u32 $0x1C0B, s25;
	s20 =	simm.s32 $0x1A800;
	s7 =	simm.s32 $0x1  }
0xe: {  	s25 =	simm.s32 $0xA;
	s23 =	sshrl.u32 s22, $0x1;
	s24 =	sshrl.u32 s21, $0x2  }
0xf: {  	s21 =	simm.s32 $0x8;
	[dreg:$0x7] =	wrdreg s30;
	s3 =	sadd.s32 s3, s19  }
0x10: {  	s5 =	sadd.s32 s24, s1;
	s9 =	sadd.s32 s8, s2;
	s24 =	simm.s32 $0x1B800  }
0x11: {  	s2 =	simm.s32 $0x1D800;
	s8 =	simm.s32 $0x4;
	s19 =	simm.s32 $0x7  }
0x12: {  	s0 =	sadd.s32 s3, s0;
	s3 =	ssub.s32 s22, s23;
	s5 =	sshrl.u32 s5, $0x3  }
0x13: {  	s22 =	simm.s32 $0x17800;
	s0 =	sadd.s32 $0x13B000, s0;
	[dreg:$0xa] =	wrdreg s5  }
0x14: {  	s23 =	simm.s32 $0x9;
	s26 =	smax.u32 s3, $0x1;
	[dreg:$0x8] =	wrdreg s0  }
0x15: {  	s3 =	simm.s32 $0x5;
	[dreg:$0x9] =	wrdreg s26;
	s26 =	simm.s32 $0x18800  }
.LBB2_1:
0x16: {  	[dreg:$0x3] =	wrdreg s28  }
0x17: {  	s0 =	rddreg [dreg:$0x6]  }
0x18: {  	[spmem:s5], [sflag:s30] =	dma.local [hbm:s0], $0x2800  }
0x19: {  	_ =	swait.ge [sflag:s14], $0x2800  }
0x1a: {  	[sflag:s14] =	ssyncset.done $0x0  }
0x1b: {  	[sflag:s14] =	ssyncadd.s32 $0xFFFFD800  }
0x1c: {  	s0 =	simm.s32 $0x0;
	[bflag:$0x0] =	sbarrier.arrive $0xFFFF  }
.LBB2_2:
0x1d: {  	s5 =	sshll.u32 s0, $0xD  }
0x1e: {  	s5 =	sadd.s32 s5, s9  }
0x1f: {  	s6 =	rddreg [dreg:$0x4];
	s5 =	sshrl.u32 s5, $0x3  }
0x20: {  	s28 =	simm.s32 $0x0;
	s5 =	sadd.s32 s6, s5;
	s6 =	sshll.u32 s0, $0xB  }
0x21: {  	[tilespmem:s15], [sflag:$0xB] =	stream.linear.gather [hbm4b:s5+s28], $0x2000, $0x38;
	[tilespmem:$0x1E800] =	vst v63  }
0x22: {  	s5 =	sadd.s32 s10, s6;
	_ =	swait.ge [sflag:s14], $0x2000  }
0x23: {  	s5 =	sshrl.u32 s5, $0x3;
	[sflag:s14] =	ssyncset.done $0x0;
	s6 =	rddreg [dreg:$0x5]  }
0x24: {  	[sflag:s14] =	ssyncadd.s32 $0xFFFFE000;
	s5 =	sadd.s32 s6, s5;
	s6 =	simm.s32 $0x16000  }
0x25: {  	[tilespmem:s6], [sflag:$0xB] =	stream.linear.gather [hbm4b:s5+s28], $0x800, $0x38;
	[tilespmem:$0x1E800] =	vst v63  }
0x26: {  	_ =	swait.ge [sflag:s14], $0x800  }
0x27: {  	[sflag:s14] =	ssyncset.done $0x0  }
0x28: {  	[sflag:s14] =	ssyncadd.s32 $0xFFFFF800  }
0x29: {  	[tilespmem:s18], [sflag:$0x1] =	stream.indirect.gather [hbm4b:s4+s17], $0x80, s15, s17, $0xb8;
	[tilespmem:$0x1E800] =	vst v63  }
0x2a: {  	s6 =	simm.s32 $0x14200  }
0x2b: {  	[tilespmem:s20], [sflag:$0x5] =	stream.indirect.gather [hbm4b:s4+s17], $0x80, s6, s17, $0xb8;
	[tilespmem:$0x1E800] =	vst v63  }
0x2c: {  	s6 =	simm.s32 $0x14080  }
0x2d: {  	[tilespmem:s22], [sflag:$0x2] =	stream.indirect.gather [hbm4b:s4+s17], $0x80, s6, s17, $0xb8;
	[tilespmem:$0x1E800] =	vst v63  }
0x2e: {  	s6 =	simm.s32 $0x14280  }
0x2f: {  	[tilespmem:s24], [sflag:$0x6] =	stream.indirect.gather [hbm4b:s4+s17], $0x80, s6, s17, $0xb8;
	[tilespmem:$0x1E800] =	vst v63  }
0x30: {  	s6 =	simm.s32 $0x14100  }
0x31: {  	[tilespmem:s26], [sflag:$0x3] =	stream.indirect.gather [hbm4b:s4+s17], $0x80, s6, s17, $0xb8;
	[tilespmem:$0x1E800] =	vst v63  }
0x32: {  	s6 =	simm.s32 $0x14300  }
0x33: {  	[tilespmem:s29], [sflag:$0x7] =	stream.indirect.gather [hbm4b:s4+s17], $0x80, s6, s17, $0xb8;
	[tilespmem:$0x1E800] =	vst v63  }
0x34: {  	s6 =	simm.s32 $0x14180  }
0x35: {  	[tilespmem:s31], [sflag:$0x4] =	stream.indirect.gather [hbm4b:s4+s17], $0x80, s6, s17, $0xb8;
	[tilespmem:$0x1E800] =	vst v63  }
0x36: {  	s6 =	simm.s32 $0x14380  }
0x37: {  	[tilespmem:s2], [sflag:$0x8] =	stream.indirect.gather [hbm4b:s4+s17], $0x80, s6, s17, $0xb8;
	[tilespmem:$0x1E800] =	vst v63  }
0x38: {  	_ =	swait.ge [sflag:s7], $0x1000  }
0x39: {  	[sflag:s7] =	ssyncset.done $0x0  }
0x3a: {  	[sflag:s7] =	ssyncadd.s32 $0xFFFFF000  }
0x3b: {  	_ =	swait.ge [sflag:s11], $0x1000  }
0x3c: {  	[sflag:s11] =	ssyncset.done $0x0  }
0x3d: {  	[sflag:s11] =	ssyncadd.s32 $0xFFFFF000  }
0x3e: {  	_ =	swait.ge [sflag:s12], $0x1000  }
0x3f: {  	[sflag:s12] =	ssyncset.done $0x0  }
0x40: {  	[sflag:s12] =	ssyncadd.s32 $0xFFFFF000  }
0x41: {  	_ =	swait.ge [sflag:s8], $0x1000  }
0x42: {  	[sflag:s8] =	ssyncset.done $0x0  }
0x43: {  	s6 =	simm.s32 $0x16000;
	[sflag:s8] =	ssyncadd.s32 $0xFFFFF000  }
0x44: {  	[spmem:s1] =	stream.indirect.scatter.add.f32 [tilespmem:s18], [sflag:$0x9], $0x80, s6, s13, $0xb8;
	[tilespmem:$0x1E800] =	vst v63  }
0x45: {  	_ =	swait.ge [sflag:s3], $0x1000  }
0x46: {  	[sflag:s3] =	ssyncset.done $0x0  }
0x47: {  	[sflag:s3] =	ssyncadd.s32 $0xFFFFF000  }
0x48: {  	_ =	swait.ge [sflag:s16], $0x1000  }
0x49: {  	[sflag:s16] =	ssyncset.done $0x0  }
0x4a: {  	[sflag:s16] =	ssyncadd.s32 $0xFFFFF000  }
0x4b: {  	_ =	swait.ge [sflag:s19], $0x1000  }
0x4c: {  	[sflag:s19] =	ssyncset.done $0x0  }
0x4d: {  	[sflag:s19] =	ssyncadd.s32 $0xFFFFF000  }
0x4e: {  	_ =	swait.ge [sflag:s21], $0x1000  }
0x4f: {  	[sflag:s21] =	ssyncset.done $0x0  }
0x50: {  	s6 =	simm.s32 $0x16080;
	[sflag:s21] =	ssyncadd.s32 $0xFFFFF000  }
0x51: {  	[spmem:s1] =	stream.indirect.scatter.add.f32 [tilespmem:s20], [sflag:$0xA], $0x80, s6, s13, $0xb8;
	[tilespmem:$0x1E800] =	vst v63  }
0x52: {  	_ =	swait.ge [sflag:s23], $0x4000  }
0x53: {  	[sflag:s23] =	ssyncset.done $0x0  }
0x54: {  	s6 =	simm.s32 $0x14400;
	[sflag:s23] =	ssyncadd.s32 $0xFFFFC000  }
0x55: {  	[tilespmem:s18], [sflag:$0x1] =	stream.indirect.gather [hbm4b:s4+s17], $0x80, s6, s17, $0xb8;
	[tilespmem:$0x1E800] =	vst v63  }
0x56: {  	s6 =	simm.s32 $0x14480  }
0x57: {  	[tilespmem:s22], [sflag:$0x2] =	stream.indirect.gather [hbm4b:s4+s17], $0x80, s6, s17, $0xb8;
	[tilespmem:$0x1E800] =	vst v63  }
0x58: {  	s6 =	simm.s32 $0x14500  }
0x59: {  	[tilespmem:s26], [sflag:$0x3] =	stream.indirect.gather [hbm4b:s4+s17], $0x80, s6, s17, $0xb8;
	[tilespmem:$0x1E800] =	vst v63  }
0x5a: {  	s6 =	simm.s32 $0x14580  }
0x5b: {  	[tilespmem:s31], [sflag:$0x4] =	stream.indirect.gather [hbm4b:s4+s17], $0x80, s6, s17, $0xb8;
	[tilespmem:$0x1E800] =	vst v63  }
0x5c: {  	_ =	swait.ge [sflag:s25], $0x4000  }
0x5d: {  	[sflag:s25] =	ssyncset.done $0x0  }
0x5e: {  	s6 =	simm.s32 $0x14600;
	[sflag:s25] =	ssyncadd.s32 $0xFFFFC000  }
0x5f: {  	[tilespmem:s20], [sflag:$0x5] =	stream.indirect.gather [hbm4b:s4+s17], $0x80, s6, s17, $0xb8;
	[tilespmem:$0x1E800] =	vst v63  }
0x60: {  	s30 =	simm.s32 $0x16180;
	s6 =	simm.s32 $0x14680  }
0x61: {  	[tilespmem:s24], [sflag:$0x6] =	stream.indirect.gather [hbm4b:s4+s17], $0x80, s6, s17, $0xb8;
	[tilespmem:$0x1E800] =	vst v63  }
0x62: {  	s28 =	simm.s32 $0x1000;
	s5 =	simm.s32 $0x14780;
	s6 =	simm.s32 $0x14700  }
0x63: {  	[tilespmem:s29], [sflag:$0x7] =	stream.indirect.gather [hbm4b:s4+s17], $0x80, s6, s17, $0xb8;
	[tilespmem:$0x1E800] =	vst v63  }
.LBB2_3:
0x64: {  	[tilespmem:s2], [sflag:$0x8] =	stream.indirect.gather [hbm4b:s4+s17], $0x80, s5, s17, $0xb8;
	[tilespmem:$0x1E800] =	vst v63  }
0x65: {  	s5 =	smov.u32 s28  }
0x66: {  	p0 =	sne.s32 s28, $0x6000;
	s28 =	sadd.s32 $0x1000, s28;
	_ =	swait.ge [sflag:s7], $0x1000  }
0x67: {  	[sflag:s7] =	ssyncset.done $0x0  }
0x68: {  	[sflag:s7] =	ssyncadd.s32 $0xFFFFF000  }
0x69: {  	_ =	swait.ge [sflag:s11], $0x1000  }
0x6a: {  	[sflag:s11] =	ssyncset.done $0x0  }
0x6b: {  	[sflag:s11] =	ssyncadd.s32 $0xFFFFF000  }
0x6c: {  	_ =	swait.ge [sflag:s12], $0x1000  }
0x6d: {  	[sflag:s12] =	ssyncset.done $0x0  }
0x6e: {  	[sflag:s12] =	ssyncadd.s32 $0xFFFFF000  }
0x6f: {  	_ =	swait.ge [sflag:s8], $0x1000  }
0x70: {  	[sflag:s8] =	ssyncset.done $0x0  }
0x71: {  	s6 =	sadd.s32 $0xFFFFFF80, s30;
	[sflag:s8] =	ssyncadd.s32 $0xFFFFF000  }
0x72: {  	[spmem:s1] =	stream.indirect.scatter.add.f32 [tilespmem:s18], [sflag:$0x9], $0x80, s6, s13, $0xb8;
	[tilespmem:$0x1E800] =	vst v63  }
0x73: {  	_ =	swait.ge [sflag:s3], $0x1000  }
0x74: {  	[sflag:s3] =	ssyncset.done $0x0  }
0x75: {  	[sflag:s3] =	ssyncadd.s32 $0xFFFFF000  }
0x76: {  	_ =	swait.ge [sflag:s16], $0x1000  }
0x77: {  	[sflag:s16] =	ssyncset.done $0x0  }
0x78: {  	[sflag:s16] =	ssyncadd.s32 $0xFFFFF000  }
0x79: {  	_ =	swait.ge [sflag:s19], $0x1000  }
0x7a: {  	[sflag:s19] =	ssyncset.done $0x0  }
0x7b: {  	[sflag:s19] =	ssyncadd.s32 $0xFFFFF000  }
0x7c: {  	_ =	swait.ge [sflag:s21], $0x1000  }
0x7d: {  	[sflag:s21] =	ssyncset.done $0x0  }
0x7e: {  	[sflag:s21] =	ssyncadd.s32 $0xFFFFF000  }
0x7f: {  	[spmem:s1] =	stream.indirect.scatter.add.f32 [tilespmem:s20], [sflag:$0xA], $0x80, s30, s13, $0xb8;
	[tilespmem:$0x1E800] =	vst v63  }
0x80: {  	_ =	swait.ge [sflag:s23], $0x4000  }
0x81: {  	s5 =	sshra.s32 s5, $0x2;
	[sflag:s23] =	ssyncset.done $0x0  }
0x82: {  	s6 =	sadd.s32 $0x14400, s5;
	[sflag:s23] =	ssyncadd.s32 $0xFFFFC000  }
0x83: {  	[tilespmem:s18], [sflag:$0x1] =	stream.indirect.gather [hbm4b:s4+s17], $0x80, s6, s17, $0xb8;
	[tilespmem:$0x1E800] =	vst v63  }
0x84: {  	s6 =	sadd.s32 $0x14480, s5  }
0x85: {  	[tilespmem:s22], [sflag:$0x2] =	stream.indirect.gather [hbm4b:s4+s17], $0x80, s6, s17, $0xb8;
	[tilespmem:$0x1E800] =	vst v63  }
0x86: {  	s6 =	sadd.s32 $0x14500, s5  }
0x87: {  	[tilespmem:s26], [sflag:$0x3] =	stream.indirect.gather [hbm4b:s4+s17], $0x80, s6, s17, $0xb8;
	[tilespmem:$0x1E800] =	vst v63  }
0x88: {  	s6 =	sadd.s32 $0x14580, s5  }
0x89: {  	[tilespmem:s31], [sflag:$0x4] =	stream.indirect.gather [hbm4b:s4+s17], $0x80, s6, s17, $0xb8;
	[tilespmem:$0x1E800] =	vst v63  }
0x8a: {  	_ =	swait.ge [sflag:s25], $0x4000  }
0x8b: {  	[sflag:s25] =	ssyncset.done $0x0  }
0x8c: {  	s6 =	sadd.s32 $0x14600, s5;
	[sflag:s25] =	ssyncadd.s32 $0xFFFFC000  }
0x8d: {  	[tilespmem:s20], [sflag:$0x5] =	stream.indirect.gather [hbm4b:s4+s17], $0x80, s6, s17, $0xb8;
	[tilespmem:$0x1E800] =	vst v63  }
.Ltmp0:
0x8e: {  	s6 =	sadd.s32 $0x14680, s5;
	(pc) =	sbr.rel @p0 .LBB2_3-.Ltmp0, $4  }
0x8f: {  	[tilespmem:s24], [sflag:$0x6] =	stream.indirect.gather [hbm4b:s4+s17], $0x80, s6, s17, $0xb8;
	[tilespmem:$0x1E800] =	vst v63  }
0x90: {  	s6 =	sadd.s32 $0x14700, s5  }
0x91: {  	[tilespmem:s29], [sflag:$0x7] =	stream.indirect.gather [hbm4b:s4+s17], $0x80, s6, s17, $0xb8;
	[tilespmem:$0x1E800] =	vst v63  }
0x92: {  	s30 =	sadd.s32 $0x100, s30;
	s5 =	sadd.s32 $0x14780, s5  }
0x93: {  	[tilespmem:s2], [sflag:$0x8] =	stream.indirect.gather [hbm4b:s4+s17], $0x80, s5, s17, $0xb8;
	[tilespmem:$0x1E800] =	vst v63  }
0x94: {  	_ =	swait.ge [sflag:s7], $0x1000  }
0x95: {  	[sflag:s7] =	ssyncset.done $0x0  }
0x96: {  	[sflag:s7] =	ssyncadd.s32 $0xFFFFF000  }
0x97: {  	_ =	swait.ge [sflag:s11], $0x1000  }
0x98: {  	[sflag:s11] =	ssyncset.done $0x0  }
0x99: {  	[sflag:s11] =	ssyncadd.s32 $0xFFFFF000  }
0x9a: {  	_ =	swait.ge [sflag:s12], $0x1000  }
0x9b: {  	[sflag:s12] =	ssyncset.done $0x0  }
0x9c: {  	[sflag:s12] =	ssyncadd.s32 $0xFFFFF000  }
0x9d: {  	_ =	swait.ge [sflag:s8], $0x1000  }
0x9e: {  	[sflag:s8] =	ssyncset.done $0x0  }
0x9f: {  	s28 =	simm.s32 $0x16700;
	[sflag:s8] =	ssyncadd.s32 $0xFFFFF000  }
0xa0: {  	[spmem:s1] =	stream.indirect.scatter.add.f32 [tilespmem:s18], [sflag:$0x9], $0x80, s28, s13, $0xb8;
	[tilespmem:$0x1E800] =	vst v63  }
0xa1: {  	_ =	swait.ge [sflag:s3], $0x1000  }
0xa2: {  	[sflag:s3] =	ssyncset.done $0x0  }
0xa3: {  	[sflag:s3] =	ssyncadd.s32 $0xFFFFF000  }
0xa4: {  	_ =	swait.ge [sflag:s16], $0x1000  }
0xa5: {  	[sflag:s16] =	ssyncset.done $0x0  }
0xa6: {  	[sflag:s16] =	ssyncadd.s32 $0xFFFFF000  }
0xa7: {  	_ =	swait.ge [sflag:s19], $0x1000  }
0xa8: {  	[sflag:s19] =	ssyncset.done $0x0  }
0xa9: {  	[sflag:s19] =	ssyncadd.s32 $0xFFFFF000  }
0xaa: {  	_ =	swait.ge [sflag:s21], $0x1000  }
0xab: {  	[sflag:s21] =	ssyncset.done $0x0  }
0xac: {  	s30 =	simm.s32 $0x16780;
	s0 =	sadd.s32 $0x1, s0;
	[sflag:s21] =	ssyncadd.s32 $0xFFFFF000  }
0xad: {  	[spmem:s1] =	stream.indirect.scatter.add.f32 [tilespmem:s20], [sflag:$0xA], $0x80, s30, s13, $0xb8;
	[tilespmem:$0x1E800] =	vst v63  }
0xae: {  	p0 =	sne.s32 s0, $0xA;
	_ =	swait.ge [sflag:s23], $0x4000  }
.Ltmp1:
0xaf: {  	[sflag:s23] =	ssyncset.done $0x0;
	(pc) =	sbr.rel @p0 .LBB2_2-.Ltmp1, $4  }
0xb0: {  	[sflag:s23] =	ssyncadd.s32 $0xFFFFC000  }
0xb1: {  	_ =	swait.ge [sflag:s25], $0x4000  }
0xb2: {  	[sflag:s25] =	ssyncset.done $0x0  }
0xb3: {  	[sflag:s25] =	ssyncadd.s32 $0xFFFFC000  }
0xb4: {  	[bflag:$0x0] =	sbarrier.arrive $0xFFFF  }
0xb5: {  	s30 =	rddreg [dreg:$0x7]  }
0xb6: {  	s0 =	rddreg [dreg:$0x8]  }
0xb7: {  	s5 =	rddreg [dreg:$0xa]  }
0xb8: {  	[hbm:s0], [sflag:s30] =	dma.local [spmem:s5], $0x2800  }
0xb9: {  	_ =	swait.ge [sflag:s14], $0x2800  }
0xba: {  	s28 =	rddreg [dreg:$0x3]  }
0xbb: {  	s6 =	rddreg [dreg:$0x9];
	s28 =	sadd.s32 $0x1, s28  }
0xbc: {  	p0 =	sne.s32 s28, s6  }
.Ltmp2:
0xbd: {  	_ = 	snop;
	(pc) =	sbr.rel @p0 .LBB2_1-.Ltmp2, $3  }
0xbe: {  	_ =	sdelay $0x1  }
0xbf: {  	[sflag:s14] =	ssyncset.done $0x0  }
0xc0: {  	[sflag:s14] =	ssyncadd.s32 $0xFFFFD800  }
0xc1: {  	_ =	sfence.sel $0x180000  }
0xc2: {  	[bflag:$0x0] =	sbarrier.arrive $0xFFFF  }
0xc3: {  	_ =	strace $0x9000004A  }
0xc4: {  	s0 =	stileid.u32;
	[bflag:$0x2] =	sbarrier.arrive $0xFFFF  }
0xc5: {  	p0 =	sne.s32 s0, $0x0;
	s0 =	rddreg [dreg:$0x2]  }
0xc6: {  	s0 =	sadd.s32 @!p0 $0x100000, s0  }
0xc7: {  	[sflag:s0] =	ssyncadd.tile.s32 @!p0 $0x1;
	_ =	shalt  }
.Lfunc_end2:
_tile_overlayer_lowered:
.L_overlay_start_2:
0xc8: {  	(tag) =	ssettag $0x2  }
0xc9: {  	s0 =	rddreg [dreg:$0x0];
	s2 =	stileid.u32  }
0xca: {  	s1 =	rddreg [dreg:$0x1];
	p0 =	sne.s32 s2, $0x0  }
0xcb: {  	s3 =	rddreg [dreg:$0x2];
	[bflag:$0x3] =	sbarrier.arrive $0xFFFF;
	s2 =	simm.s32 @!p0 $0x1C0B  }
0xcc: {  	[timem:s3], [sflag:s2] =	dma.local @!p0 [hbm:s0], s1  }
0xcd: {  	s0 =	simm.s32 @!p0 $0xB  }
0xce: {  	_ =	swait.ge @!p0 [sflag:s0], s1  }
0xcf: {  	s1 =	ssub.s32 @!p0 $0x0, s1;
	[sflag:s0] =	ssyncset.done @!p0 $0x0  }
0xd0: {  	[sflag:s0] =	ssyncadd.s32 @!p0 s1  }
0xd1: {  	[bflag:$0x3] =	sbarrier.arrive $0xFFFF  }
0xd2: {  	_ =	shalt  }

// kernel: kernel.14.cloned.1.call-start
scs
__scs_entry_jumppad:
0x0: {  	(pc) =	sbr.rel $0x88, $3  }
0x1: {  	(tag) =	ssettag $0x0;
	lr =	simm.s32 $0x1  }
0x2: {  	[smem:$0x3F98] =	sst lr;
	_ =	strace $0xD0000000  }
0x3: {  	_ = 	snop  }
0x4: {  	_ = 	snop  }
0x5: {  	_ = 	snop  }
0x6: {  	_ = 	snop  }
0x7: {  	_ = 	snop  }
__scs_overlays_trampoline_lowered:
0x8: {  	[smem:$0x3FA7] =	sst s0  }
0x9: {  	[smem:$0x3FA8] =	sst s1  }
0xa: {  	[smem:$0x3FA9] =	sst s2  }
0xb: {  	[smem:$0x3FAA] =	sst s3  }
0xc: {  	[smem:$0x3FAB] =	sst s4  }
0xd: {  	[smem:$0x3FAC] =	sst s5  }
0xe: {  	[smem:$0x3FAD] =	sst s6  }
0xf: {  	[smem:$0x3FAE] =	sst s7  }
0x10: {  	[smem:$0x3FAF] =	sst s8  }
0x11: {  	[smem:$0x3FB0] =	sst s9;
	s0 =	simm.s32 @!p0 $0x0  }
0x12: {  	s1 =	sld [smem:$0x3F96];
	s0 =	simm.s32 @p0 $0x1  }
0x13: {  	[smem:$0x3FB1] =	sst s0;
	s0 =	simm.s32 @!p1 $0x0  }
0x14: {  	s2 =	sld [smem:$0x3F95];
	s0 =	simm.s32 @p1 $0x1  }
0x15: {  	[smem:$0x3FB2] =	sst s0;
	s0 =	simm.s32 @!p2 $0x0  }
0x16: {  	s3 =	sld [smem:$0x3FDB];
	s0 =	simm.s32 @p2 $0x1  }
0x17: {  	s4 =	simm.s32 $0x1BF5;
	[smem:$0x3FB4] =	sst s0  }
0x18: {  	s0 =	sld [smem:$0x3F97];
	_ =	swait.ge [sflag:s4], $0x0  }
0x19: {  	s7 =	sld [smem:$0x3F98]  }
0x1a: {  	s8 =	sadd.s32 $0xFFFFE003, lr  }
0x1b: {  	s9 =	sadd.s32 $0xFFFFFEF7, lr;
	s5 =	simm.s32 $0xFFFFFFFF;
	p2 =	slt.u32 s8, $0xFFFFF086  }
0x1c: {  	p1 =	slt.u32 s9, $0xF7A;
	s5 =	simm.s32 @!p2 $0x0  }
0x1d: {  	s5 =	simm.s32 @p1 $0x1;
	p0 =	seq.s32 s7, s2  }
0x1e: {  	s7 =	smul.u32 @!p0 $0xF7A, s2;
	p2 =	seq.s32 @!p0 s5, $0x0  }
0x1f: {  	s9 =	smul.u32 $0xF7A, s1;
	s8 =	simm.s32 @!p0 $0x1BF5;
	p2 =	por !p2, p0  }
0x20: {  	[sflag:s8] =	ssyncset.s32 @!p0 $0xFFFFF086;
	s6 =	sadd.s32 @!p0 s3, s7;
	s7 =	simm.s32 @!p0 $0x108  }
0x21: {  	s3 =	sadd.s32 s3, s9;
	s6 =	sadd.s32 @!p0 $0x88, s6;
	s7 =	simm.s32 @p2 $0x1082  }
0x22: {  	[simem:s7], [sflag:s8] =	dma.local @!p0 [hbm:s6], $0xF7A  }
0x23: {  	s9 =	sor.u32 $0xD0000000, s2;
	s6 =	simm.s32 $0x108;
	_ =	swait.ge @!p0 [sflag:s8], $0x0  }
0x24: {  	s3 =	sadd.s32 $0x88, s3;
	s6 =	simm.s32 @!p1 $0x1082;
	[sflag:s4] =	ssyncset.s32 $0xFFFFF086  }
0x25: {  	[simem:s6], [sflag:s4] =	dma.local [hbm:s3], $0xF7A  }
0x26: {  	[smem:$0x3F98] =	sst s1;
	(tag) =	ssettag s2;
	_ =	strace s9  }
0x27: {  	s1 =	sld [smem:$0x3FA8]  }
0x28: {  	s2 =	sld [smem:$0x3FA9]  }
0x29: {  	s4 =	sld [smem:$0x3FAB]  }
0x2a: {  	p0 =	seq.s32 s5, $0x0;
	s5 =	sld [smem:$0x3FAC]  }
0x2b: {  	s6 =	sld [smem:$0x3FAD]  }
0x2c: {  	s7 =	sld [smem:$0x3FAE]  }
0x2d: {  	s3 =	simm.s32 $0x108;
	s8 =	sld [smem:$0x3FAF]  }
0x2e: {  	s3 =	simm.s32 @!p0 $0x1082;
	s9 =	sld [smem:$0x3FB0]  }
0x2f: {  	lr =	sadd.s32 s0, s3;
	s0 =	sld [smem:$0x3FA7]  }
0x30: {  	s3 =	sld [smem:$0x3FAA]  }
0x31: {  	[smem:$0x3FB3] =	sst s10  }
0x32: {  	s10 =	sld [smem:$0x3FB1];
	_ =	sdelay $0x3  }
0x33: {  	p0 =	seq.s32 s10, $0x1;
	s10 =	sld [smem:$0x3FB3];
	_ =	sdelay $0x3  }
0x34: {  	[smem:$0x3FB3] =	sst s10  }
0x35: {  	s10 =	sld [smem:$0x3FB2];
	_ =	sdelay $0x3  }
0x36: {  	p1 =	seq.s32 s10, $0x1;
	s10 =	sld [smem:$0x3FB3];
	_ =	sdelay $0x3  }
0x37: {  	[smem:$0x3FB3] =	sst s10  }
0x38: {  	s10 =	sld [smem:$0x3FB4]  }
0x39: {  	_ = 	snop;
	(pc) =	sbr.ind lr, $3  }
0x3a: {  	_ = 	snop  }
0x3b: {  	_ = 	snop  }
0x3c: {  	p2 =	seq.s32 s10, $0x1;
	s10 =	sld [smem:$0x3FB3]  }
0x3d: {  	_ =	shalt  }
0x3e: {  	_ =	shalt  }
0x3f: {  	_ =	shalt  }
0x40: {  	_ =	shalt  }
0x41: {  	_ =	shalt  }
0x42: {  	_ =	shalt  }
0x43: {  	_ =	shalt  }
0x44: {  	_ =	shalt  }
0x45: {  	_ =	shalt  }
0x46: {  	_ =	shalt  }
0x47: {  	_ =	shalt  }
0x48: {  	_ =	shalt  }
0x49: {  	_ =	shalt  }
0x4a: {  	_ =	shalt  }
0x4b: {  	_ =	shalt  }
0x4c: {  	_ =	shalt  }
0x4d: {  	_ =	shalt  }
0x4e: {  	_ =	shalt  }
0x4f: {  	_ =	shalt  }
0x50: {  	_ =	shalt  }
0x51: {  	_ =	shalt  }
0x52: {  	_ =	shalt  }
0x53: {  	_ =	shalt  }
0x54: {  	_ =	shalt  }
0x55: {  	_ =	shalt  }
0x56: {  	_ =	shalt  }
0x57: {  	_ =	shalt  }
0x58: {  	_ =	shalt  }
0x59: {  	_ =	shalt  }
0x5a: {  	_ =	shalt  }
0x5b: {  	_ =	shalt  }
0x5c: {  	_ =	shalt  }
0x5d: {  	_ =	shalt  }
0x5e: {  	_ =	shalt  }
0x5f: {  	_ =	shalt  }
0x60: {  	_ =	shalt  }
0x61: {  	_ =	shalt  }
0x62: {  	_ =	shalt  }
0x63: {  	_ =	shalt  }
0x64: {  	_ =	shalt  }
0x65: {  	_ =	shalt  }
0x66: {  	_ =	shalt  }
0x67: {  	_ =	shalt  }
0x68: {  	_ =	shalt  }
0x69: {  	_ =	shalt  }
0x6a: {  	_ =	shalt  }
0x6b: {  	_ =	shalt  }
0x6c: {  	_ =	shalt  }
0x6d: {  	_ =	shalt  }
0x6e: {  	_ =	shalt  }
0x6f: {  	_ =	shalt  }
0x70: {  	_ =	shalt  }
0x71: {  	_ =	shalt  }
0x72: {  	_ =	shalt  }
0x73: {  	_ =	shalt  }
0x74: {  	_ =	shalt  }
0x75: {  	_ =	shalt  }
0x76: {  	_ =	shalt  }
0x77: {  	_ =	shalt  }
0x78: {  	_ =	shalt  }
0x79: {  	_ =	shalt  }
0x7a: {  	_ =	shalt  }
0x7b: {  	_ =	shalt  }
0x7c: {  	_ =	shalt  }
0x7d: {  	_ =	shalt  }
0x7e: {  	_ =	shalt  }
0x7f: {  	_ =	shalt  }
0x80: {  	_ =	shalt  }
0x81: {  	_ =	shalt  }
0x82: {  	_ =	shalt  }
0x83: {  	_ =	shalt  }
0x84: {  	_ =	shalt  }
0x85: {  	_ =	shalt  }
0x86: {  	_ =	shalt  }
0x87: {  	_ =	shalt  }
.Lfunc_end0:
.L_simem_size_0:
called_computation.2_lowered:
.L_overlay_start_0:
0x88: {  	s2 =	sld [smem:$0x3FD9]  }
0x89: {  	s3 =	sld [smem:$0x3FFE];
	_ =	sdelay $0x1  }
0x8a: {  	s1 =	srdreg.scid  }
0x8b: {  	s0 =	sand.u32 $0x1, s1  }
0x8c: {  	s16 =	sshll.u32 s0, $0xA;
	s2 =	sadd.s32 s3, s2  }
0x8d: {  	s2 =	sadd.s32 s2, s16  }
0x8e: {  	[smem:$0x3FBF] =	sst s2  }
0x8f: {  	_ = 	snop  }
0x90: {  	(tm) =	ssettm $0x1  }
0x91: {  	s17 =	sld [smem:$0x3FFB];
	_ =	sdelay $0x3  }
0x92: {  	_ =	strace s17  }
0x93: {  	s2 =	sld [smem:$0x3FFC];
	_ =	sdelay $0x3  }
0x94: {  	_ =	strace s2  }
0x95: {  	s2 =	sld [smem:$0x3FFD];
	_ =	sdelay $0x3  }
0x96: {  	_ =	strace s2  }
0x97: {  	_ =	strace $0x8FFFFFFF  }
0x98: {  	s18 =	sld [smem:$0x3FDB];
	_ =	sdelay $0x1  }
0x99: {  	s19 =	simm.s32 $_scs_section_size  }
0x9a: {  	s4 =	simm.s32 $_size__tile_overlayer_lowered;
	s5 =	simm.s32 $_tile_overlayer_lowered  }
0x9b: {  	s22 =	simm.s32 $0x1BFF;
	s21 =	sshll.u32 s5, $0x1;
	s2 =	sadd.s32 s19, s18  }
0x9c: {  	s6 =	simm.s32 $0x0;
	s20 =	sshll.u32 s4, $0x1;
	s4 =	sadd.s32 s21, s2  }
0x9d: {  	[timem:s6], [sflag:s22] =	dma.local [hbm:s4], s20  }
0x9e: {  	_ =	swait.ge [sflag:s22], s20  }
0x9f: {  	s3 =	ssub.s32 $0x0, s20;
	[sflag:s22] =	ssyncset.done $0x0  }
0xa0: {  	[sflag:s22] =	ssyncadd.s32 s3;
	_ =	sdelay $0x1  }
0xa1: {  	s23 =	simm.s32 $0x1B8B  }
0xa2: {  	_ =	swait.ge [sflag:s23], $0x1  }
0xa3: {  	[sflag:s23] =	ssyncset.done $0x0  }
0xa4: {  	s25 =	simm.s32 $0x1B8E;
	s24 =	sld [smem:$0x3FFE];
	[sflag:s23] =	ssyncadd.s32 $0xFFFFFFFF  }
0xa5: {  	s26 =	simm.s32 $execute0_lowered;
	[smem:$0x3FD2] =	sst s25  }
0xa6: {  	s4 =	sshll.u32 s26, $0x1;
	_ =	strace $0x8000004C;
	[dreg:$0x1] =	wrdreg $0xFFFFFFFF  }
0xa7: {  	s28 =	simm.s32 $_size_execute0_lowered;
	s2 =	sadd.s32 s2, s4;
	[dreg:$0x0] =	wrdreg $0x0  }
0xa8: {  	s4 =	sshll.u32 s28, $0x1;
	[dreg:$0x2] =	wrdreg s2  }
0xa9: {  	[dreg:$0x3] =	wrdreg s4  }
0xaa: {  	[dreg:$0x4] =	wrdreg $0xC0  }
0xab: {  	_ =	task [dreg:s6], $0x5FFFF  }
0xac: {  	[dreg:$0x1] =	wrdreg $0xFFFFFFFF  }
0xad: {  	[dreg:$0x0] =	wrdreg $0x60  }
0xae: {  	[dreg:$0x2] =	wrdreg s24  }
0xaf: {  	[dreg:$0x3] =	wrdreg $0x0  }
0xb0: {  	[dreg:$0x4] =	wrdreg $0x9  }
0xb1: {  	_ =	task.clear_ibuf [dreg:s6], $0x5FFFF;
	_ =	strace $0x9000004C  }
0xb2: {  	s29 =	simm.s32 $0x9;
	_ =	strace $0x8000004E  }
0xb3: {  	_ =	swait.ge [sflag:s29], $0x1  }
0xb4: {  	[sflag:s29] =	ssyncadd.s32 $0xFFFFFFFF  }
0xb5: {  	_ =	strace $0x9000004E  }
0xb6: {  	_ =	sfence  }
0xb7: {  	s30 =	sld [smem:$0x0];
	_ =	sdelay $0x2  }
0xb8: {  	s31 =	sshll.u32 s1, $0xD;
	s1 =	sshrl.u32 s1, $0x2  }
0xb9: {  	s3 =	sand.u32 $0x4000, s31;
	s1 =	sadd.s32 s1, s30  }
0xba: {  	s0 =	sor.u32 s3, s0;
	s1 =	sshll.u32 s1, $0x11  }
0xbb: {  	s0 =	sor.u32 s1, s0  }
0xbc: {  	s0 =	sadd.s32 $0x8F2B, s0  }
0xbd: {  	[sflag:s0] =	ssyncadd.remote.s32 $0x1  }
0xbe: {  	_ =	sfence.sel $0xFFFF  }
0xbf: {  	[dreg:$0x0] =	wrdreg $0xFFFFFFFF;
	(pc) =	sbr.abs _section_cstart, $3  }
0xc0: {  	[dreg:$0x1] =	wrdreg $0xFFFFFFFF  }
0xc1: {  	_ =	task.clear_ibuf [dreg:s6], $0x2FFFF;
	_ =	strace $0x9FFFFFFF  }
0xc2: {  	(tm) =	ssettm $0x7FFFFFFF  }
0xc3: {  	_ =	shalt  }
tec
execute0_lowered:
.L_overlay_start_1:
0x0: {  	(tag) =	ssettag $0x1  }
0x1: {  	s0 =	rddreg [dreg:$0x0]  }
0x2: {  	s1 =	rddreg [dreg:$0x1];
	s28 =	simm.s32 $0x0  }
0x3: {  	s2 =	srdreg.scid;
	s6 =	stileid.u32;
	s14 =	simm.s32 $0xB  }
0x4: {  	s15 =	simm.s32 $0x14000;
	s17 =	simm.s32 $0x20;
	s18 =	simm.s32 $0x16800  }
0x5: {  	s29 =	simm.s32 $0x1C800;
	s31 =	simm.s32 $0x19800;
	s11 =	simm.s32 $0x2  }
0x6: {  	s12 =	simm.s32 $0x3;
	s13 =	simm.s32 $0x80;
	s16 =	simm.s32 $0x6  }
0x7: {  	[smem:$0x7FF] =	sst s28;
	s2 =	sand.u32 $0x1, s2;
	s3 =	smul.u32 $0x2800, s6  }
0x8: {  	s4 =	sadd.s32 $0x4B000, s0;
	s5 =	sadd.s32 $0xEB000, s0;
	s21 =	smul.u32 $0x50000, s6  }
0x9: {  	s7 =	sadd.s32 $0x2800, s0;
	s20 =	sadd.s32 $0x48800, s0;
	s8 =	smul.u32 $0x14000, s6  }
0xa: {  	s10 =	smul.u32 $0x5000, s6;
	_ =	strace $0x8000004D;
	[dreg:$0x4] =	wrdreg s5  }
0xb: {  	s25 =	sshll.u32 s6, $0x6;
	s19 =	smul.u32 $0x28000, s2;
	[dreg:$0x5] =	wrdreg s7  }
0xc: {  	[dreg:$0x6] =	wrdreg s20;
	s22 =	ssub.s32 $0x2, s2;
	s2 =	smul.u32 $0x140000, s2  }
0xd: {  	s30 =	sor.u32 $0x1C0B, s25;
	s20 =	simm.s32 $0x1A800;
	s7 =	simm.s32 $0x1  }
0xe: {  	s25 =	simm.s32 $0xA;
	s23 =	sshrl.u32 s22, $0x1;
	s24 =	sshrl.u32 s21, $0x2  }
0xf: {  	s21 =	simm.s32 $0x8;
	[dreg:$0x7] =	wrdreg s30;
	s3 =	sadd.s32 s3, s19  }
0x10: {  	s5 =	sadd.s32 s24, s1;
	s9 =	sadd.s32 s8, s2;
	s24 =	simm.s32 $0x1B800  }
0x11: {  	s2 =	simm.s32 $0x1D800;
	s8 =	simm.s32 $0x4;
	s19 =	simm.s32 $0x7  }
0x12: {  	s0 =	sadd.s32 s3, s0;
	s3 =	ssub.s32 s22, s23;
	s5 =	sshrl.u32 s5, $0x3  }
0x13: {  	s22 =	simm.s32 $0x17800;
	s0 =	sadd.s32 $0x9B000, s0;
	[dreg:$0xa] =	wrdreg s5  }
0x14: {  	s23 =	simm.s32 $0x9;
	s26 =	smax.u32 s3, $0x1;
	[dreg:$0x8] =	wrdreg s0  }
0x15: {  	s3 =	simm.s32 $0x5;
	[dreg:$0x9] =	wrdreg s26;
	s26 =	simm.s32 $0x18800  }
.LBB2_1:
0x16: {  	[dreg:$0x3] =	wrdreg s28  }
0x17: {  	s0 =	rddreg [dreg:$0x6]  }
0x18: {  	[spmem:s5], [sflag:s30] =	dma.local [hbm:s0], $0x2800  }
0x19: {  	_ =	swait.ge [sflag:s14], $0x2800  }
0x1a: {  	[sflag:s14] =	ssyncset.done $0x0  }
0x1b: {  	[sflag:s14] =	ssyncadd.s32 $0xFFFFD800  }
0x1c: {  	s0 =	simm.s32 $0x0;
	[bflag:$0x0] =	sbarrier.arrive $0xFFFF  }
.LBB2_2:
0x1d: {  	s5 =	sshll.u32 s0, $0xD  }
0x1e: {  	s5 =	sadd.s32 s5, s9  }
0x1f: {  	s6 =	rddreg [dreg:$0x4];
	s5 =	sshrl.u32 s5, $0x3  }
0x20: {  	s28 =	simm.s32 $0x0;
	s5 =	sadd.s32 s6, s5;
	s6 =	sshll.u32 s0, $0xB  }
0x21: {  	[tilespmem:s15], [sflag:$0xB] =	stream.linear.gather [hbm4b:s5+s28], $0x2000, $0x38;
	[tilespmem:$0x1E800] =	vst v63  }
0x22: {  	s5 =	sadd.s32 s10, s6;
	_ =	swait.ge [sflag:s14], $0x2000  }
0x23: {  	s5 =	sshrl.u32 s5, $0x3;
	[sflag:s14] =	ssyncset.done $0x0;
	s6 =	rddreg [dreg:$0x5]  }
0x24: {  	[sflag:s14] =	ssyncadd.s32 $0xFFFFE000;
	s5 =	sadd.s32 s6, s5;
	s6 =	simm.s32 $0x16000  }
0x25: {  	[tilespmem:s6], [sflag:$0xB] =	stream.linear.gather [hbm4b:s5+s28], $0x800, $0x38;
	[tilespmem:$0x1E800] =	vst v63  }
0x26: {  	_ =	swait.ge [sflag:s14], $0x800  }
0x27: {  	[sflag:s14] =	ssyncset.done $0x0  }
0x28: {  	[sflag:s14] =	ssyncadd.s32 $0xFFFFF800  }
0x29: {  	[tilespmem:s18], [sflag:$0x1] =	stream.indirect.gather [hbm4b:s4+s17], $0x80, s15, s17, $0xb8;
	[tilespmem:$0x1E800] =	vst v63  }
0x2a: {  	s6 =	simm.s32 $0x14200  }
0x2b: {  	[tilespmem:s20], [sflag:$0x5] =	stream.indirect.gather [hbm4b:s4+s17], $0x80, s6, s17, $0xb8;
	[tilespmem:$0x1E800] =	vst v63  }
0x2c: {  	s6 =	simm.s32 $0x14080  }
0x2d: {  	[tilespmem:s22], [sflag:$0x2] =	stream.indirect.gather [hbm4b:s4+s17], $0x80, s6, s17, $0xb8;
	[tilespmem:$0x1E800] =	vst v63  }
0x2e: {  	s6 =	simm.s32 $0x14280  }
0x2f: {  	[tilespmem:s24], [sflag:$0x6] =	stream.indirect.gather [hbm4b:s4+s17], $0x80, s6, s17, $0xb8;
	[tilespmem:$0x1E800] =	vst v63  }
0x30: {  	s6 =	simm.s32 $0x14100  }
0x31: {  	[tilespmem:s26], [sflag:$0x3] =	stream.indirect.gather [hbm4b:s4+s17], $0x80, s6, s17, $0xb8;
	[tilespmem:$0x1E800] =	vst v63  }
0x32: {  	s6 =	simm.s32 $0x14300  }
0x33: {  	[tilespmem:s29], [sflag:$0x7] =	stream.indirect.gather [hbm4b:s4+s17], $0x80, s6, s17, $0xb8;
	[tilespmem:$0x1E800] =	vst v63  }
0x34: {  	s6 =	simm.s32 $0x14180  }
0x35: {  	[tilespmem:s31], [sflag:$0x4] =	stream.indirect.gather [hbm4b:s4+s17], $0x80, s6, s17, $0xb8;
	[tilespmem:$0x1E800] =	vst v63  }
0x36: {  	s6 =	simm.s32 $0x14380  }
0x37: {  	[tilespmem:s2], [sflag:$0x8] =	stream.indirect.gather [hbm4b:s4+s17], $0x80, s6, s17, $0xb8;
	[tilespmem:$0x1E800] =	vst v63  }
0x38: {  	_ =	swait.ge [sflag:s7], $0x1000  }
0x39: {  	[sflag:s7] =	ssyncset.done $0x0  }
0x3a: {  	[sflag:s7] =	ssyncadd.s32 $0xFFFFF000  }
0x3b: {  	_ =	swait.ge [sflag:s11], $0x1000  }
0x3c: {  	[sflag:s11] =	ssyncset.done $0x0  }
0x3d: {  	[sflag:s11] =	ssyncadd.s32 $0xFFFFF000  }
0x3e: {  	_ =	swait.ge [sflag:s12], $0x1000  }
0x3f: {  	[sflag:s12] =	ssyncset.done $0x0  }
0x40: {  	[sflag:s12] =	ssyncadd.s32 $0xFFFFF000  }
0x41: {  	_ =	swait.ge [sflag:s8], $0x1000  }
0x42: {  	[sflag:s8] =	ssyncset.done $0x0  }
0x43: {  	s6 =	simm.s32 $0x16000;
	[sflag:s8] =	ssyncadd.s32 $0xFFFFF000  }
0x44: {  	[spmem:s1] =	stream.indirect.scatter.add.f32 [tilespmem:s18], [sflag:$0x9], $0x80, s6, s13, $0xb8;
	[tilespmem:$0x1E800] =	vst v63  }
0x45: {  	_ =	swait.ge [sflag:s3], $0x1000  }
0x46: {  	[sflag:s3] =	ssyncset.done $0x0  }
0x47: {  	[sflag:s3] =	ssyncadd.s32 $0xFFFFF000  }
0x48: {  	_ =	swait.ge [sflag:s16], $0x1000  }
0x49: {  	[sflag:s16] =	ssyncset.done $0x0  }
0x4a: {  	[sflag:s16] =	ssyncadd.s32 $0xFFFFF000  }
0x4b: {  	_ =	swait.ge [sflag:s19], $0x1000  }
0x4c: {  	[sflag:s19] =	ssyncset.done $0x0  }
0x4d: {  	[sflag:s19] =	ssyncadd.s32 $0xFFFFF000  }
0x4e: {  	_ =	swait.ge [sflag:s21], $0x1000  }
0x4f: {  	[sflag:s21] =	ssyncset.done $0x0  }
0x50: {  	s6 =	simm.s32 $0x16080;
	[sflag:s21] =	ssyncadd.s32 $0xFFFFF000  }
0x51: {  	[spmem:s1] =	stream.indirect.scatter.add.f32 [tilespmem:s20], [sflag:$0xA], $0x80, s6, s13, $0xb8;
	[tilespmem:$0x1E800] =	vst v63  }
0x52: {  	_ =	swait.ge [sflag:s23], $0x4000  }
0x53: {  	[sflag:s23] =	ssyncset.done $0x0  }
0x54: {  	s6 =	simm.s32 $0x14400;
	[sflag:s23] =	ssyncadd.s32 $0xFFFFC000  }
0x55: {  	[tilespmem:s18], [sflag:$0x1] =	stream.indirect.gather [hbm4b:s4+s17], $0x80, s6, s17, $0xb8;
	[tilespmem:$0x1E800] =	vst v63  }
0x56: {  	s6 =	simm.s32 $0x14480  }
0x57: {  	[tilespmem:s22], [sflag:$0x2] =	stream.indirect.gather [hbm4b:s4+s17], $0x80, s6, s17, $0xb8;
	[tilespmem:$0x1E800] =	vst v63  }
0x58: {  	s6 =	simm.s32 $0x14500  }
0x59: {  	[tilespmem:s26], [sflag:$0x3] =	stream.indirect.gather [hbm4b:s4+s17], $0x80, s6, s17, $0xb8;
	[tilespmem:$0x1E800] =	vst v63  }
0x5a: {  	s6 =	simm.s32 $0x14580  }
0x5b: {  	[tilespmem:s31], [sflag:$0x4] =	stream.indirect.gather [hbm4b:s4+s17], $0x80, s6, s17, $0xb8;
	[tilespmem:$0x1E800] =	vst v63  }
0x5c: {  	_ =	swait.ge [sflag:s25], $0x4000  }
0x5d: {  	[sflag:s25] =	ssyncset.done $0x0  }
0x5e: {  	s6 =	simm.s32 $0x14600;
	[sflag:s25] =	ssyncadd.s32 $0xFFFFC000  }
0x5f: {  	[tilespmem:s20], [sflag:$0x5] =	stream.indirect.gather [hbm4b:s4+s17], $0x80, s6, s17, $0xb8;
	[tilespmem:$0x1E800] =	vst v63  }
0x60: {  	s30 =	simm.s32 $0x16180;
	s6 =	simm.s32 $0x14680  }
0x61: {  	[tilespmem:s24], [sflag:$0x6] =	stream.indirect.gather [hbm4b:s4+s17], $0x80, s6, s17, $0xb8;
	[tilespmem:$0x1E800] =	vst v63  }
0x62: {  	s28 =	simm.s32 $0x1000;
	s5 =	simm.s32 $0x14780;
	s6 =	simm.s32 $0x14700  }
0x63: {  	[tilespmem:s29], [sflag:$0x7] =	stream.indirect.gather [hbm4b:s4+s17], $0x80, s6, s17, $0xb8;
	[tilespmem:$0x1E800] =	vst v63  }
.LBB2_3:
0x64: {  	[tilespmem:s2], [sflag:$0x8] =	stream.indirect.gather [hbm4b:s4+s17], $0x80, s5, s17, $0xb8;
	[tilespmem:$0x1E800] =	vst v63  }
0x65: {  	s5 =	smov.u32 s28  }
0x66: {  	p0 =	sne.s32 s28, $0x6000;
	s28 =	sadd.s32 $0x1000, s28;
	_ =	swait.ge [sflag:s7], $0x1000  }
0x67: {  	[sflag:s7] =	ssyncset.done $0x0  }
0x68: {  	[sflag:s7] =	ssyncadd.s32 $0xFFFFF000  }
0x69: {  	_ =	swait.ge [sflag:s11], $0x1000  }
0x6a: {  	[sflag:s11] =	ssyncset.done $0x0  }
0x6b: {  	[sflag:s11] =	ssyncadd.s32 $0xFFFFF000  }
0x6c: {  	_ =	swait.ge [sflag:s12], $0x1000  }
0x6d: {  	[sflag:s12] =	ssyncset.done $0x0  }
0x6e: {  	[sflag:s12] =	ssyncadd.s32 $0xFFFFF000  }
0x6f: {  	_ =	swait.ge [sflag:s8], $0x1000  }
0x70: {  	[sflag:s8] =	ssyncset.done $0x0  }
0x71: {  	s6 =	sadd.s32 $0xFFFFFF80, s30;
	[sflag:s8] =	ssyncadd.s32 $0xFFFFF000  }
0x72: {  	[spmem:s1] =	stream.indirect.scatter.add.f32 [tilespmem:s18], [sflag:$0x9], $0x80, s6, s13, $0xb8;
	[tilespmem:$0x1E800] =	vst v63  }
0x73: {  	_ =	swait.ge [sflag:s3], $0x1000  }
0x74: {  	[sflag:s3] =	ssyncset.done $0x0  }
0x75: {  	[sflag:s3] =	ssyncadd.s32 $0xFFFFF000  }
0x76: {  	_ =	swait.ge [sflag:s16], $0x1000  }
0x77: {  	[sflag:s16] =	ssyncset.done $0x0  }
0x78: {  	[sflag:s16] =	ssyncadd.s32 $0xFFFFF000  }
0x79: {  	_ =	swait.ge [sflag:s19], $0x1000  }
0x7a: {  	[sflag:s19] =	ssyncset.done $0x0  }
0x7b: {  	[sflag:s19] =	ssyncadd.s32 $0xFFFFF000  }
0x7c: {  	_ =	swait.ge [sflag:s21], $0x1000  }
0x7d: {  	[sflag:s21] =	ssyncset.done $0x0  }
0x7e: {  	[sflag:s21] =	ssyncadd.s32 $0xFFFFF000  }
0x7f: {  	[spmem:s1] =	stream.indirect.scatter.add.f32 [tilespmem:s20], [sflag:$0xA], $0x80, s30, s13, $0xb8;
	[tilespmem:$0x1E800] =	vst v63  }
0x80: {  	_ =	swait.ge [sflag:s23], $0x4000  }
0x81: {  	s5 =	sshra.s32 s5, $0x2;
	[sflag:s23] =	ssyncset.done $0x0  }
0x82: {  	s6 =	sadd.s32 $0x14400, s5;
	[sflag:s23] =	ssyncadd.s32 $0xFFFFC000  }
0x83: {  	[tilespmem:s18], [sflag:$0x1] =	stream.indirect.gather [hbm4b:s4+s17], $0x80, s6, s17, $0xb8;
	[tilespmem:$0x1E800] =	vst v63  }
0x84: {  	s6 =	sadd.s32 $0x14480, s5  }
0x85: {  	[tilespmem:s22], [sflag:$0x2] =	stream.indirect.gather [hbm4b:s4+s17], $0x80, s6, s17, $0xb8;
	[tilespmem:$0x1E800] =	vst v63  }
0x86: {  	s6 =	sadd.s32 $0x14500, s5  }
0x87: {  	[tilespmem:s26], [sflag:$0x3] =	stream.indirect.gather [hbm4b:s4+s17], $0x80, s6, s17, $0xb8;
	[tilespmem:$0x1E800] =	vst v63  }
0x88: {  	s6 =	sadd.s32 $0x14580, s5  }
0x89: {  	[tilespmem:s31], [sflag:$0x4] =	stream.indirect.gather [hbm4b:s4+s17], $0x80, s6, s17, $0xb8;
	[tilespmem:$0x1E800] =	vst v63  }
0x8a: {  	_ =	swait.ge [sflag:s25], $0x4000  }
0x8b: {  	[sflag:s25] =	ssyncset.done $0x0  }
0x8c: {  	s6 =	sadd.s32 $0x14600, s5;
	[sflag:s25] =	ssyncadd.s32 $0xFFFFC000  }
0x8d: {  	[tilespmem:s20], [sflag:$0x5] =	stream.indirect.gather [hbm4b:s4+s17], $0x80, s6, s17, $0xb8;
	[tilespmem:$0x1E800] =	vst v63  }
.Ltmp0:
0x8e: {  	s6 =	sadd.s32 $0x14680, s5;
	(pc) =	sbr.rel @p0 .LBB2_3-.Ltmp0, $4  }
0x8f: {  	[tilespmem:s24], [sflag:$0x6] =	stream.indirect.gather [hbm4b:s4+s17], $0x80, s6, s17, $0xb8;
	[tilespmem:$0x1E800] =	vst v63  }
0x90: {  	s6 =	sadd.s32 $0x14700, s5  }
0x91: {  	[tilespmem:s29], [sflag:$0x7] =	stream.indirect.gather [hbm4b:s4+s17], $0x80, s6, s17, $0xb8;
	[tilespmem:$0x1E800] =	vst v63  }
0x92: {  	s30 =	sadd.s32 $0x100, s30;
	s5 =	sadd.s32 $0x14780, s5  }
0x93: {  	[tilespmem:s2], [sflag:$0x8] =	stream.indirect.gather [hbm4b:s4+s17], $0x80, s5, s17, $0xb8;
	[tilespmem:$0x1E800] =	vst v63  }
0x94: {  	_ =	swait.ge [sflag:s7], $0x1000  }
0x95: {  	[sflag:s7] =	ssyncset.done $0x0  }
0x96: {  	[sflag:s7] =	ssyncadd.s32 $0xFFFFF000  }
0x97: {  	_ =	swait.ge [sflag:s11], $0x1000  }
0x98: {  	[sflag:s11] =	ssyncset.done $0x0  }
0x99: {  	[sflag:s11] =	ssyncadd.s32 $0xFFFFF000  }
0x9a: {  	_ =	swait.ge [sflag:s12], $0x1000  }
0x9b: {  	[sflag:s12] =	ssyncset.done $0x0  }
0x9c: {  	[sflag:s12] =	ssyncadd.s32 $0xFFFFF000  }
0x9d: {  	_ =	swait.ge [sflag:s8], $0x1000  }
0x9e: {  	[sflag:s8] =	ssyncset.done $0x0  }
0x9f: {  	s28 =	simm.s32 $0x16700;
	[sflag:s8] =	ssyncadd.s32 $0xFFFFF000  }
0xa0: {  	[spmem:s1] =	stream.indirect.scatter.add.f32 [tilespmem:s18], [sflag:$0x9], $0x80, s28, s13, $0xb8;
	[tilespmem:$0x1E800] =	vst v63  }
0xa1: {  	_ =	swait.ge [sflag:s3], $0x1000  }
0xa2: {  	[sflag:s3] =	ssyncset.done $0x0  }
0xa3: {  	[sflag:s3] =	ssyncadd.s32 $0xFFFFF000  }
0xa4: {  	_ =	swait.ge [sflag:s16], $0x1000  }
0xa5: {  	[sflag:s16] =	ssyncset.done $0x0  }
0xa6: {  	[sflag:s16] =	ssyncadd.s32 $0xFFFFF000  }
0xa7: {  	_ =	swait.ge [sflag:s19], $0x1000  }
0xa8: {  	[sflag:s19] =	ssyncset.done $0x0  }
0xa9: {  	[sflag:s19] =	ssyncadd.s32 $0xFFFFF000  }
0xaa: {  	_ =	swait.ge [sflag:s21], $0x1000  }
0xab: {  	[sflag:s21] =	ssyncset.done $0x0  }
0xac: {  	s30 =	simm.s32 $0x16780;
	s0 =	sadd.s32 $0x1, s0;
	[sflag:s21] =	ssyncadd.s32 $0xFFFFF000  }
0xad: {  	[spmem:s1] =	stream.indirect.scatter.add.f32 [tilespmem:s20], [sflag:$0xA], $0x80, s30, s13, $0xb8;
	[tilespmem:$0x1E800] =	vst v63  }
0xae: {  	p0 =	sne.s32 s0, $0xA;
	_ =	swait.ge [sflag:s23], $0x4000  }
.Ltmp1:
0xaf: {  	[sflag:s23] =	ssyncset.done $0x0;
	(pc) =	sbr.rel @p0 .LBB2_2-.Ltmp1, $4  }
0xb0: {  	[sflag:s23] =	ssyncadd.s32 $0xFFFFC000  }
0xb1: {  	_ =	swait.ge [sflag:s25], $0x4000  }
0xb2: {  	[sflag:s25] =	ssyncset.done $0x0  }
0xb3: {  	[sflag:s25] =	ssyncadd.s32 $0xFFFFC000  }
0xb4: {  	[bflag:$0x0] =	sbarrier.arrive $0xFFFF  }
0xb5: {  	s30 =	rddreg [dreg:$0x7]  }
0xb6: {  	s0 =	rddreg [dreg:$0x8]  }
0xb7: {  	s5 =	rddreg [dreg:$0xa]  }
0xb8: {  	[hbm:s0], [sflag:s30] =	dma.local [spmem:s5], $0x2800  }
0xb9: {  	_ =	swait.ge [sflag:s14], $0x2800  }
0xba: {  	s28 =	rddreg [dreg:$0x3]  }
0xbb: {  	s6 =	rddreg [dreg:$0x9];
	s28 =	sadd.s32 $0x1, s28  }
0xbc: {  	p0 =	sne.s32 s28, s6  }
.Ltmp2:
0xbd: {  	_ = 	snop;
	(pc) =	sbr.rel @p0 .LBB2_1-.Ltmp2, $3  }
0xbe: {  	_ =	sdelay $0x1  }
0xbf: {  	[sflag:s14] =	ssyncset.done $0x0  }
0xc0: {  	[sflag:s14] =	ssyncadd.s32 $0xFFFFD800  }
0xc1: {  	_ =	sfence.sel $0x180000  }
0xc2: {  	[bflag:$0x0] =	sbarrier.arrive $0xFFFF  }
0xc3: {  	_ =	strace $0x9000004D  }
0xc4: {  	s0 =	stileid.u32;
	[bflag:$0x2] =	sbarrier.arrive $0xFFFF  }
0xc5: {  	p0 =	sne.s32 s0, $0x0;
	s0 =	rddreg [dreg:$0x2]  }
0xc6: {  	s0 =	sadd.s32 @!p0 $0x100000, s0  }
0xc7: {  	[sflag:s0] =	ssyncadd.tile.s32 @!p0 $0x1;
	_ =	shalt  }
.Lfunc_end2:
_tile_overlayer_lowered:
.L_overlay_start_2:
0xc8: {  	(tag) =	ssettag $0x2  }
0xc9: {  	s0 =	rddreg [dreg:$0x0];
	s2 =	stileid.u32  }
0xca: {  	s1 =	rddreg [dreg:$0x1];
	p0 =	sne.s32 s2, $0x0  }
0xcb: {  	s3 =	rddreg [dreg:$0x2];
	[bflag:$0x3] =	sbarrier.arrive $0xFFFF;
	s2 =	simm.s32 @!p0 $0x1C0B  }
0xcc: {  	[timem:s3], [sflag:s2] =	dma.local @!p0 [hbm:s0], s1  }
0xcd: {  	s0 =	simm.s32 @!p0 $0xB  }
0xce: {  	_ =	swait.ge @!p0 [sflag:s0], s1  }
0xcf: {  	s1 =	ssub.s32 @!p0 $0x0, s1;
	[sflag:s0] =	ssyncset.done @!p0 $0x0  }
0xd0: {  	[sflag:s0] =	ssyncadd.s32 @!p0 s1  }
0xd1: {  	[bflag:$0x3] =	sbarrier.arrive $0xFFFF  }
0xd2: {  	_ =	shalt  }

// kernel: kernel.8.cloned.1.call-start
scs
__scs_entry_jumppad:
0x0: {  	(pc) =	sbr.rel $0x88, $3  }
0x1: {  	(tag) =	ssettag $0x0;
	lr =	simm.s32 $0x1  }
0x2: {  	[smem:$0x3F98] =	sst lr;
	_ =	strace $0xD0000000  }
0x3: {  	_ = 	snop  }
0x4: {  	_ = 	snop  }
0x5: {  	_ = 	snop  }
0x6: {  	_ = 	snop  }
0x7: {  	_ = 	snop  }
__scs_overlays_trampoline_lowered:
0x8: {  	[smem:$0x3FA7] =	sst s0  }
0x9: {  	[smem:$0x3FA8] =	sst s1  }
0xa: {  	[smem:$0x3FA9] =	sst s2  }
0xb: {  	[smem:$0x3FAA] =	sst s3  }
0xc: {  	[smem:$0x3FAB] =	sst s4  }
0xd: {  	[smem:$0x3FAC] =	sst s5  }
0xe: {  	[smem:$0x3FAD] =	sst s6  }
0xf: {  	[smem:$0x3FAE] =	sst s7  }
0x10: {  	[smem:$0x3FAF] =	sst s8  }
0x11: {  	[smem:$0x3FB0] =	sst s9;
	s0 =	simm.s32 @!p0 $0x0  }
0x12: {  	s1 =	sld [smem:$0x3F96];
	s0 =	simm.s32 @p0 $0x1  }
0x13: {  	[smem:$0x3FB1] =	sst s0;
	s0 =	simm.s32 @!p1 $0x0  }
0x14: {  	s2 =	sld [smem:$0x3F95];
	s0 =	simm.s32 @p1 $0x1  }
0x15: {  	[smem:$0x3FB2] =	sst s0;
	s0 =	simm.s32 @!p2 $0x0  }
0x16: {  	s3 =	sld [smem:$0x3FDB];
	s0 =	simm.s32 @p2 $0x1  }
0x17: {  	s4 =	simm.s32 $0x1BF5;
	[smem:$0x3FB4] =	sst s0  }
0x18: {  	s0 =	sld [smem:$0x3F97];
	_ =	swait.ge [sflag:s4], $0x0  }
0x19: {  	s7 =	sld [smem:$0x3F98]  }
0x1a: {  	s8 =	sadd.s32 $0xFFFFE003, lr  }
0x1b: {  	s9 =	sadd.s32 $0xFFFFFEF7, lr;
	s5 =	simm.s32 $0xFFFFFFFF;
	p2 =	slt.u32 s8, $0xFFFFF086  }
0x1c: {  	p1 =	slt.u32 s9, $0xF7A;
	s5 =	simm.s32 @!p2 $0x0  }
0x1d: {  	s5 =	simm.s32 @p1 $0x1;
	p0 =	seq.s32 s7, s2  }
0x1e: {  	s7 =	smul.u32 @!p0 $0xF7A, s2;
	p2 =	seq.s32 @!p0 s5, $0x0  }
0x1f: {  	s9 =	smul.u32 $0xF7A, s1;
	s8 =	simm.s32 @!p0 $0x1BF5;
	p2 =	por !p2, p0  }
0x20: {  	[sflag:s8] =	ssyncset.s32 @!p0 $0xFFFFF086;
	s6 =	sadd.s32 @!p0 s3, s7;
	s7 =	simm.s32 @!p0 $0x108  }
0x21: {  	s3 =	sadd.s32 s3, s9;
	s6 =	sadd.s32 @!p0 $0x88, s6;
	s7 =	simm.s32 @p2 $0x1082  }
0x22: {  	[simem:s7], [sflag:s8] =	dma.local @!p0 [hbm:s6], $0xF7A  }
0x23: {  	s9 =	sor.u32 $0xD0000000, s2;
	s6 =	simm.s32 $0x108;
	_ =	swait.ge @!p0 [sflag:s8], $0x0  }
0x24: {  	s3 =	sadd.s32 $0x88, s3;
	s6 =	simm.s32 @!p1 $0x1082;
	[sflag:s4] =	ssyncset.s32 $0xFFFFF086  }
0x25: {  	[simem:s6], [sflag:s4] =	dma.local [hbm:s3], $0xF7A  }
0x26: {  	[smem:$0x3F98] =	sst s1;
	(tag) =	ssettag s2;
	_ =	strace s9  }
0x27: {  	s1 =	sld [smem:$0x3FA8]  }
0x28: {  	s2 =	sld [smem:$0x3FA9]  }
0x29: {  	s4 =	sld [smem:$0x3FAB]  }
0x2a: {  	p0 =	seq.s32 s5, $0x0;
	s5 =	sld [smem:$0x3FAC]  }
0x2b: {  	s6 =	sld [smem:$0x3FAD]  }
0x2c: {  	s7 =	sld [smem:$0x3FAE]  }
0x2d: {  	s3 =	simm.s32 $0x108;
	s8 =	sld [smem:$0x3FAF]  }
0x2e: {  	s3 =	simm.s32 @!p0 $0x1082;
	s9 =	sld [smem:$0x3FB0]  }
0x2f: {  	lr =	sadd.s32 s0, s3;
	s0 =	sld [smem:$0x3FA7]  }
0x30: {  	s3 =	sld [smem:$0x3FAA]  }
0x31: {  	[smem:$0x3FB3] =	sst s10  }
0x32: {  	s10 =	sld [smem:$0x3FB1];
	_ =	sdelay $0x3  }
0x33: {  	p0 =	seq.s32 s10, $0x1;
	s10 =	sld [smem:$0x3FB3];
	_ =	sdelay $0x3  }
0x34: {  	[smem:$0x3FB3] =	sst s10  }
0x35: {  	s10 =	sld [smem:$0x3FB2];
	_ =	sdelay $0x3  }
0x36: {  	p1 =	seq.s32 s10, $0x1;
	s10 =	sld [smem:$0x3FB3];
	_ =	sdelay $0x3  }
0x37: {  	[smem:$0x3FB3] =	sst s10  }
0x38: {  	s10 =	sld [smem:$0x3FB4]  }
0x39: {  	_ = 	snop;
	(pc) =	sbr.ind lr, $3  }
0x3a: {  	_ = 	snop  }
0x3b: {  	_ = 	snop  }
0x3c: {  	p2 =	seq.s32 s10, $0x1;
	s10 =	sld [smem:$0x3FB3]  }
0x3d: {  	_ =	shalt  }
0x3e: {  	_ =	shalt  }
0x3f: {  	_ =	shalt  }
0x40: {  	_ =	shalt  }
0x41: {  	_ =	shalt  }
0x42: {  	_ =	shalt  }
0x43: {  	_ =	shalt  }
0x44: {  	_ =	shalt  }
0x45: {  	_ =	shalt  }
0x46: {  	_ =	shalt  }
0x47: {  	_ =	shalt  }
0x48: {  	_ =	shalt  }
0x49: {  	_ =	shalt  }
0x4a: {  	_ =	shalt  }
0x4b: {  	_ =	shalt  }
0x4c: {  	_ =	shalt  }
0x4d: {  	_ =	shalt  }
0x4e: {  	_ =	shalt  }
0x4f: {  	_ =	shalt  }
0x50: {  	_ =	shalt  }
0x51: {  	_ =	shalt  }
0x52: {  	_ =	shalt  }
0x53: {  	_ =	shalt  }
0x54: {  	_ =	shalt  }
0x55: {  	_ =	shalt  }
0x56: {  	_ =	shalt  }
0x57: {  	_ =	shalt  }
0x58: {  	_ =	shalt  }
0x59: {  	_ =	shalt  }
0x5a: {  	_ =	shalt  }
0x5b: {  	_ =	shalt  }
0x5c: {  	_ =	shalt  }
0x5d: {  	_ =	shalt  }
0x5e: {  	_ =	shalt  }
0x5f: {  	_ =	shalt  }
0x60: {  	_ =	shalt  }
0x61: {  	_ =	shalt  }
0x62: {  	_ =	shalt  }
0x63: {  	_ =	shalt  }
0x64: {  	_ =	shalt  }
0x65: {  	_ =	shalt  }
0x66: {  	_ =	shalt  }
0x67: {  	_ =	shalt  }
0x68: {  	_ =	shalt  }
0x69: {  	_ =	shalt  }
0x6a: {  	_ =	shalt  }
0x6b: {  	_ =	shalt  }
0x6c: {  	_ =	shalt  }
0x6d: {  	_ =	shalt  }
0x6e: {  	_ =	shalt  }
0x6f: {  	_ =	shalt  }
0x70: {  	_ =	shalt  }
0x71: {  	_ =	shalt  }
0x72: {  	_ =	shalt  }
0x73: {  	_ =	shalt  }
0x74: {  	_ =	shalt  }
0x75: {  	_ =	shalt  }
0x76: {  	_ =	shalt  }
0x77: {  	_ =	shalt  }
0x78: {  	_ =	shalt  }
0x79: {  	_ =	shalt  }
0x7a: {  	_ =	shalt  }
0x7b: {  	_ =	shalt  }
0x7c: {  	_ =	shalt  }
0x7d: {  	_ =	shalt  }
0x7e: {  	_ =	shalt  }
0x7f: {  	_ =	shalt  }
0x80: {  	_ =	shalt  }
0x81: {  	_ =	shalt  }
0x82: {  	_ =	shalt  }
0x83: {  	_ =	shalt  }
0x84: {  	_ =	shalt  }
0x85: {  	_ =	shalt  }
0x86: {  	_ =	shalt  }
0x87: {  	_ =	shalt  }
.Lfunc_end0:
.L_simem_size_0:
called_computation_lowered:
.L_overlay_start_0:
0x88: {  	s2 =	sld [smem:$0x3FD9]  }
0x89: {  	s3 =	sld [smem:$0x3FFE];
	_ =	sdelay $0x1  }
0x8a: {  	s1 =	srdreg.scid  }
0x8b: {  	s0 =	sand.u32 $0x1, s1  }
0x8c: {  	s17 =	sshll.u32 s0, $0xA;
	s2 =	sadd.s32 s3, s2  }
0x8d: {  	s2 =	sadd.s32 s2, s17  }
0x8e: {  	[smem:$0x3FBF] =	sst s2  }
0x8f: {  	_ = 	snop  }
0x90: {  	s2 =	sld [smem:$0x3FD0];
	(tm) =	ssettm $0x1  }
0x91: {  	s18 =	sld [smem:$0x3FFB];
	_ =	sdelay $0x3  }
0x92: {  	_ =	strace s18  }
0x93: {  	s3 =	sld [smem:$0x3FFC];
	_ =	sdelay $0x3  }
0x94: {  	_ =	strace s3  }
0x95: {  	s3 =	sld [smem:$0x3FFD];
	_ =	sdelay $0x3  }
0x96: {  	_ =	strace s3  }
0x97: {  	_ =	strace $0x8FFFFFFF  }
0x98: {  	s19 =	sld [smem:$0x3FDB];
	_ =	sdelay $0x1  }
0x99: {  	s4 =	simm.s32 $_scs_section_size  }
0x9a: {  	s5 =	simm.s32 $_size__tile_overlayer_lowered;
	s6 =	simm.s32 $_tile_overlayer_lowered  }
0x9b: {  	s22 =	simm.s32 $0x1BFF;
	s21 =	sshll.u32 s6, $0x1;
	s3 =	sadd.s32 s4, s19  }
0x9c: {  	s7 =	simm.s32 $0x0;
	s20 =	sshll.u32 s5, $0x1;
	s5 =	sadd.s32 s21, s3  }
0x9d: {  	[timem:s7], [sflag:s22] =	dma.local [hbm:s5], s20  }
0x9e: {  	_ =	swait.ge [sflag:s22], s20  }
0x9f: {  	s4 =	ssub.s32 $0x0, s20;
	[sflag:s22] =	ssyncset.done $0x0  }
0xa0: {  	[sflag:s22] =	ssyncadd.s32 s4;
	_ =	sdelay $0x1  }
0xa1: {  	s23 =	simm.s32 $0x1B8B  }
0xa2: {  	_ =	swait.ge [sflag:s23], $0x1  }
0xa3: {  	[sflag:s23] =	ssyncset.done $0x0  }
0xa4: {  	s25 =	simm.s32 $0x1B8E;
	s24 =	sld [smem:$0x3FFE];
	[sflag:s23] =	ssyncadd.s32 $0xFFFFFFFF  }
0xa5: {  	s26 =	simm.s32 $execute0_lowered;
	[smem:$0x3FD2] =	sst s25  }
0xa6: {  	s5 =	sshll.u32 s26, $0x1;
	_ =	strace $0x80000046;
	[dreg:$0x1] =	wrdreg $0xFFFFFFFF  }
0xa7: {  	s28 =	simm.s32 $_size_execute0_lowered;
	s3 =	sadd.s32 s3, s5;
	[dreg:$0x0] =	wrdreg $0x0  }
0xa8: {  	s5 =	sshll.u32 s28, $0x1;
	[dreg:$0x2] =	wrdreg s3  }
0xa9: {  	[dreg:$0x3] =	wrdreg s5  }
0xaa: {  	[dreg:$0x4] =	wrdreg $0xC0  }
0xab: {  	_ =	task [dreg:s7], $0x5FFFF  }
0xac: {  	[dreg:$0x1] =	wrdreg $0xFFFFFFFF  }
0xad: {  	[dreg:$0x0] =	wrdreg $0x60  }
0xae: {  	[dreg:$0x2] =	wrdreg s24  }
0xaf: {  	[dreg:$0x3] =	wrdreg s2  }
0xb0: {  	[dreg:$0x4] =	wrdreg $0x0  }
0xb1: {  	[dreg:$0x5] =	wrdreg $0x9  }
0xb2: {  	_ =	task.clear_ibuf [dreg:s7], $0x6FFFF;
	_ =	strace $0x90000046  }
0xb3: {  	s29 =	simm.s32 $0x9;
	_ =	strace $0x80000048  }
0xb4: {  	_ =	swait.ge [sflag:s29], $0x1  }
0xb5: {  	[sflag:s29] =	ssyncadd.s32 $0xFFFFFFFF  }
0xb6: {  	_ =	strace $0x90000048  }
0xb7: {  	_ =	sfence  }
0xb8: {  	s30 =	sld [smem:$0x0];
	_ =	sdelay $0x2  }
0xb9: {  	s31 =	sshll.u32 s1, $0xD;
	s1 =	sshrl.u32 s1, $0x2  }
0xba: {  	s3 =	sand.u32 $0x4000, s31;
	s1 =	sadd.s32 s1, s30  }
0xbb: {  	s0 =	sor.u32 s3, s0;
	s1 =	sshll.u32 s1, $0x11  }
0xbc: {  	s0 =	sor.u32 s1, s0  }
0xbd: {  	s0 =	sadd.s32 $0x8F2B, s0  }
0xbe: {  	[sflag:s0] =	ssyncadd.remote.s32 $0x1  }
0xbf: {  	_ =	sfence.sel $0xFFFF  }
0xc0: {  	[dreg:$0x0] =	wrdreg $0xFFFFFFFF;
	(pc) =	sbr.abs _section_cstart, $3  }
0xc1: {  	[dreg:$0x1] =	wrdreg $0xFFFFFFFF  }
0xc2: {  	_ =	task.clear_ibuf [dreg:s7], $0x2FFFF;
	_ =	strace $0x9FFFFFFF  }
0xc3: {  	(tm) =	ssettm $0x7FFFFFFF  }
tec
execute0_lowered:
.L_overlay_start_1:
0x0: {  	(tag) =	ssettag $0x1  }
0x1: {  	s0 =	rddreg [dreg:$0x0]  }
0x2: {  	s2 =	rddreg [dreg:$0x2]  }
0x3: {  	s1 =	srdreg.scid;
	s4 =	simm.s32 $0x0;
	s13 =	stileid.u32  }
0x4: {  	s28 =	simm.s32 $0x14200;
	s29 =	simm.s32 $0x14280;
	s30 =	simm.s32 $0x14300  }
0x5: {  	s31 =	simm.s32 $0x14380;
	s1 =	sand.u32 $0x1, s1;
	s6 =	smul.u32 $0x5000, s13  }
0x6: {  	[smem:$0x7FF] =	sst s4;
	s5 =	sadd.s32 $0x20800, s0;
	s15 =	smul.u32 $0x50000, s13  }
0x7: {  	s9 =	sadd.s32 $0x48800, s0;
	s12 =	sshll.u32 s13, $0x6;
	s20 =	smul.u32 $0x2800, s13  }
0x8: {  	s3 =	smul.u32 $0x50000, s1;
	_ =	strace $0x80000047;
	s7 =	sshll.u32 s1, $0x4  }
0x9: {  	[dreg:$0x4] =	wrdreg s9;
	s10 =	ssub.s32 $0x2, s1;
	p0 =	seq.s32 s1, $0x1  }
0xa: {  	s1 =	simm.s32 $0x14500;
	s9 =	simm.s32 $0x14680;
	s7 =	sor.u32 s13, s7  }
0xb: {  	s11 =	sshrl.u32 s10, $0x1;
	s3 =	sadd.s32 s6, s3;
	s14 =	sshll.u32 s7, $0x7  }
0xc: {  	s8 =	smul.u32 $0x1400, s7;
	s7 =	sshrl.u32 s15, $0x2;
	s10 =	ssub.s32 s10, s11  }
0xd: {  	s11 =	simm.s32 $0x14780;
	s15 =	simm.s32 $0x18C00;
	s3 =	sshrl.u32 s3, $0x3  }
0xe: {  	s6 =	sadd.s32 s14, s0;
	s17 =	sadd.s32 s7, s2;
	s7 =	sor.u32 $0x1C02, s12  }
0xf: {  	s21 =	smax.u32 s10, $0x1;
	s10 =	simm.s32 $0x14700;
	s12 =	simm.s32 $0x1  }
0x10: {  	s16 =	sadd.s32 s8, s0;
	s8 =	sadd.s32 s5, s8;
	[dreg:$0x8] =	wrdreg s21  }
0x11: {  	s3 =	sadd.s32 s3, s0;
	s6 =	sadd.s32 $0x1800, s6;
	[dreg:$0x5] =	wrdreg s8  }
0x12: {  	s14 =	sshrl.u32 s17, $0x3;
	s21 =	simm.s32 $0x14800;
	[dreg:$0x7] =	wrdreg s6  }
0x13: {  	s19 =	sadd.s32 $0x73000, s16;
	s6 =	simm.s32 $0xC3000;
	[dreg:$0xf] =	wrdreg s14  }
0x14: {  	s22 =	sadd.s32 $0x9B000, s16;
	s23 =	sadd.s32 $0x9B400, s16;
	[dreg:$0x6] =	wrdreg s19  }
0x15: {  	s24 =	sadd.s32 $0x9B800, s16;
	s25 =	sadd.s32 $0x9BC00, s16;
	[dreg:$0x9] =	wrdreg s22  }
0x16: {  	s26 =	sadd.s32 $0x9C000, s16;
	s18 =	sadd.s32 $0xC800, s3;
	[dreg:$0xa] =	wrdreg s23  }
0x17: {  	s3 =	simm.s32 $0x14480;
	s8 =	simm.s32 $0x14600;
	[dreg:$0xb] =	wrdreg s24  }
0x18: {  	s16 =	simm.s32 $0x0;
	s6 =	simm.s32 @!p0 $0x4B000;
	[dreg:$0xc] =	wrdreg s25  }
0x19: {  	[dreg:$0xd] =	wrdreg s26;
	s22 =	simm.s32 $0x14000;
	s23 =	simm.s32 $0x80  }
0x1a: {  	s24 =	simm.s32 $0x14080;
	s25 =	simm.s32 $0x14100;
	s0 =	sadd.s32 s6, s0  }
0x1b: {  	s26 =	simm.s32 $0x14180;
	s6 =	simm.s32 $0x14580;
	s0 =	sadd.s32 s0, s20  }
0x1c: {  	s20 =	simm.s32 $0x2;
	[dreg:$0xe] =	wrdreg s0;
	s0 =	simm.s32 $0x14400  }
.LBB2_1:
0x1d: {  	s13 =	rddreg [dreg:$0x4]  }
0x1e: {  	[spmem:s14], [sflag:s7] =	dma.local [hbm:s13], $0x2800  }
0x1f: {  	_ =	swait.ge [sflag:s20], $0x2800  }
0x20: {  	[sflag:s20] =	ssyncset.done $0x0  }
0x21: {  	[sflag:s20] =	ssyncadd.s32 $0xFFFFD800  }
0x22: {  	[bflag:$0x0] =	sbarrier.arrive $0xFFFF  }
0x23: {  	s17 =	rddreg [dreg:$0x1]  }
0x24: {  	[tilespmem:s21], [sflag:$0x2] =	stream.linear.gather [hbm4b:s17+s4], $0x4000, $0x38;
	[tilespmem:$0x1AC00] =	vst v63  }
0x25: {  	_ =	swait.ge [sflag:s20], $0x4000  }
0x26: {  	[sflag:s20] =	ssyncset.done $0x0  }
0x27: {  	s19 =	sadd.s32 $0x0, s18;
	[sflag:s20] =	ssyncadd.s32 $0xFFFFC000  }
0x28: {  	[tilespmem:s22], [sflag:$0x2] =	stream.linear.gather [hbm4b:s19+s4], $0x800, $0x38;
	[tilespmem:$0x1AC00] =	vst v63  }
0x29: {  	_ =	swait.ge [sflag:s20], $0x800  }
0x2a: {  	[sflag:s20] =	ssyncset.done $0x0  }
0x2b: {  	[sflag:s20] =	ssyncadd.s32 $0xFFFFF800  }
0x2c: {  	[spmem:s2] =	stream.indirect.scatter.add.f32 [tilespmem:s21], [sflag:$0x1], $0x80, s22, s23, $0xb8;
	[tilespmem:$0x1AC00] =	vst v63  }
0x2d: {  	_ = 	snop  }
0x2e: {  	[spmem:s2] =	stream.indirect.scatter.add.f32 [tilespmem:s21], [sflag:$0x1], $0x80, s24, s23, $0xb8;
	[tilespmem:$0x1AC00] =	vst v63  }
0x2f: {  	_ = 	snop  }
0x30: {  	[spmem:s2] =	stream.indirect.scatter.add.f32 [tilespmem:s21], [sflag:$0x1], $0x80, s25, s23, $0xb8;
	[tilespmem:$0x1AC00] =	vst v63  }
0x31: {  	_ = 	snop  }
0x32: {  	[spmem:s2] =	stream.indirect.scatter.add.f32 [tilespmem:s21], [sflag:$0x1], $0x80, s26, s23, $0xb8;
	[tilespmem:$0x1AC00] =	vst v63  }
0x33: {  	_ = 	snop  }
0x34: {  	[spmem:s2] =	stream.indirect.scatter.add.f32 [tilespmem:s21], [sflag:$0x1], $0x80, s28, s23, $0xb8;
	[tilespmem:$0x1AC00] =	vst v63  }
0x35: {  	_ = 	snop  }
0x36: {  	[spmem:s2] =	stream.indirect.scatter.add.f32 [tilespmem:s21], [sflag:$0x1], $0x80, s29, s23, $0xb8;
	[tilespmem:$0x1AC00] =	vst v63  }
0x37: {  	_ = 	snop  }
0x38: {  	[spmem:s2] =	stream.indirect.scatter.add.f32 [tilespmem:s21], [sflag:$0x1], $0x80, s30, s23, $0xb8;
	[tilespmem:$0x1AC00] =	vst v63  }
0x39: {  	_ = 	snop  }
0x3a: {  	[spmem:s2] =	stream.indirect.scatter.add.f32 [tilespmem:s21], [sflag:$0x1], $0x80, s31, s23, $0xb8;
	[tilespmem:$0x1AC00] =	vst v63  }
0x3b: {  	_ = 	snop  }
0x3c: {  	[spmem:s2] =	stream.indirect.scatter.add.f32 [tilespmem:s21], [sflag:$0x1], $0x80, s0, s23, $0xb8;
	[tilespmem:$0x1AC00] =	vst v63  }
0x3d: {  	_ = 	snop  }
0x3e: {  	[spmem:s2] =	stream.indirect.scatter.add.f32 [tilespmem:s21], [sflag:$0x1], $0x80, s3, s23, $0xb8;
	[tilespmem:$0x1AC00] =	vst v63  }
0x3f: {  	_ = 	snop  }
0x40: {  	[spmem:s2] =	stream.indirect.scatter.add.f32 [tilespmem:s21], [sflag:$0x1], $0x80, s1, s23, $0xb8;
	[tilespmem:$0x1AC00] =	vst v63  }
0x41: {  	_ = 	snop  }
0x42: {  	[spmem:s2] =	stream.indirect.scatter.add.f32 [tilespmem:s21], [sflag:$0x1], $0x80, s6, s23, $0xb8;
	[tilespmem:$0x1AC00] =	vst v63  }
0x43: {  	_ = 	snop  }
0x44: {  	[spmem:s2] =	stream.indirect.scatter.add.f32 [tilespmem:s21], [sflag:$0x1], $0x80, s8, s23, $0xb8;
	[tilespmem:$0x1AC00] =	vst v63  }
0x45: {  	_ = 	snop  }
0x46: {  	[spmem:s2] =	stream.indirect.scatter.add.f32 [tilespmem:s21], [sflag:$0x1], $0x80, s9, s23, $0xb8;
	[tilespmem:$0x1AC00] =	vst v63  }
0x47: {  	_ = 	snop  }
0x48: {  	[spmem:s2] =	stream.indirect.scatter.add.f32 [tilespmem:s21], [sflag:$0x1], $0x80, s10, s23, $0xb8;
	[tilespmem:$0x1AC00] =	vst v63  }
0x49: {  	_ = 	snop  }
0x4a: {  	[spmem:s2] =	stream.indirect.scatter.add.f32 [tilespmem:s21], [sflag:$0x1], $0x80, s11, s23, $0xb8;
	[tilespmem:$0x1AC00] =	vst v63  }
0x4b: {  	_ =	swait.ge [sflag:s12], $0x4000  }
0x4c: {  	[sflag:s12] =	ssyncset.done $0x0  }
0x4d: {  	[sflag:s12] =	ssyncadd.s32 $0xFFFFC000  }
0x4e: {  	_ =	swait.ge [sflag:s12], $0x4000  }
0x4f: {  	[sflag:s12] =	ssyncset.done $0x0  }
0x50: {  	[sflag:s12] =	ssyncadd.s32 $0xFFFFC000  }
0x51: {  	_ =	swait.ge [sflag:s12], $0x4000  }
0x52: {  	[sflag:s12] =	ssyncset.done $0x0  }
0x53: {  	[sflag:s12] =	ssyncadd.s32 $0xFFFFC000  }
0x54: {  	_ =	swait.ge [sflag:s12], $0x4000  }
0x55: {  	[sflag:s12] =	ssyncset.done $0x0  }
0x56: {  	[sflag:s12] =	ssyncadd.s32 $0xFFFFC000  }
0x57: {  	_ =	swait.ge [sflag:s12], $0x4000  }
0x58: {  	[sflag:s12] =	ssyncset.done $0x0  }
0x59: {  	[sflag:s12] =	ssyncadd.s32 $0xFFFFC000  }
0x5a: {  	_ =	swait.ge [sflag:s12], $0x4000  }
0x5b: {  	[sflag:s12] =	ssyncset.done $0x0  }
0x5c: {  	[sflag:s12] =	ssyncadd.s32 $0xFFFFC000  }
0x5d: {  	_ =	swait.ge [sflag:s12], $0x4000  }
0x5e: {  	[sflag:s12] =	ssyncset.done $0x0  }
0x5f: {  	[sflag:s12] =	ssyncadd.s32 $0xFFFFC000  }
0x60: {  	_ =	swait.ge [sflag:s12], $0x4000  }
0x61: {  	[sflag:s12] =	ssyncset.done $0x0  }
0x62: {  	[sflag:s12] =	ssyncadd.s32 $0xFFFFC000  }
0x63: {  	_ =	swait.ge [sflag:s12], $0x4000  }
0x64: {  	[sflag:s12] =	ssyncset.done $0x0  }
0x65: {  	[sflag:s12] =	ssyncadd.s32 $0xFFFFC000  }
0x66: {  	_ =	swait.ge [sflag:s12], $0x4000  }
0x67: {  	[sflag:s12] =	ssyncset.done $0x0  }
0x68: {  	[sflag:s12] =	ssyncadd.s32 $0xFFFFC000  }
0x69: {  	_ =	swait.ge [sflag:s12], $0x4000  }
0x6a: {  	[sflag:s12] =	ssyncset.done $0x0  }
0x6b: {  	[sflag:s12] =	ssyncadd.s32 $0xFFFFC000  }
0x6c: {  	_ =	swait.ge [sflag:s12], $0x4000  }
0x6d: {  	[sflag:s12] =	ssyncset.done $0x0  }
0x6e: {  	[sflag:s12] =	ssyncadd.s32 $0xFFFFC000  }
0x6f: {  	_ =	swait.ge [sflag:s12], $0x4000  }
0x70: {  	[sflag:s12] =	ssyncset.done $0x0  }
0x71: {  	[sflag:s12] =	ssyncadd.s32 $0xFFFFC000  }
0x72: {  	_ =	swait.ge [sflag:s12], $0x4000  }
0x73: {  	[sflag:s12] =	ssyncset.done $0x0  }
0x74: {  	[sflag:s12] =	ssyncadd.s32 $0xFFFFC000  }
0x75: {  	_ =	swait.ge [sflag:s12], $0x4000  }
0x76: {  	[sflag:s12] =	ssyncset.done $0x0  }
0x77: {  	[sflag:s12] =	ssyncadd.s32 $0xFFFFC000  }
0x78: {  	_ =	swait.ge [sflag:s12], $0x4000  }
0x79: {  	s13 =	simm.s32 $0x200;
	s17 =	simm.s32 $0x100;
	[sflag:s12] =	ssyncset.done $0x0  }
.LBB2_2:
0x7a: {  	s14 =	sadd.s32 s17, s18  }
0x7b: {  	[sflag:s12] =	ssyncadd.s32 $0xFFFFC000;
	s17 =	smov.u32 s13;
	s19 =	sadd.s32 $0x100, s13  }
0x7c: {  	[tilespmem:s22], [sflag:$0x2] =	stream.linear.gather [hbm4b:s14+s4], $0x800, $0x38;
	[tilespmem:$0x1AC00] =	vst v63  }
0x7d: {  	p0 =	sne.s32 s13, $0x900;
	_ =	swait.ge [sflag:s20], $0x800  }
0x7e: {  	[sflag:s20] =	ssyncset.done $0x0  }
0x7f: {  	[sflag:s20] =	ssyncadd.s32 $0xFFFFF800  }
0x80: {  	[spmem:s2] =	stream.indirect.scatter.add.f32 [tilespmem:s21], [sflag:$0x1], $0x80, s22, s23, $0xb8;
	[tilespmem:$0x1AC00] =	vst v63  }
0x81: {  	_ = 	snop  }
0x82: {  	[spmem:s2] =	stream.indirect.scatter.add.f32 [tilespmem:s21], [sflag:$0x1], $0x80, s24, s23, $0xb8;
	[tilespmem:$0x1AC00] =	vst v63  }
0x83: {  	_ = 	snop  }
0x84: {  	[spmem:s2] =	stream.indirect.scatter.add.f32 [tilespmem:s21], [sflag:$0x1], $0x80, s25, s23, $0xb8;
	[tilespmem:$0x1AC00] =	vst v63  }
0x85: {  	_ = 	snop  }
0x86: {  	[spmem:s2] =	stream.indirect.scatter.add.f32 [tilespmem:s21], [sflag:$0x1], $0x80, s26, s23, $0xb8;
	[tilespmem:$0x1AC00] =	vst v63  }
0x87: {  	_ = 	snop  }
0x88: {  	[spmem:s2] =	stream.indirect.scatter.add.f32 [tilespmem:s21], [sflag:$0x1], $0x80, s28, s23, $0xb8;
	[tilespmem:$0x1AC00] =	vst v63  }
0x89: {  	_ = 	snop  }
0x8a: {  	[spmem:s2] =	stream.indirect.scatter.add.f32 [tilespmem:s21], [sflag:$0x1], $0x80, s29, s23, $0xb8;
	[tilespmem:$0x1AC00] =	vst v63  }
0x8b: {  	_ = 	snop  }
0x8c: {  	[spmem:s2] =	stream.indirect.scatter.add.f32 [tilespmem:s21], [sflag:$0x1], $0x80, s30, s23, $0xb8;
	[tilespmem:$0x1AC00] =	vst v63  }
0x8d: {  	_ = 	snop  }
0x8e: {  	[spmem:s2] =	stream.indirect.scatter.add.f32 [tilespmem:s21], [sflag:$0x1], $0x80, s31, s23, $0xb8;
	[tilespmem:$0x1AC00] =	vst v63  }
0x8f: {  	_ = 	snop  }
0x90: {  	[spmem:s2] =	stream.indirect.scatter.add.f32 [tilespmem:s21], [sflag:$0x1], $0x80, s0, s23, $0xb8;
	[tilespmem:$0x1AC00] =	vst v63  }
0x91: {  	_ = 	snop  }
0x92: {  	[spmem:s2] =	stream.indirect.scatter.add.f32 [tilespmem:s21], [sflag:$0x1], $0x80, s3, s23, $0xb8;
	[tilespmem:$0x1AC00] =	vst v63  }
0x93: {  	_ = 	snop  }
0x94: {  	[spmem:s2] =	stream.indirect.scatter.add.f32 [tilespmem:s21], [sflag:$0x1], $0x80, s1, s23, $0xb8;
	[tilespmem:$0x1AC00] =	vst v63  }
0x95: {  	_ = 	snop  }
0x96: {  	[spmem:s2] =	stream.indirect.scatter.add.f32 [tilespmem:s21], [sflag:$0x1], $0x80, s6, s23, $0xb8;
	[tilespmem:$0x1AC00] =	vst v63  }
0x97: {  	_ = 	snop  }
0x98: {  	[spmem:s2] =	stream.indirect.scatter.add.f32 [tilespmem:s21], [sflag:$0x1], $0x80, s8, s23, $0xb8;
	[tilespmem:$0x1AC00] =	vst v63  }
0x99: {  	_ = 	snop  }
0x9a: {  	[spmem:s2] =	stream.indirect.scatter.add.f32 [tilespmem:s21], [sflag:$0x1], $0x80, s9, s23, $0xb8;
	[tilespmem:$0x1AC00] =	vst v63  }
0x9b: {  	_ = 	snop  }
0x9c: {  	[spmem:s2] =	stream.indirect.scatter.add.f32 [tilespmem:s21], [sflag:$0x1], $0x80, s10, s23, $0xb8;
	[tilespmem:$0x1AC00] =	vst v63  }
0x9d: {  	_ = 	snop  }
0x9e: {  	[spmem:s2] =	stream.indirect.scatter.add.f32 [tilespmem:s21], [sflag:$0x1], $0x80, s11, s23, $0xb8;
	[tilespmem:$0x1AC00] =	vst v63  }
0x9f: {  	_ =	swait.ge [sflag:s12], $0x4000  }
0xa0: {  	[sflag:s12] =	ssyncset.done $0x0  }
0xa1: {  	[sflag:s12] =	ssyncadd.s32 $0xFFFFC000  }
0xa2: {  	_ =	swait.ge [sflag:s12], $0x4000  }
0xa3: {  	[sflag:s12] =	ssyncset.done $0x0  }
0xa4: {  	[sflag:s12] =	ssyncadd.s32 $0xFFFFC000  }
0xa5: {  	_ =	swait.ge [sflag:s12], $0x4000  }
0xa6: {  	[sflag:s12] =	ssyncset.done $0x0  }
0xa7: {  	[sflag:s12] =	ssyncadd.s32 $0xFFFFC000  }
0xa8: {  	_ =	swait.ge [sflag:s12], $0x4000  }
0xa9: {  	[sflag:s12] =	ssyncset.done $0x0  }
0xaa: {  	[sflag:s12] =	ssyncadd.s32 $0xFFFFC000  }
0xab: {  	_ =	swait.ge [sflag:s12], $0x4000  }
0xac: {  	[sflag:s12] =	ssyncset.done $0x0  }
0xad: {  	[sflag:s12] =	ssyncadd.s32 $0xFFFFC000  }
0xae: {  	_ =	swait.ge [sflag:s12], $0x4000  }
0xaf: {  	[sflag:s12] =	ssyncset.done $0x0  }
0xb0: {  	[sflag:s12] =	ssyncadd.s32 $0xFFFFC000  }
0xb1: {  	_ =	swait.ge [sflag:s12], $0x4000  }
0xb2: {  	[sflag:s12] =	ssyncset.done $0x0  }
0xb3: {  	[sflag:s12] =	ssyncadd.s32 $0xFFFFC000  }
0xb4: {  	_ =	swait.ge [sflag:s12], $0x4000  }
0xb5: {  	[sflag:s12] =	ssyncset.done $0x0  }
0xb6: {  	[sflag:s12] =	ssyncadd.s32 $0xFFFFC000  }
0xb7: {  	_ =	swait.ge [sflag:s12], $0x4000  }
0xb8: {  	[sflag:s12] =	ssyncset.done $0x0  }
0xb9: {  	[sflag:s12] =	ssyncadd.s32 $0xFFFFC000  }
0xba: {  	_ =	swait.ge [sflag:s12], $0x4000  }
0xbb: {  	[sflag:s12] =	ssyncset.done $0x0  }
0xbc: {  	[sflag:s12] =	ssyncadd.s32 $0xFFFFC000  }
0xbd: {  	_ =	swait.ge [sflag:s12], $0x4000  }
0xbe: {  	[sflag:s12] =	ssyncset.done $0x0  }
0xbf: {  	[sflag:s12] =	ssyncadd.s32 $0xFFFFC000  }
0xc0: {  	_ =	swait.ge [sflag:s12], $0x4000  }
0xc1: {  	[sflag:s12] =	ssyncset.done $0x0  }
0xc2: {  	[sflag:s12] =	ssyncadd.s32 $0xFFFFC000  }
0xc3: {  	_ =	swait.ge [sflag:s12], $0x4000  }
0xc4: {  	[sflag:s12] =	ssyncset.done $0x0  }
0xc5: {  	[sflag:s12] =	ssyncadd.s32 $0xFFFFC000  }
0xc6: {  	_ =	swait.ge [sflag:s12], $0x4000  }
0xc7: {  	[sflag:s12] =	ssyncset.done $0x0  }
0xc8: {  	[sflag:s12] =	ssyncadd.s32 $0xFFFFC000  }
.Ltmp0:
0xc9: {  	_ =	swait.ge [sflag:s12], $0x4000;
	(pc) =	sbr.rel @p0 .LBB2_2-.Ltmp0, $4  }
0xca: {  	[sflag:s12] =	ssyncset.done $0x0  }
0xcb: {  	[sflag:s12] =	ssyncadd.s32 $0xFFFFC000  }
0xcc: {  	_ =	swait.ge [sflag:s12], $0x4000  }
0xcd: {  	s13 =	smov.u32 s19;
	[sflag:s12] =	ssyncset.done $0x0  }
0xce: {  	s13 =	sadd.s32 s17, s18;
	[sflag:s12] =	ssyncadd.s32 $0xFFFFC000  }
0xcf: {  	[tilespmem:s22], [sflag:$0x2] =	stream.linear.gather [hbm4b:s13+s4], $0x800, $0x38;
	[tilespmem:$0x1AC00] =	vst v63  }
0xd0: {  	_ =	swait.ge [sflag:s20], $0x800  }
0xd1: {  	[sflag:s20] =	ssyncset.done $0x0  }
0xd2: {  	[sflag:s20] =	ssyncadd.s32 $0xFFFFF800  }
0xd3: {  	[spmem:s2] =	stream.indirect.scatter.add.f32 [tilespmem:s21], [sflag:$0x1], $0x80, s22, s23, $0xb8;
	[tilespmem:$0x1AC00] =	vst v63  }
0xd4: {  	_ = 	snop  }
0xd5: {  	[spmem:s2] =	stream.indirect.scatter.add.f32 [tilespmem:s21], [sflag:$0x1], $0x80, s24, s23, $0xb8;
	[tilespmem:$0x1AC00] =	vst v63  }
0xd6: {  	_ = 	snop  }
0xd7: {  	[spmem:s2] =	stream.indirect.scatter.add.f32 [tilespmem:s21], [sflag:$0x1], $0x80, s25, s23, $0xb8;
	[tilespmem:$0x1AC00] =	vst v63  }
0xd8: {  	_ = 	snop  }
0xd9: {  	[spmem:s2] =	stream.indirect.scatter.add.f32 [tilespmem:s21], [sflag:$0x1], $0x80, s26, s23, $0xb8;
	[tilespmem:$0x1AC00] =	vst v63  }
0xda: {  	_ = 	snop  }
0xdb: {  	[spmem:s2] =	stream.indirect.scatter.add.f32 [tilespmem:s21], [sflag:$0x1], $0x80, s28, s23, $0xb8;
	[tilespmem:$0x1AC00] =	vst v63  }
0xdc: {  	_ = 	snop  }
0xdd: {  	[spmem:s2] =	stream.indirect.scatter.add.f32 [tilespmem:s21], [sflag:$0x1], $0x80, s29, s23, $0xb8;
	[tilespmem:$0x1AC00] =	vst v63  }
0xde: {  	_ = 	snop  }
0xdf: {  	[spmem:s2] =	stream.indirect.scatter.add.f32 [tilespmem:s21], [sflag:$0x1], $0x80, s30, s23, $0xb8;
	[tilespmem:$0x1AC00] =	vst v63  }
0xe0: {  	_ = 	snop  }
0xe1: {  	[spmem:s2] =	stream.indirect.scatter.add.f32 [tilespmem:s21], [sflag:$0x1], $0x80, s31, s23, $0xb8;
	[tilespmem:$0x1AC00] =	vst v63  }
0xe2: {  	_ = 	snop  }
0xe3: {  	[spmem:s2] =	stream.indirect.scatter.add.f32 [tilespmem:s21], [sflag:$0x1], $0x80, s0, s23, $0xb8;
	[tilespmem:$0x1AC00] =	vst v63  }
0xe4: {  	_ = 	snop  }
0xe5: {  	[spmem:s2] =	stream.indirect.scatter.add.f32 [tilespmem:s21], [sflag:$0x1], $0x80, s3, s23, $0xb8;
	[tilespmem:$0x1AC00] =	vst v63  }
0xe6: {  	_ = 	snop  }
0xe7: {  	[spmem:s2] =	stream.indirect.scatter.add.f32 [tilespmem:s21], [sflag:$0x1], $0x80, s1, s23, $0xb8;
	[tilespmem:$0x1AC00] =	vst v63  }
0xe8: {  	_ = 	snop  }
0xe9: {  	[spmem:s2] =	stream.indirect.scatter.add.f32 [tilespmem:s21], [sflag:$0x1], $0x80, s6, s23, $0xb8;
	[tilespmem:$0x1AC00] =	vst v63  }
0xea: {  	_ = 	snop  }
0xeb: {  	[spmem:s2] =	stream.indirect.scatter.add.f32 [tilespmem:s21], [sflag:$0x1], $0x80, s8, s23, $0xb8;
	[tilespmem:$0x1AC00] =	vst v63  }
0xec: {  	_ = 	snop  }
0xed: {  	[spmem:s2] =	stream.indirect.scatter.add.f32 [tilespmem:s21], [sflag:$0x1], $0x80, s9, s23, $0xb8;
	[tilespmem:$0x1AC00] =	vst v63  }
0xee: {  	_ = 	snop  }
0xef: {  	[spmem:s2] =	stream.indirect.scatter.add.f32 [tilespmem:s21], [sflag:$0x1], $0x80, s10, s23, $0xb8;
	[tilespmem:$0x1AC00] =	vst v63  }
0xf0: {  	_ = 	snop  }
0xf1: {  	[spmem:s2] =	stream.indirect.scatter.add.f32 [tilespmem:s21], [sflag:$0x1], $0x80, s11, s23, $0xb8;
	[tilespmem:$0x1AC00] =	vst v63  }
0xf2: {  	_ =	swait.ge [sflag:s12], $0x4000  }
0xf3: {  	[sflag:s12] =	ssyncset.done $0x0  }
0xf4: {  	[sflag:s12] =	ssyncadd.s32 $0xFFFFC000  }
0xf5: {  	_ =	swait.ge [sflag:s12], $0x4000  }
0xf6: {  	[sflag:s12] =	ssyncset.done $0x0  }
0xf7: {  	[sflag:s12] =	ssyncadd.s32 $0xFFFFC000  }
0xf8: {  	_ =	swait.ge [sflag:s12], $0x4000  }
0xf9: {  	[sflag:s12] =	ssyncset.done $0x0  }
0xfa: {  	[sflag:s12] =	ssyncadd.s32 $0xFFFFC000  }
0xfb: {  	_ =	swait.ge [sflag:s12], $0x4000  }
0xfc: {  	[sflag:s12] =	ssyncset.done $0x0  }
0xfd: {  	[sflag:s12] =	ssyncadd.s32 $0xFFFFC000  }
0xfe: {  	_ =	swait.ge [sflag:s12], $0x4000  }
0xff: {  	[sflag:s12] =	ssyncset.done $0x0  }
0x100: {  	[sflag:s12] =	ssyncadd.s32 $0xFFFFC000  }
0x101: {  	_ =	swait.ge [sflag:s12], $0x4000  }
0x102: {  	[sflag:s12] =	ssyncset.done $0x0  }
0x103: {  	[sflag:s12] =	ssyncadd.s32 $0xFFFFC000  }
0x104: {  	_ =	swait.ge [sflag:s12], $0x4000  }
0x105: {  	[sflag:s12] =	ssyncset.done $0x0  }
0x106: {  	[sflag:s12] =	ssyncadd.s32 $0xFFFFC000  }
0x107: {  	_ =	swait.ge [sflag:s12], $0x4000  }
0x108: {  	[sflag:s12] =	ssyncset.done $0x0  }
0x109: {  	[sflag:s12] =	ssyncadd.s32 $0xFFFFC000  }
0x10a: {  	_ =	swait.ge [sflag:s12], $0x4000  }
0x10b: {  	[sflag:s12] =	ssyncset.done $0x0  }
0x10c: {  	[sflag:s12] =	ssyncadd.s32 $0xFFFFC000  }
0x10d: {  	_ =	swait.ge [sflag:s12], $0x4000  }
0x10e: {  	[sflag:s12] =	ssyncset.done $0x0  }
0x10f: {  	[sflag:s12] =	ssyncadd.s32 $0xFFFFC000  }
0x110: {  	_ =	swait.ge [sflag:s12], $0x4000  }
0x111: {  	[sflag:s12] =	ssyncset.done $0x0  }
0x112: {  	[sflag:s12] =	ssyncadd.s32 $0xFFFFC000  }
0x113: {  	_ =	swait.ge [sflag:s12], $0x4000  }
0x114: {  	[sflag:s12] =	ssyncset.done $0x0  }
0x115: {  	[sflag:s12] =	ssyncadd.s32 $0xFFFFC000  }
0x116: {  	_ =	swait.ge [sflag:s12], $0x4000  }
0x117: {  	[sflag:s12] =	ssyncset.done $0x0  }
0x118: {  	[sflag:s12] =	ssyncadd.s32 $0xFFFFC000  }
0x119: {  	_ =	swait.ge [sflag:s12], $0x4000  }
0x11a: {  	[sflag:s12] =	ssyncset.done $0x0  }
0x11b: {  	[sflag:s12] =	ssyncadd.s32 $0xFFFFC000  }
0x11c: {  	_ =	swait.ge [sflag:s12], $0x4000  }
0x11d: {  	[sflag:s12] =	ssyncset.done $0x0  }
0x11e: {  	[sflag:s12] =	ssyncadd.s32 $0xFFFFC000  }
0x11f: {  	_ =	swait.ge [sflag:s12], $0x4000  }
0x120: {  	[sflag:s12] =	ssyncset.done $0x0;
	s19 =	rddreg [dreg:$0x5]  }
0x121: {  	s14 =	rddreg [dreg:$0x6];
	[sflag:s12] =	ssyncadd.s32 $0xFFFFC000  }
0x122: {  	[hbm:s14], [sflag:s7] =	dma.local [hbm:s19], $0x1400  }
0x123: {  	_ =	swait.ge [sflag:s20], $0x1400  }
0x124: {  	[sflag:s20] =	ssyncset.done $0x0  }
0x125: {  	s19 =	simm.s32 $0x18800;
	s17 =	rddreg [dreg:$0x7];
	[sflag:s20] =	ssyncadd.s32 $0xFFFFEC00  }
0x126: {  	[tilespmem:s19], [sflag:$0x2] =	stream.linear.gather [hbm4b:s17+s4], $0x280, $0x38;
	[tilespmem:$0x1AC00] =	vst v63  }
0x127: {  	_ =	swait.ge [sflag:s20], $0x280  }
0x128: {  	[sflag:s20] =	ssyncset.done $0x0  }
0x129: {  	s17 =	simm.s32 $0x40;
	[sflag:s20] =	ssyncadd.s32 $0xFFFFFD80  }
0x12a: {  	[tilespmem:s15], [sflag:$0x2] =	stream.indirect.gather [hbm4b:s5+s17], $0x80, s19, s17, $0xb8;
	[tilespmem:$0x1AC00] =	vst v63  }
0x12b: {  	_ =	swait.ge [sflag:s20], $0x2000  }
0x12c: {  	[sflag:s20] =	ssyncset.done $0x0  }
0x12d: {  	s14 =	rddreg [dreg:$0x9];
	[sflag:s20] =	ssyncadd.s32 $0xFFFFE000  }
0x12e: {  	[hbm4b:s14+s4] =	stream.linear.scatter [tilespmem:s15], [sflag:$0x2], $0x2000, $0x38;
	[tilespmem:$0x1AC00] =	vst v63  }
0x12f: {  	_ =	swait.ge [sflag:s20], $0x2000  }
0x130: {  	[sflag:s20] =	ssyncset.done $0x0  }
0x131: {  	s19 =	simm.s32 $0x18880;
	[sflag:s20] =	ssyncadd.s32 $0xFFFFE000  }
0x132: {  	[tilespmem:s15], [sflag:$0x2] =	stream.indirect.gather [hbm4b:s5+s17], $0x80, s19, s17, $0xb8;
	[tilespmem:$0x1AC00] =	vst v63  }
0x133: {  	_ =	swait.ge [sflag:s20], $0x2000  }
0x134: {  	[sflag:s20] =	ssyncset.done $0x0  }
0x135: {  	s14 =	rddreg [dreg:$0xa];
	[sflag:s20] =	ssyncadd.s32 $0xFFFFE000  }
0x136: {  	[hbm4b:s14+s4] =	stream.linear.scatter [tilespmem:s15], [sflag:$0x2], $0x2000, $0x38;
	[tilespmem:$0x1AC00] =	vst v63  }
0x137: {  	_ =	swait.ge [sflag:s20], $0x2000  }
0x138: {  	[sflag:s20] =	ssyncset.done $0x0  }
0x139: {  	s19 =	simm.s32 $0x18900;
	[sflag:s20] =	ssyncadd.s32 $0xFFFFE000  }
0x13a: {  	[tilespmem:s15], [sflag:$0x2] =	stream.indirect.gather [hbm4b:s5+s17], $0x80, s19, s17, $0xb8;
	[tilespmem:$0x1AC00] =	vst v63  }
0x13b: {  	_ =	swait.ge [sflag:s20], $0x2000  }
0x13c: {  	[sflag:s20] =	ssyncset.done $0x0  }
0x13d: {  	s14 =	rddreg [dreg:$0xb];
	[sflag:s20] =	ssyncadd.s32 $0xFFFFE000  }
0x13e: {  	[hbm4b:s14+s4] =	stream.linear.scatter [tilespmem:s15], [sflag:$0x2], $0x2000, $0x38;
	[tilespmem:$0x1AC00] =	vst v63  }
0x13f: {  	_ =	swait.ge [sflag:s20], $0x2000  }
0x140: {  	[sflag:s20] =	ssyncset.done $0x0  }
0x141: {  	s19 =	simm.s32 $0x18980;
	[sflag:s20] =	ssyncadd.s32 $0xFFFFE000  }
0x142: {  	[tilespmem:s15], [sflag:$0x2] =	stream.indirect.gather [hbm4b:s5+s17], $0x80, s19, s17, $0xb8;
	[tilespmem:$0x1AC00] =	vst v63  }
0x143: {  	_ =	swait.ge [sflag:s20], $0x2000  }
0x144: {  	[sflag:s20] =	ssyncset.done $0x0  }
0x145: {  	s14 =	rddreg [dreg:$0xc];
	[sflag:s20] =	ssyncadd.s32 $0xFFFFE000  }
0x146: {  	[hbm4b:s14+s4] =	stream.linear.scatter [tilespmem:s15], [sflag:$0x2], $0x2000, $0x38;
	[tilespmem:$0x1AC00] =	vst v63  }
0x147: {  	_ =	swait.ge [sflag:s20], $0x2000  }
0x148: {  	[sflag:s20] =	ssyncset.done $0x0  }
0x149: {  	s19 =	simm.s32 $0x18A00;
	[sflag:s20] =	ssyncadd.s32 $0xFFFFE000  }
0x14a: {  	[tilespmem:s15], [sflag:$0x2] =	stream.indirect.gather [hbm4b:s5+s17], $0x80, s19, s17, $0xb8;
	[tilespmem:$0x1AC00] =	vst v63  }
0x14b: {  	_ =	swait.ge [sflag:s20], $0x2000  }
0x14c: {  	[sflag:s20] =	ssyncset.done $0x0  }
0x14d: {  	s14 =	rddreg [dreg:$0xd];
	[sflag:s20] =	ssyncadd.s32 $0xFFFFE000  }
0x14e: {  	[hbm4b:s14+s4] =	stream.linear.scatter [tilespmem:s15], [sflag:$0x2], $0x2000, $0x38;
	[tilespmem:$0x1AC00] =	vst v63  }
0x14f: {  	_ =	swait.ge [sflag:s20], $0x2000  }
0x150: {  	[sflag:s20] =	ssyncset.done $0x0  }
0x151: {  	[sflag:s20] =	ssyncadd.s32 $0xFFFFE000  }
0x152: {  	[bflag:$0x0] =	sbarrier.arrive $0xFFFF  }
0x153: {  	s17 =	rddreg [dreg:$0xe]  }
0x154: {  	s14 =	rddreg [dreg:$0xf]  }
0x155: {  	[hbm:s17], [sflag:s7] =	dma.local [spmem:s14], $0x2800  }
0x156: {  	_ =	swait.ge [sflag:s20], $0x2800  }
0x157: {  	s16 =	sadd.s32 $0x1, s16;
	s19 =	rddreg [dreg:$0x8]  }
0x158: {  	p0 =	sne.s32 s16, s19  }
.Ltmp1:
0x159: {  	_ = 	snop;
	(pc) =	sbr.rel @p0 .LBB2_1-.Ltmp1, $3  }
0x15a: {  	_ =	sdelay $0x1  }
0x15b: {  	[sflag:s20] =	ssyncset.done $0x0  }
0x15c: {  	[sflag:s20] =	ssyncadd.s32 $0xFFFFD800  }
0x15d: {  	_ =	sfence.sel $0x180000  }
0x15e: {  	[bflag:$0x0] =	sbarrier.arrive $0xFFFF  }
0x15f: {  	_ =	strace $0x90000047  }
0x160: {  	s0 =	stileid.u32;
	[bflag:$0x2] =	sbarrier.arrive $0xFFFF  }
0x161: {  	p0 =	sne.s32 s0, $0x0;
	s0 =	rddreg [dreg:$0x3]  }
0x162: {  	s0 =	sadd.s32 @!p0 $0x100000, s0  }
0x163: {  	[sflag:s0] =	ssyncadd.tile.s32 @!p0 $0x1;
	_ =	shalt  }
.Lfunc_end2:
_tile_overlayer_lowered:
.L_overlay_start_2:
0x164: {  	(tag) =	ssettag $0x2  }
0x165: {  	s0 =	rddreg [dreg:$0x0];
	s2 =	stileid.u32  }
0x166: {  	s1 =	rddreg [dreg:$0x1];
	p0 =	sne.s32 s2, $0x0  }
0x167: {  	s3 =	rddreg [dreg:$0x2];
	[bflag:$0x3] =	sbarrier.arrive $0xFFFF;
	s2 =	simm.s32 @!p0 $0x1C02  }
0x168: {  	[timem:s3], [sflag:s2] =	dma.local @!p0 [hbm:s0], s1  }
0x169: {  	s0 =	simm.s32 @!p0 $0x2  }
0x16a: {  	_ =	swait.ge @!p0 [sflag:s0], s1  }
0x16b: {  	s1 =	ssub.s32 @!p0 $0x0, s1;
	[sflag:s0] =	ssyncset.done @!p0 $0x0  }
0x16c: {  	[sflag:s0] =	ssyncadd.s32 @!p0 s1  }
0x16d: {  	[bflag:$0x3] =	sbarrier.arrive $0xFFFF  }
0x16e: {  	_ =	shalt  }

</sc_bundles>
